<compile_context>
chip_gen: v7x
topology: tpu7x:2x2x1
jax: 0.10.2.dev20260603
libtpu: 0.0.44.dev20260713+nightly
codegen_flags: <defaults>
</compile_context>

<pallas_src>
import functools

import jax
import jax.numpy as jnp
from jax import lax
from jax.experimental import pallas as pl
from jax.experimental.pallas import tpu as pltpu
from jax.experimental.pallas import tpu_sc as plsc

N = 8192
C = 32
NUM_RBF = 32
M0 = 512
M1 = 128
K = 16
R0 = 0.2
R1 = 0.4

_BIGF = 1e10
_REMOVED = 3e10


def _iota2(shape, dim):
    return lax.broadcasted_iota(jnp.int32, shape, dim)


def _silu(x):
    return x * (1.0 / (1.0 + jnp.exp(-x)))


def _prep_body(pos_ref, aug_ref):
    p = pos_ref[...]
    x = p[:, 0:1]
    y = p[:, 1:2]
    z = p[:, 2:3]
    s0 = jnp.sqrt((x * x + y * y) + z * z)
    aug_ref[...] = jnp.concatenate(
        [s0, x, y, z, jnp.zeros((N, 124), jnp.float32)], axis=1)


def _prep(pos):
    return pl.pallas_call(
        _prep_body,
        out_shape=jax.ShapeDtypeStruct((N, 128), jnp.float32),
    )(pos)


def _fps_body(npts, nsel, px_ref, py_ref, pz_ref, ox_ref, oy_ref, oz_ref):
    px = px_ref[...]
    py = py_ref[...]
    pz = pz_ref[...]
    shape = px.shape
    cols = shape[1]
    lin = _iota2(shape, 0) * cols + _iota2(shape, 1)
    oshape = (8, nsel // 8)
    ocols = oshape[1]
    olin = _iota2(oshape, 0) * ocols + _iota2(oshape, 1)

    cat = jnp.concatenate([px, py, pz], axis=0)
    zc = jnp.zeros(cat.shape, jnp.float32)

    def step(i, carry):
        dist, cx, cy, cz, ax, ay, az = carry
        slot = olin == i
        ax = jnp.where(slot, cx, ax)
        ay = jnp.where(slot, cy, ay)
        az = jnp.where(slot, cz, az)
        dx = px - cx
        dy = py - cy
        dz = pz - cz
        d2 = (dx * dx + dy * dy) + dz * dz
        dist = jnp.minimum(dist, d2)
        mx = jnp.max(dist, axis=1, keepdims=True)
        mx = jnp.max(mx, axis=0, keepdims=True)
        t = jnp.where(dist == mx, lin, npts)
        t = jnp.min(t, axis=1, keepdims=True)
        cur = jnp.min(t, axis=0, keepdims=True)
        oh = lin == cur
        oh3 = jnp.concatenate([oh, oh, oh], axis=0)
        s1 = jnp.sum(jnp.where(oh3, cat, zc), axis=1, keepdims=True)
        cx = jnp.sum(s1[0:8], axis=0, keepdims=True)
        cy = jnp.sum(s1[8:16], axis=0, keepdims=True)
        cz = jnp.sum(s1[16:24], axis=0, keepdims=True)
        return dist, cx, cy, cz, ax, ay, az

    def body(i, carry):
        carry = step(4 * i, carry)
        carry = step(4 * i + 1, carry)
        carry = step(4 * i + 2, carry)
        return step(4 * i + 3, carry)

    dist0 = jnp.full(shape, 1e30, jnp.float32)
    c0x = px[0:1, 0:1]
    c0y = py[0:1, 0:1]
    c0z = pz[0:1, 0:1]
    zo = jnp.zeros(oshape, jnp.float32)
    _, _, _, _, ax, ay, az = lax.fori_loop(
        0, nsel // 4, body, (dist0, c0x, c0y, c0z, zo, zo, zo))
    ox_ref[...] = ax
    oy_ref[...] = ay
    oz_ref[...] = az


def _fps(px, py, pz, nsel):
    npts = px.shape[0] * px.shape[1]
    f = jax.ShapeDtypeStruct((8, nsel // 8), jnp.float32)
    return pl.pallas_call(
        functools.partial(_fps_body, npts, nsel),
        out_shape=(f, f, f),
    )(px, py, pz)


def _bq_body(npts, r2, cx_ref, cy_ref, cz_ref, px_ref, py_ref, pz_ref,
             idx_ref, d2_ref):
    cx = cx_ref[...]
    cy = cy_ref[...]
    cz = cz_ref[...]
    px = px_ref[...]
    py = py_ref[...]
    pz = pz_ref[...]
    dx = cx - px
    dy = cy - py
    dz = cz - pz
    d2 = (dx * dx + dy * dy) + dz * dz
    d = jnp.where(d2 <= r2, d2, _BIGF)
    nb = cx.shape[0]
    lin = _iota2((nb, npts), 1)
    lane = _iota2((nb, K), 1)
    vacc = jnp.zeros((nb, K), jnp.float32)
    iacc = jnp.zeros((nb, K), jnp.int32)
    for e in range(K):
        m = jnp.min(d, axis=1, keepdims=True)
        t = jnp.where(d == m, lin, npts)
        ix = jnp.min(t, axis=1, keepdims=True)
        vacc = jnp.where(lane == e, m, vacc)
        iacc = jnp.where(lane == e, ix, iacc)
        d = jnp.where(lin == ix, _REMOVED, d)
    valid = vacc < 1e9
    i0 = iacc[:, 0:1]
    v0 = vacc[:, 0:1]
    idx_ref[...] = jnp.where(valid, iacc, i0)
    d2_ref[...] = jnp.where(valid, vacc, v0)


def _ball_query(cx, cy, cz, px, py, pz, radius, block):
    nc = cx.shape[0]
    npts = px.shape[1]
    grid = nc // block
    cspec = pl.BlockSpec((block, 1), lambda b: (b, 0))
    pspec = pl.BlockSpec((1, npts), lambda b: (0, 0))
    ospec = pl.BlockSpec((block, K), lambda b: (b, 0))
    return pl.pallas_call(
        functools.partial(_bq_body, npts, radius * radius),
        grid=(grid,),
        in_specs=[cspec, cspec, cspec, pspec, pspec, pspec],
        out_specs=(ospec, ospec),
        out_shape=(jax.ShapeDtypeStruct((nc, K), jnp.int32),
                   jax.ShapeDtypeStruct((nc, K), jnp.float32)),
    )(cx, cy, cz, px, py, pz)


_SC_NC = 2
_SC_NS = 16
_SC_NW = _SC_NC * _SC_NS
_SC_BPW = N // _SC_NW


def _sc_gather_body(idx_hbm, tab_hbm, out_hbm, idx_v, rows_v, sem):
    wid = lax.axis_index("s") * _SC_NC + lax.axis_index("c")
    base = wid * _SC_BPW
    pltpu.sync_copy(idx_hbm.at[pl.ds(base, _SC_BPW)], idx_v)
    pltpu.async_copy(tab_hbm.at[idx_v], rows_v, sem).wait()
    pltpu.sync_copy(rows_v, out_hbm.at[pl.ds(base, _SC_BPW)])


def _sc_gather(idx, tab):
    mesh = plsc.VectorSubcoreMesh(core_axis_name="c", subcore_axis_name="s")
    k = pl.kernel(
        _sc_gather_body,
        mesh=mesh,
        out_type=jax.ShapeDtypeStruct((N, 128), jnp.float32),
        scratch_types=[
            pltpu.VMEM((_SC_BPW,), jnp.int32),
            pltpu.VMEM((_SC_BPW, 128), jnp.float32),
            pltpu.SemaphoreType.DMA,
        ],
    )
    return k(idx, tab)


def _rbf_h(d2, cutoff, wr1, wr2):
    dist = jnp.maximum(jnp.sqrt(d2), 1e-8)
    mu = _iota2((1, NUM_RBF), 1).astype(jnp.float32) * (
        cutoff / (NUM_RBF - 1))
    beta = (NUM_RBF / cutoff) ** 2
    dd = dist - mu
    rbf = jnp.exp(-beta * (dd * dd))
    a = _silu(jnp.dot(rbf, wr1, preferred_element_type=jnp.float32))
    return jnp.dot(a, wr2, preferred_element_type=jnp.float32)


def _kmax(t, m):
    acc = t[0:m, :]
    for k in range(1, K):
        acc = jnp.maximum(acc, t[k * m:(k + 1) * m, :])
    return acc


def _stage0_body(g_ref, d2_ref, wr1_ref, wr2_ref, w0s_ref, w0v_ref,
                 wms_ref, wmv_ref, out_ref):
    g = g_ref[...]
    h = _rbf_h(d2_ref[...], R0, wr1_ref[...], wr2_ref[...])
    w0s = w0s_ref[...]
    w0v = w0v_ref[...]
    fs = _kmax(h * g[:, 0:1] * w0s, M0)
    fv0 = _kmax(h * g[:, 1:2] * w0v, M0)
    fv1 = _kmax(h * g[:, 2:3] * w0v, M0)
    fv2 = _kmax(h * g[:, 3:4] * w0v, M0)
    wms = wms_ref[...]
    wmv = wmv_ref[...]
    out_ref[...] = jnp.concatenate([
        jnp.dot(fs, wms, preferred_element_type=jnp.float32),
        jnp.dot(fv0, wmv, preferred_element_type=jnp.float32),
        jnp.dot(fv1, wmv, preferred_element_type=jnp.float32),
        jnp.dot(fv2, wmv, preferred_element_type=jnp.float32),
    ], axis=1)


def _stage0(gn, d2, p):
    return pl.pallas_call(
        _stage0_body,
        out_shape=jax.ShapeDtypeStruct((M0, 4 * C), jnp.float32),
    )(gn, d2, p['Wr1_0'], p['Wr2_0'], p['W0_s'], p['W0_v'],
      p['Wms_0'], p['Wmv_0'])


def _stage1_body(fb_ref, idx_ref, d2_ref, wr1_ref, wr2_ref, wms_ref,
                 wmv_ref, wc1_ref, bc1_ref, wc2_ref, bc2_ref, wc3_ref,
                 bc3_ref, out_ref):
    fb = fb_ref[...]
    idx = idx_ref[...]
    oh = (idx == _iota2((1, M0), 1)).astype(jnp.float32)
    g = jnp.dot(oh, fb, preferred_element_type=jnp.float32)
    h = _rbf_h(d2_ref[...], R1, wr1_ref[...], wr2_ref[...])
    fs = _kmax(h * g[:, 0:C], M1)
    fv0 = _kmax(h * g[:, C:2 * C], M1)
    fv1 = _kmax(h * g[:, 2 * C:3 * C], M1)
    fv2 = _kmax(h * g[:, 3 * C:4 * C], M1)
    wms = wms_ref[...]
    wmv = wmv_ref[...]
    fs = jnp.dot(fs, wms, preferred_element_type=jnp.float32)
    fv0 = jnp.dot(fv0, wmv, preferred_element_type=jnp.float32)
    fv1 = jnp.dot(fv1, wmv, preferred_element_type=jnp.float32)
    fv2 = jnp.dot(fv2, wmv, preferred_element_type=jnp.float32)
    vn = jnp.sqrt((fv0 * fv0 + fv1 * fv1) + fv2 * fv2)
    inv = jnp.concatenate([fs, vn], axis=1)
    gmax = jnp.max(inv, axis=0, keepdims=True)
    h1 = _silu(jnp.dot(gmax, wc1_ref[...],
                       preferred_element_type=jnp.float32) + bc1_ref[...])
    m = jnp.mean(h1, axis=1, keepdims=True)
    v = jnp.mean((h1 - m) * (h1 - m), axis=1, keepdims=True)
    h1 = (h1 - m) / jnp.sqrt(v + 1e-5)
    h2 = _silu(jnp.dot(h1, wc2_ref[...],
                       preferred_element_type=jnp.float32) + bc2_ref[...])
    m = jnp.mean(h2, axis=1, keepdims=True)
    v = jnp.mean((h2 - m) * (h2 - m), axis=1, keepdims=True)
    h2 = (h2 - m) / jnp.sqrt(v + 1e-5)
    out_ref[...] = jnp.dot(h2, wc3_ref[...],
                           preferred_element_type=jnp.float32) + bc3_ref[...]


def _stage1(fb, idx, d2, p):
    return pl.pallas_call(
        _stage1_body,
        out_shape=jax.ShapeDtypeStruct((1, 40), jnp.float32),
    )(fb, idx, d2, p['Wr1_1'], p['Wr2_1'], p['Wms_1'], p['Wmv_1'],
      p['Wc1'], p['bc1'].reshape(1, -1), p['Wc2'], p['bc2'].reshape(1, -1),
      p['Wc3'], p['bc3'].reshape(1, -1))


def kernel(pos, params):
    posT = pos.T
    px8 = posT[0].reshape(8, N // 8)
    py8 = posT[1].reshape(8, N // 8)
    pz8 = posT[2].reshape(8, N // 8)
    px1 = posT[0].reshape(1, N)
    py1 = posT[1].reshape(1, N)
    pz1 = posT[2].reshape(1, N)

    aug = _prep(pos)

    c0x, c0y, c0z = _fps(px8, py8, pz8, M0)
    idx0, d20 = _ball_query(
        c0x.reshape(M0, 1), c0y.reshape(M0, 1), c0z.reshape(M0, 1),
        px1, py1, pz1, R0, 256)

    idx0f = idx0.T.reshape(N)
    gn = _sc_gather(idx0f, aug)
    fb = _stage0(gn, d20.T.reshape(N, 1), params)

    c1x, c1y, c1z = _fps(c0x, c0y, c0z, M1)
    idx1, d21 = _ball_query(
        c1x.reshape(M1, 1), c1y.reshape(M1, 1), c1z.reshape(M1, 1),
        c0x.reshape(1, M0), c0y.reshape(1, M0), c0z.reshape(1, M0),
        R1, 128)

    out = _stage1(fb, idx1.T.reshape(K * M1, 1), d21.T.reshape(K * M1, 1),
                  params)
    return out.reshape(40)

# --- scband reference (transcript-rebuilt; emitter-appended) ---
"""Pipeline reference for scband-hierarchical-gttfn-64888365907995 (READ-ONLY COPY).

The authoritative reference and input builder live on the scoring server;
editing this copy changes nothing except your own understanding.
"""

import jax, jax.numpy as jnp
import numpy as np
from jax import lax

N = 8192
NDIM = 3
C = 32
NUM_RBF = 32
STAGE_SIZES = [512, 128]
STAGE_RADII = [0.2, 0.4]
K_LOCAL = 16
NUM_CLASSES = 40


def rbf_expand(d, cutoff):
    mu = jnp.linspace(0.0, cutoff, NUM_RBF)
    beta = (NUM_RBF / cutoff) ** 2
    return jnp.exp(-beta * (d[..., None] - mu) ** 2)


def fps(pos, n_samples):
    Np = pos.shape[0]

    def body(i, state):
        sel, dist, cur = state
        sel = sel.at[i].set(cur)
        d2 = jnp.sum((pos - pos[cur]) ** 2, axis=-1)
        dist = jnp.minimum(dist, d2)
        return (sel, dist, jnp.argmax(dist).astype(jnp.int32))

    sel0 = jnp.zeros((n_samples,), dtype=jnp.int32)
    dist0 = jnp.full((Np,), 1e30, dtype=pos.dtype)
    sel, _, _ = lax.fori_loop(0, n_samples, body, (sel0, dist0, jnp.int32(0)))
    return sel


def ball_query(pos, centers, radius, k):
    diff = centers[:, None, :] - pos[None, :, :]
    dist2 = jnp.sum(diff ** 2, axis=-1)
    within = dist2 <= radius ** 2
    masked = jnp.where(within, dist2, 1e10)
    _, idx = lax.top_k(-masked, k)
    valid = jnp.take_along_axis(within, idx, axis=1)
    fallback = jnp.broadcast_to(idx[:, :1], idx.shape)
    return jnp.where(valid, idx, fallback)


def compute_indices(pos):
    idx_all = []
    cur = pos
    for M, r in zip(STAGE_SIZES, STAGE_RADII):
        cent = fps(cur, M)
        centers = cur[cent]
        nbr = ball_query(cur, centers, r, K_LOCAL)
        idx_all.append((cent, nbr))
        cur = centers
    return idx_all


def ln(x):
    m = jnp.mean(x, axis=-1, keepdims=True)
    v = jnp.var(x, axis=-1, keepdims=True)
    return (x - m) / jnp.sqrt(v + 1e-5)


def forward_impl(pos, params, idx_all):
    s0 = jnp.linalg.norm(pos, axis=-1, keepdims=True)
    f_s = jnp.einsum('nad,ac->ncd', s0[:, None, :], params['W0_s'])
    f_v = jnp.einsum('nad,ac->ncd', pos[:, None, :], params['W0_v'])
    cur_pos = pos
    for i, (cent, nbr) in enumerate(idx_all):
        centers = cur_pos[cent]
        pos_j = cur_pos[nbr]
        diff = centers[:, None, :] - pos_j
        dist = jnp.maximum(jnp.linalg.norm(diff, axis=-1), 1e-8)
        rbf = rbf_expand(dist, STAGE_RADII[i])
        h = jax.nn.silu(rbf @ params['Wr1_%d' % i]) @ params['Wr2_%d' % i]
        fs_p = jnp.max(f_s[nbr] * h[..., None], axis=1)
        fv_p = jnp.max(f_v[nbr] * h[..., None], axis=1)
        f_s = jnp.einsum('mcd,ce->med', fs_p, params['Wms_%d' % i])
        f_v = jnp.einsum('mcd,ce->med', fv_p, params['Wmv_%d' % i])
        cur_pos = centers
    inv = jnp.concatenate([f_s[..., 0], jnp.linalg.norm(f_v, axis=-1)], axis=-1)
    g = jnp.max(inv, axis=0)
    h1 = ln(jax.nn.silu(g @ params['Wc1'] + params['bc1']))
    h2 = ln(jax.nn.silu(h1 @ params['Wc2'] + params['bc2']))
    return h2 @ params['Wc3'] + params['bc3']


def setup_inputs(seed: int = 0):
    key = jax.random.key(seed)
    ks = jax.random.split(key, 16)
    pos = jax.random.uniform(ks[0], (N, NDIM), dtype=jnp.float32)

    def w(k, shape, s=0.1):
        return jax.random.normal(k, shape, dtype=jnp.float32) * s

    params = {
        'W0_s': w(ks[1], (1, C)),
        'W0_v': w(ks[2], (1, C)),
        'Wr1_0': w(ks[3], (NUM_RBF, 64)),
        'Wr2_0': w(ks[4], (64, C)),
        'Wms_0': w(ks[5], (C, C)),
        'Wmv_0': w(ks[6], (C, C)),
        'Wr1_1': w(ks[7], (NUM_RBF, 64)),
        'Wr2_1': w(ks[8], (64, C)),
        'Wms_1': w(ks[9], (C, C)),
        'Wmv_1': w(ks[10], (C, C)),
        'Wc1': w(ks[11], (2 * C, 128)),
        'bc1': jnp.zeros((128,), dtype=jnp.float32),
        'Wc2': w(ks[12], (128, 64)),
        'bc2': jnp.zeros((64,), dtype=jnp.float32),
        'Wc3': w(ks[13], (64, NUM_CLASSES)),
        'bc3': jnp.zeros((NUM_CLASSES,), dtype=jnp.float32),
    }
    return {'pos': pos, 'params': params}


def reference(pos, params):
    idx_all = compute_indices(lax.stop_gradient(pos))
    return forward_impl(pos, params, idx_all)

if __name__ == "__main__":
    import jax
    _d = setup_inputs()
    print(jax.jit(kernel)(*tuple(_d.values())))

</pallas_src>

<mosaic_0001>
#map = affine_map<(d0, d1) -> (0)>
#map1 = affine_map<(d0, d1) -> (0, 0)>
module attributes {stable_mosaic.version = 14 : i64} {
  func.func @_sc_gather_body(%arg0: i32, %arg1: i32, %arg2: memref<8192xi32, #tpu.memory_space<hbm>>, %arg3: memref<8192x128xf32, #tpu.memory_space<hbm>>, %arg4: memref<8192x128xf32, #tpu.memory_space<hbm>>, %arg5: memref<256xi32, #tpu.memory_space<vmem>>, %arg6: memref<256x128xf32, #tpu.memory_space<vmem>>, %arg7: memref<!tpu.dma_semaphore, #tpu.memory_space<semaphore_mem>>) attributes {dimension_semantics = [#tpu.dimension_semantics<core_parallel>, #tpu.dimension_semantics<subcore_parallel>], iteration_bounds = array<i64: 2, 16>, scalar_prefetch = 0 : i64, scratch_operands = 3 : i64, tpu.core_type = #tpu.core_type<sc_vector_subcore>, window_params = [{transform_indices = #map}, {transform_indices = #map1}, {transform_indices = #map1}]} {
    %mul3A = arith.constant 2 : i32
    %mul3A_0 = arith.muli %arg1, %mul3A : i32
    %add3A = arith.addi %mul3A_0, %arg0 : i32
    %mul3A_1 = arith.constant 256 : i32
    %mul3A_2 = arith.muli %add3A, %mul3A_1 : i32
    "tpu.region"() ({
      %run_scoped3A = tpu.sem_alloc : memref<!tpu.dma_semaphore, #tpu.memory_space<semaphore_mem>>
      %dma_start3A_7 = tpu.memref_slice %arg2[%mul3A_2] : memref<8192xi32, #tpu.memory_space<hbm>> -> memref<256xi32, #tpu.memory_space<hbm>>
      %dma_start3A_8 = tpu.memref_slice %arg2[%mul3A_2] : memref<8192xi32, #tpu.memory_space<hbm>> -> memref<256xi32, #tpu.memory_space<hbm>>
      tpu.enqueue_dma source(%dma_start3A_8 : memref<256xi32, #tpu.memory_space<hbm>>) target(%arg5 : memref<256xi32, #tpu.memory_space<vmem>>) target_semaphore(%run_scoped3A : memref<!tpu.dma_semaphore, #tpu.memory_space<semaphore_mem>>)
      %dma_wait3A_9 = tpu.memref_slice %arg2[%mul3A_2] : memref<8192xi32, #tpu.memory_space<hbm>> -> memref<256xi32, #tpu.memory_space<hbm>>
      %dma_wait3A_10 = tpu.memref_slice %arg2[%mul3A_2] : memref<8192xi32, #tpu.memory_space<hbm>> -> memref<256xi32, #tpu.memory_space<hbm>>
      tpu.wait_dma2 semaphore(%run_scoped3A : memref<!tpu.dma_semaphore, #tpu.memory_space<semaphore_mem>>) src(%dma_wait3A_10 : memref<256xi32, #tpu.memory_space<hbm>>) dst(%arg5 : memref<256xi32, #tpu.memory_space<vmem>>)
      tpu.yield
    }) : () -> ()
    %dma_start3A = arith.constant 0 : i32
    %dma_start3A_3 = arith.constant 0 : i32
    %dma_start3A_4 = tpu.memref_slice %arg3[%dma_start3A, %dma_start3A_3] : memref<8192x128xf32, #tpu.memory_space<hbm>> -> memref<8192x128xf32, #tpu.memory_space<hbm>>
    tpu.enqueue_indirect_dma source(%dma_start3A_4 : memref<8192x128xf32, #tpu.memory_space<hbm>>) target(%arg6 : memref<256x128xf32, #tpu.memory_space<vmem>>) offsets(%arg5 : memref<256xi32, #tpu.memory_space<vmem>>) semaphore(%arg7 : memref<!tpu.dma_semaphore, #tpu.memory_space<semaphore_mem>>)
    %dma_wait3A = arith.constant 0 : i32
    %dma_wait3A_5 = arith.constant 0 : i32
    %dma_wait3A_6 = tpu.memref_slice %arg3[%dma_wait3A, %dma_wait3A_5] : memref<8192x128xf32, #tpu.memory_space<hbm>> -> memref<8192x128xf32, #tpu.memory_space<hbm>>
    tpu.wait_indirect_dma semaphore(%arg7 : memref<!tpu.dma_semaphore, #tpu.memory_space<semaphore_mem>>) src(%dma_wait3A_6 : memref<8192x128xf32, #tpu.memory_space<hbm>>) dst(%arg6 : memref<256x128xf32, #tpu.memory_space<vmem>>)
    "tpu.region"() ({
      %run_scoped3A = tpu.sem_alloc : memref<!tpu.dma_semaphore, #tpu.memory_space<semaphore_mem>>
      %dma_start3A_7 = arith.constant 0 : i32
      %dma_start3A_8 = tpu.memref_slice %arg4[%mul3A_2, %dma_start3A_7] : memref<8192x128xf32, #tpu.memory_space<hbm>> -> memref<256x128xf32, #tpu.memory_space<hbm>>
      %dma_start3A_9 = arith.constant 0 : i32
      %dma_start3A_10 = tpu.memref_slice %arg4[%mul3A_2, %dma_start3A_9] : memref<8192x128xf32, #tpu.memory_space<hbm>> -> memref<256x128xf32, #tpu.memory_space<hbm>>
      tpu.enqueue_dma source(%arg6 : memref<256x128xf32, #tpu.memory_space<vmem>>) target(%dma_start3A_10 : memref<256x128xf32, #tpu.memory_space<hbm>>) target_semaphore(%run_scoped3A : memref<!tpu.dma_semaphore, #tpu.memory_space<semaphore_mem>>)
      %dma_wait3A_11 = arith.constant 0 : i32
      %dma_wait3A_12 = tpu.memref_slice %arg4[%mul3A_2, %dma_wait3A_11] : memref<8192x128xf32, #tpu.memory_space<hbm>> -> memref<256x128xf32, #tpu.memory_space<hbm>>
      %dma_wait3A_13 = arith.constant 0 : i32
      %dma_wait3A_14 = tpu.memref_slice %arg4[%mul3A_2, %dma_wait3A_13] : memref<8192x128xf32, #tpu.memory_space<hbm>> -> memref<256x128xf32, #tpu.memory_space<hbm>>
      tpu.wait_dma2 semaphore(%run_scoped3A : memref<!tpu.dma_semaphore, #tpu.memory_space<semaphore_mem>>) src(%arg6 : memref<256x128xf32, #tpu.memory_space<vmem>>) dst(%dma_wait3A_14 : memref<256x128xf32, #tpu.memory_space<hbm>>)
      tpu.yield
    }) : () -> ()
    return
  }
}

module attributes {stable_mosaic.version = 14 : i64} {
  func.func @_fps_body(%arg0: memref<8x1024xf32, #tpu.memory_space<vmem>>, %arg1: memref<8x1024xf32, #tpu.memory_space<vmem>>, %arg2: memref<8x1024xf32, #tpu.memory_space<vmem>>, %arg3: memref<8x64xf32, #tpu.memory_space<vmem>>, %arg4: memref<8x64xf32, #tpu.memory_space<vmem>>, %arg5: memref<8x64xf32, #tpu.memory_space<vmem>>) attributes {dimension_semantics = [], scalar_prefetch = 0 : i64, scratch_operands = 0 : i64, tpu.core_type = #tpu.core_type<tc>} {
    %get3A = arith.constant 0 : index
    %get3A_0 = arith.constant 0 : index
    %get3A_1 = vector.load %arg0[%get3A, %get3A_0] : memref<8x1024xf32, #tpu.memory_space<vmem>>, vector<8x1024xf32>
    %get3A_2 = arith.constant 0 : index
    %get3A_3 = arith.constant 0 : index
    %get3A_4 = vector.load %arg1[%get3A_2, %get3A_3] : memref<8x1024xf32, #tpu.memory_space<vmem>>, vector<8x1024xf32>
    %get3A_5 = arith.constant 0 : index
    %get3A_6 = arith.constant 0 : index
    %get3A_7 = vector.load %arg2[%get3A_5, %get3A_6] : memref<8x1024xf32, #tpu.memory_space<vmem>>, vector<8x1024xf32>
    %iota3A = tpu.iota {dimensions = array<i32: 0>} : vector<8x1024xi32>
    %mul3A = arith.constant 1024 : i32
    %mul3A_8 = vector.broadcast %mul3A : i32 to vector<8x1024xi32>
    %mul3A_9 = arith.muli %iota3A, %mul3A_8 : vector<8x1024xi32>
    %iota3A_10 = tpu.iota {dimensions = array<i32: 1>} : vector<8x1024xi32>
    %add3A = arith.addi %mul3A_9, %iota3A_10 : vector<8x1024xi32>
    %iota3A_11 = tpu.iota {dimensions = array<i32: 0>} : vector<8x64xi32>
    %mul3A_12 = arith.constant 64 : i32
    %mul3A_13 = vector.broadcast %mul3A_12 : i32 to vector<8x64xi32>
    %mul3A_14 = arith.muli %iota3A_11, %mul3A_13 : vector<8x64xi32>
    %iota3A_15 = tpu.iota {dimensions = array<i32: 1>} : vector<8x64xi32>
    %add3A_16 = arith.addi %mul3A_14, %iota3A_15 : vector<8x64xi32>
    %concatenate3A = tpu.concatenate %get3A_1, %get3A_4, %get3A_7 in 0 : vector<8x1024xf32>, vector<8x1024xf32>, vector<8x1024xf32> -> vector<24x1024xf32>
    %broadcast_in_dim3A = arith.constant 0.000000e+00 : f32
    %broadcast_in_dim3A_17 = vector.broadcast %broadcast_in_dim3A : f32 to vector<24x1024xf32>
    %broadcast_in_dim3A_18 = arith.constant 1.000000e+30 : f32
    %broadcast_in_dim3A_19 = vector.broadcast %broadcast_in_dim3A_18 : f32 to vector<8x1024xf32>
    %slice3A = vector.extract_strided_slice %get3A_1 {offsets = [0, 0], sizes = [1, 1], strides = [1, 1]} : vector<8x1024xf32> to vector<1x1xf32>
    %slice3A_20 = vector.extract_strided_slice %get3A_4 {offsets = [0, 0], sizes = [1, 1], strides = [1, 1]} : vector<8x1024xf32> to vector<1x1xf32>
    %slice3A_21 = vector.extract_strided_slice %get3A_7 {offsets = [0, 0], sizes = [1, 1], strides = [1, 1]} : vector<8x1024xf32> to vector<1x1xf32>
    %broadcast_in_dim3A_22 = arith.constant 0.000000e+00 : f32
    %broadcast_in_dim3A_23 = vector.broadcast %broadcast_in_dim3A_22 : f32 to vector<8x64xf32>
    %scan3A = arith.constant 0 : i32
    %scan3A_24 = arith.constant 128 : i32
    %scan3A_25 = arith.addi %scan3A, %scan3A_24 : i32
    %scan3A_26 = arith.constant 1 : i32
    %scan3A_27:7 = scf.for %scan3A_37 = %scan3A to %scan3A_25 step %scan3A_26 iter_args(%scan3A_38 = %broadcast_in_dim3A_19, %scan3A_39 = %slice3A, %scan3A_40 = %slice3A_20, %scan3A_41 = %slice3A_21, %scan3A_42 = %broadcast_in_dim3A_23, %scan3A_43 = %broadcast_in_dim3A_23, %scan3A_44 = %broadcast_in_dim3A_23) -> (vector<8x1024xf32>, vector<1x1xf32>, vector<1x1xf32>, vector<1x1xf32>, vector<8x64xf32>, vector<8x64xf32>, vector<8x64xf32>)  : i32 {
      %mul3A_45 = arith.constant 4 : i32
      %mul3A_46 = arith.muli %mul3A_45, %scan3A_37 : i32
      %eq3A = vector.broadcast %mul3A_46 : i32 to vector<8x64xi32>
      %eq3A_47 = arith.cmpi eq, %add3A_16, %eq3A : vector<8x64xi32>
      %broadcast_in_dim3A_48 = vector.shape_cast %scan3A_39 : vector<1x1xf32> to vector<1x1xf32>
      %broadcast_in_dim3A_49 = vector.broadcast %broadcast_in_dim3A_48 : vector<1x1xf32> to vector<8x64xf32>
      %select_n3A = arith.select %eq3A_47, %broadcast_in_dim3A_49, %scan3A_42 : vector<8x64xi1>, vector<8x64xf32>
      %broadcast_in_dim3A_50 = vector.shape_cast %scan3A_40 : vector<1x1xf32> to vector<1x1xf32>
      %broadcast_in_dim3A_51 = vector.broadcast %broadcast_in_dim3A_50 : vector<1x1xf32> to vector<8x64xf32>
      %select_n3A_52 = arith.select %eq3A_47, %broadcast_in_dim3A_51, %scan3A_43 : vector<8x64xi1>, vector<8x64xf32>
      %broadcast_in_dim3A_53 = vector.shape_cast %scan3A_41 : vector<1x1xf32> to vector<1x1xf32>
      %broadcast_in_dim3A_54 = vector.broadcast %broadcast_in_dim3A_53 : vector<1x1xf32> to vector<8x64xf32>
      %select_n3A_55 = arith.select %eq3A_47, %broadcast_in_dim3A_54, %scan3A_44 : vector<8x64xi1>, vector<8x64xf32>
      %sub3A = vector.broadcast %scan3A_39 : vector<1x1xf32> to vector<8x1024xf32>
      %sub3A_56 = arith.subf %get3A_1, %sub3A : vector<8x1024xf32>
      %sub3A_57 = vector.broadcast %scan3A_40 : vector<1x1xf32> to vector<8x1024xf32>
      %sub3A_58 = arith.subf %get3A_4, %sub3A_57 : vector<8x1024xf32>
      %sub3A_59 = vector.broadcast %scan3A_41 : vector<1x1xf32> to vector<8x1024xf32>
      %sub3A_60 = arith.subf %get3A_7, %sub3A_59 : vector<8x1024xf32>
      %mul3A_61 = arith.mulf %sub3A_56, %sub3A_56 : vector<8x1024xf32>
      %mul3A_62 = arith.mulf %sub3A_58, %sub3A_58 : vector<8x1024xf32>
      %add3A_63 = arith.addf %mul3A_61, %mul3A_62 : vector<8x1024xf32>
      %mul3A_64 = arith.mulf %sub3A_60, %sub3A_60 : vector<8x1024xf32>
      %add3A_65 = arith.addf %add3A_63, %mul3A_64 : vector<8x1024xf32>
      %min3A = arith.minimumf %scan3A_38, %add3A_65 : vector<8x1024xf32>
      %reduce_max3A = arith.constant dense<0xFF800000> : vector<8xf32>
      %reduce_max3A_66 = vector.multi_reduction <maximumf>, %min3A, %reduce_max3A [1] : vector<8x1024xf32> to vector<8xf32>
      %broadcast_in_dim3A_67 = vector.shape_cast %reduce_max3A_66 : vector<8xf32> to vector<8x1xf32>
      %reduce_max3A_68 = arith.constant dense<0xFF800000> : vector<1xf32>
      %reduce_max3A_69 = vector.multi_reduction <maximumf>, %broadcast_in_dim3A_67, %reduce_max3A_68 [0] : vector<8x1xf32> to vector<1xf32>
      %broadcast_in_dim3A_70 = vector.shape_cast %reduce_max3A_69 : vector<1xf32> to vector<1x1xf32>
      %eq3A_71 = vector.broadcast %broadcast_in_dim3A_70 : vector<1x1xf32> to vector<8x1024xf32>
      %eq3A_72 = arith.cmpf oeq, %min3A, %eq3A_71 : vector<8x1024xf32>
      %jit3A = arith.constant 8192 : i32
      %broadcast_in_dim3A_73 = vector.broadcast %jit3A : i32 to vector<8x1024xi32>
      %select_n3A_74 = arith.select %eq3A_72, %add3A, %broadcast_in_dim3A_73 : vector<8x1024xi1>, vector<8x1024xi32>
      %reduce_min3A = arith.constant dense<2147483647> : vector<8xi32>
      %reduce_min3A_75 = vector.multi_reduction <minsi>, %select_n3A_74, %reduce_min3A [1] : vector<8x1024xi32> to vector<8xi32>
      %broadcast_in_dim3A_76 = vector.shape_cast %reduce_min3A_75 : vector<8xi32> to vector<8x1xi32>
      %reduce_min3A_77 = arith.constant dense<2147483647> : vector<1xi32>
      %reduce_min3A_78 = vector.multi_reduction <minsi>, %broadcast_in_dim3A_76, %reduce_min3A_77 [0] : vector<8x1xi32> to vector<1xi32>
      %broadcast_in_dim3A_79 = vector.shape_cast %reduce_min3A_78 : vector<1xi32> to vector<1x1xi32>
      %eq3A_80 = vector.broadcast %broadcast_in_dim3A_79 : vector<1x1xi32> to vector<8x1024xi32>
      %eq3A_81 = arith.cmpi eq, %add3A, %eq3A_80 : vector<8x1024xi32>
      %concatenate3A_82 = tpu.concatenate %eq3A_81, %eq3A_81, %eq3A_81 in 0 : vector<8x1024xi1>, vector<8x1024xi1>, vector<8x1024xi1> -> vector<24x1024xi1>
      %select_n3A_83 = arith.select %concatenate3A_82, %concatenate3A, %broadcast_in_dim3A_17 : vector<24x1024xi1>, vector<24x1024xf32>
      %reduce_sum3A = arith.constant dense<0.000000e+00> : vector<24xf32>
      %reduce_sum3A_84 = vector.multi_reduction <add>, %select_n3A_83, %reduce_sum3A [1] : vector<24x1024xf32> to vector<24xf32>
      %broadcast_in_dim3A_85 = vector.shape_cast %reduce_sum3A_84 : vector<24xf32> to vector<24x1xf32>
      %slice3A_86 = vector.extract_strided_slice %broadcast_in_dim3A_85 {offsets = [0, 0], sizes = [8, 1], strides = [1, 1]} : vector<24x1xf32> to vector<8x1xf32>
      %reduce_sum3A_87 = arith.constant dense<0.000000e+00> : vector<1xf32>
      %reduce_sum3A_88 = vector.multi_reduction <add>, %slice3A_86, %reduce_sum3A_87 [0] : vector<8x1xf32> to vector<1xf32>
      %broadcast_in_dim3A_89 = vector.shape_cast %reduce_sum3A_88 : vector<1xf32> to vector<1x1xf32>
      %slice3A_90 = vector.extract_strided_slice %broadcast_in_dim3A_85 {offsets = [8, 0], sizes = [8, 1], strides = [1, 1]} : vector<24x1xf32> to vector<8x1xf32>
      %reduce_sum3A_91 = arith.constant dense<0.000000e+00> : vector<1xf32>
      %reduce_sum3A_92 = vector.multi_reduction <add>, %slice3A_90, %reduce_sum3A_91 [0] : vector<8x1xf32> to vector<1xf32>
      %broadcast_in_dim3A_93 = vector.shape_cast %reduce_sum3A_92 : vector<1xf32> to vector<1x1xf32>
      %slice3A_94 = vector.extract_strided_slice %broadcast_in_dim3A_85 {offsets = [16, 0], sizes = [8, 1], strides = [1, 1]} : vector<24x1xf32> to vector<8x1xf32>
      %reduce_sum3A_95 = arith.constant dense<0.000000e+00> : vector<1xf32>
      %reduce_sum3A_96 = vector.multi_reduction <add>, %slice3A_94, %reduce_sum3A_95 [0] : vector<8x1xf32> to vector<1xf32>
      %broadcast_in_dim3A_97 = vector.shape_cast %reduce_sum3A_96 : vector<1xf32> to vector<1x1xf32>
      %mul3A_98 = arith.constant 4 : i32
      %mul3A_99 = arith.muli %mul3A_98, %scan3A_37 : i32
      %add3A_100 = arith.constant 1 : i32
      %add3A_101 = arith.addi %mul3A_99, %add3A_100 : i32
      %eq3A_102 = vector.broadcast %add3A_101 : i32 to vector<8x64xi32>
      %eq3A_103 = arith.cmpi eq, %add3A_16, %eq3A_102 : vector<8x64xi32>
      %broadcast_in_dim3A_104 = vector.shape_cast %broadcast_in_dim3A_89 : vector<1x1xf32> to vector<1x1xf32>
      %broadcast_in_dim3A_105 = vector.broadcast %broadcast_in_dim3A_104 : vector<1x1xf32> to vector<8x64xf32>
      %select_n3A_106 = arith.select %eq3A_103, %broadcast_in_dim3A_105, %select_n3A : vector<8x64xi1>, vector<8x64xf32>
      %broadcast_in_dim3A_107 = vector.shape_cast %broadcast_in_dim3A_93 : vector<1x1xf32> to vector<1x1xf32>
      %broadcast_in_dim3A_108 = vector.broadcast %broadcast_in_dim3A_107 : vector<1x1xf32> to vector<8x64xf32>
      %select_n3A_109 = arith.select %eq3A_103, %broadcast_in_dim3A_108, %select_n3A_52 : vector<8x64xi1>, vector<8x64xf32>
      %broadcast_in_dim3A_110 = vector.shape_cast %broadcast_in_dim3A_97 : vector<1x1xf32> to vector<1x1xf32>
      %broadcast_in_dim3A_111 = vector.broadcast %broadcast_in_dim3A_110 : vector<1x1xf32> to vector<8x64xf32>
      %select_n3A_112 = arith.select %eq3A_103, %broadcast_in_dim3A_111, %select_n3A_55 : vector<8x64xi1>, vector<8x64xf32>
      %sub3A_113 = vector.broadcast %broadcast_in_dim3A_89 : vector<1x1xf32> to vector<8x1024xf32>
      %sub3A_114 = arith.subf %get3A_1, %sub3A_113 : vector<8x1024xf32>
      %sub3A_115 = vector.broadcast %broadcast_in_dim3A_93 : vector<1x1xf32> to vector<8x1024xf32>
      %sub3A_116 = arith.subf %get3A_4, %sub3A_115 : vector<8x1024xf32>
      %sub3A_117 = vector.broadcast %broadcast_in_dim3A_97 : vector<1x1xf32> to vector<8x1024xf32>
      %sub3A_118 = arith.subf %get3A_7, %sub3A_117 : vector<8x1024xf32>
      %mul3A_119 = arith.mulf %sub3A_114, %sub3A_114 : vector<8x1024xf32>
      %mul3A_120 = arith.mulf %sub3A_116, %sub3A_116 : vector<8x1024xf32>
      %add3A_121 = arith.addf %mul3A_119, %mul3A_120 : vector<8x1024xf32>
      %mul3A_122 = arith.mulf %sub3A_118, %sub3A_118 : vector<8x1024xf32>
      %add3A_123 = arith.addf %add3A_121, %mul3A_122 : vector<8x1024xf32>
      %min3A_124 = arith.minimumf %min3A, %add3A_123 : vector<8x1024xf32>
      %reduce_max3A_125 = arith.constant dense<0xFF800000> : vector<8xf32>
      %reduce_max3A_126 = vector.multi_reduction <maximumf>, %min3A_124, %reduce_max3A_125 [1] : vector<8x1024xf32> to vector<8xf32>
      %broadcast_in_dim3A_127 = vector.shape_cast %reduce_max3A_126 : vector<8xf32> to vector<8x1xf32>
      %reduce_max3A_128 = arith.constant dense<0xFF800000> : vector<1xf32>
      %reduce_max3A_129 = vector.multi_reduction <maximumf>, %broadcast_in_dim3A_127, %reduce_max3A_128 [0] : vector<8x1xf32> to vector<1xf32>
      %broadcast_in_dim3A_130 = vector.shape_cast %reduce_max3A_129 : vector<1xf32> to vector<1x1xf32>
      %eq3A_131 = vector.broadcast %broadcast_in_dim3A_130 : vector<1x1xf32> to vector<8x1024xf32>
      %eq3A_132 = arith.cmpf oeq, %min3A_124, %eq3A_131 : vector<8x1024xf32>
      %jit3A_133 = arith.constant 8192 : i32
      %broadcast_in_dim3A_134 = vector.broadcast %jit3A_133 : i32 to vector<8x1024xi32>
      %select_n3A_135 = arith.select %eq3A_132, %add3A, %broadcast_in_dim3A_134 : vector<8x1024xi1>, vector<8x1024xi32>
      %reduce_min3A_136 = arith.constant dense<2147483647> : vector<8xi32>
      %reduce_min3A_137 = vector.multi_reduction <minsi>, %select_n3A_135, %reduce_min3A_136 [1] : vector<8x1024xi32> to vector<8xi32>
      %broadcast_in_dim3A_138 = vector.shape_cast %reduce_min3A_137 : vector<8xi32> to vector<8x1xi32>
      %reduce_min3A_139 = arith.constant dense<2147483647> : vector<1xi32>
      %reduce_min3A_140 = vector.multi_reduction <minsi>, %broadcast_in_dim3A_138, %reduce_min3A_139 [0] : vector<8x1xi32> to vector<1xi32>
      %broadcast_in_dim3A_141 = vector.shape_cast %reduce_min3A_140 : vector<1xi32> to vector<1x1xi32>
      %eq3A_142 = vector.broadcast %broadcast_in_dim3A_141 : vector<1x1xi32> to vector<8x1024xi32>
      %eq3A_143 = arith.cmpi eq, %add3A, %eq3A_142 : vector<8x1024xi32>
      %concatenate3A_144 = tpu.concatenate %eq3A_143, %eq3A_143, %eq3A_143 in 0 : vector<8x1024xi1>, vector<8x1024xi1>, vector<8x1024xi1> -> vector<24x1024xi1>
      %select_n3A_145 = arith.select %concatenate3A_144, %concatenate3A, %broadcast_in_dim3A_17 : vector<24x1024xi1>, vector<24x1024xf32>
      %reduce_sum3A_146 = arith.constant dense<0.000000e+00> : vector<24xf32>
      %reduce_sum3A_147 = vector.multi_reduction <add>, %select_n3A_145, %reduce_sum3A_146 [1] : vector<24x1024xf32> to vector<24xf32>
      %broadcast_in_dim3A_148 = vector.shape_cast %reduce_sum3A_147 : vector<24xf32> to vector<24x1xf32>
      %slice3A_149 = vector.extract_strided_slice %broadcast_in_dim3A_148 {offsets = [0, 0], sizes = [8, 1], strides = [1, 1]} : vector<24x1xf32> to vector<8x1xf32>
      %reduce_sum3A_150 = arith.constant dense<0.000000e+00> : vector<1xf32>
      %reduce_sum3A_151 = vector.multi_reduction <add>, %slice3A_149, %reduce_sum3A_150 [0] : vector<8x1xf32> to vector<1xf32>
      %broadcast_in_dim3A_152 = vector.shape_cast %reduce_sum3A_151 : vector<1xf32> to vector<1x1xf32>
      %slice3A_153 = vector.extract_strided_slice %broadcast_in_dim3A_148 {offsets = [8, 0], sizes = [8, 1], strides = [1, 1]} : vector<24x1xf32> to vector<8x1xf32>
      %reduce_sum3A_154 = arith.constant dense<0.000000e+00> : vector<1xf32>
      %reduce_sum3A_155 = vector.multi_reduction <add>, %slice3A_153, %reduce_sum3A_154 [0] : vector<8x1xf32> to vector<1xf32>
      %broadcast_in_dim3A_156 = vector.shape_cast %reduce_sum3A_155 : vector<1xf32> to vector<1x1xf32>
      %slice3A_157 = vector.extract_strided_slice %broadcast_in_dim3A_148 {offsets = [16, 0], sizes = [8, 1], strides = [1, 1]} : vector<24x1xf32> to vector<8x1xf32>
      %reduce_sum3A_158 = arith.constant dense<0.000000e+00> : vector<1xf32>
      %reduce_sum3A_159 = vector.multi_reduction <add>, %slice3A_157, %reduce_sum3A_158 [0] : vector<8x1xf32> to vector<1xf32>
      %broadcast_in_dim3A_160 = vector.shape_cast %reduce_sum3A_159 : vector<1xf32> to vector<1x1xf32>
      %mul3A_161 = arith.constant 4 : i32
      %mul3A_162 = arith.muli %mul3A_161, %scan3A_37 : i32
      %add3A_163 = arith.constant 2 : i32
      %add3A_164 = arith.addi %mul3A_162, %add3A_163 : i32
      %eq3A_165 = vector.broadcast %add3A_164 : i32 to vector<8x64xi32>
      %eq3A_166 = arith.cmpi eq, %add3A_16, %eq3A_165 : vector<8x64xi32>
      %broadcast_in_dim3A_167 = vector.shape_cast %broadcast_in_dim3A_152 : vector<1x1xf32> to vector<1x1xf32>
      %broadcast_in_dim3A_168 = vector.broadcast %broadcast_in_dim3A_167 : vector<1x1xf32> to vector<8x64xf32>
      %select_n3A_169 = arith.select %eq3A_166, %broadcast_in_dim3A_168, %select_n3A_106 : vector<8x64xi1>, vector<8x64xf32>
      %broadcast_in_dim3A_170 = vector.shape_cast %broadcast_in_dim3A_156 : vector<1x1xf32> to vector<1x1xf32>
      %broadcast_in_dim3A_171 = vector.broadcast %broadcast_in_dim3A_170 : vector<1x1xf32> to vector<8x64xf32>
      %select_n3A_172 = arith.select %eq3A_166, %broadcast_in_dim3A_171, %select_n3A_109 : vector<8x64xi1>, vector<8x64xf32>
      %broadcast_in_dim3A_173 = vector.shape_cast %broadcast_in_dim3A_160 : vector<1x1xf32> to vector<1x1xf32>
      %broadcast_in_dim3A_174 = vector.broadcast %broadcast_in_dim3A_173 : vector<1x1xf32> to vector<8x64xf32>
      %select_n3A_175 = arith.select %eq3A_166, %broadcast_in_dim3A_174, %select_n3A_112 : vector<8x64xi1>, vector<8x64xf32>
      %sub3A_176 = vector.broadcast %broadcast_in_dim3A_152 : vector<1x1xf32> to vector<8x1024xf32>
      %sub3A_177 = arith.subf %get3A_1, %sub3A_176 : vector<8x1024xf32>
      %sub3A_178 = vector.broadcast %broadcast_in_dim3A_156 : vector<1x1xf32> to vector<8x1024xf32>
      %sub3A_179 = arith.subf %get3A_4, %sub3A_178 : vector<8x1024xf32>
      %sub3A_180 = vector.broadcast %broadcast_in_dim3A_160 : vector<1x1xf32> to vector<8x1024xf32>
      %sub3A_181 = arith.subf %get3A_7, %sub3A_180 : vector<8x1024xf32>
      %mul3A_182 = arith.mulf %sub3A_177, %sub3A_177 : vector<8x1024xf32>
      %mul3A_183 = arith.mulf %sub3A_179, %sub3A_179 : vector<8x1024xf32>
      %add3A_184 = arith.addf %mul3A_182, %mul3A_183 : vector<8x1024xf32>
      %mul3A_185 = arith.mulf %sub3A_181, %sub3A_181 : vector<8x1024xf32>
      %add3A_186 = arith.addf %add3A_184, %mul3A_185 : vector<8x1024xf32>
      %min3A_187 = arith.minimumf %min3A_124, %add3A_186 : vector<8x1024xf32>
      %reduce_max3A_188 = arith.constant dense<0xFF800000> : vector<8xf32>
      %reduce_max3A_189 = vector.multi_reduction <maximumf>, %min3A_187, %reduce_max3A_188 [1] : vector<8x1024xf32> to vector<8xf32>
      %broadcast_in_dim3A_190 = vector.shape_cast %reduce_max3A_189 : vector<8xf32> to vector<8x1xf32>
      %reduce_max3A_191 = arith.constant dense<0xFF800000> : vector<1xf32>
      %reduce_max3A_192 = vector.multi_reduction <maximumf>, %broadcast_in_dim3A_190, %reduce_max3A_191 [0] : vector<8x1xf32> to vector<1xf32>
      %broadcast_in_dim3A_193 = vector.shape_cast %reduce_max3A_192 : vector<1xf32> to vector<1x1xf32>
      %eq3A_194 = vector.broadcast %broadcast_in_dim3A_193 : vector<1x1xf32> to vector<8x1024xf32>
      %eq3A_195 = arith.cmpf oeq, %min3A_187, %eq3A_194 : vector<8x1024xf32>
      %jit3A_196 = arith.constant 8192 : i32
      %broadcast_in_dim3A_197 = vector.broadcast %jit3A_196 : i32 to vector<8x1024xi32>
      %select_n3A_198 = arith.select %eq3A_195, %add3A, %broadcast_in_dim3A_197 : vector<8x1024xi1>, vector<8x1024xi32>
      %reduce_min3A_199 = arith.constant dense<2147483647> : vector<8xi32>
      %reduce_min3A_200 = vector.multi_reduction <minsi>, %select_n3A_198, %reduce_min3A_199 [1] : vector<8x1024xi32> to vector<8xi32>
      %broadcast_in_dim3A_201 = vector.shape_cast %reduce_min3A_200 : vector<8xi32> to vector<8x1xi32>
      %reduce_min3A_202 = arith.constant dense<2147483647> : vector<1xi32>
      %reduce_min3A_203 = vector.multi_reduction <minsi>, %broadcast_in_dim3A_201, %reduce_min3A_202 [0] : vector<8x1xi32> to vector<1xi32>
      %broadcast_in_dim3A_204 = vector.shape_cast %reduce_min3A_203 : vector<1xi32> to vector<1x1xi32>
      %eq3A_205 = vector.broadcast %broadcast_in_dim3A_204 : vector<1x1xi32> to vector<8x1024xi32>
      %eq3A_206 = arith.cmpi eq, %add3A, %eq3A_205 : vector<8x1024xi32>
      %concatenate3A_207 = tpu.concatenate %eq3A_206, %eq3A_206, %eq3A_206 in 0 : vector<8x1024xi1>, vector<8x1024xi1>, vector<8x1024xi1> -> vector<24x1024xi1>
      %select_n3A_208 = arith.select %concatenate3A_207, %concatenate3A, %broadcast_in_dim3A_17 : vector<24x1024xi1>, vector<24x1024xf32>
      %reduce_sum3A_209 = arith.constant dense<0.000000e+00> : vector<24xf32>
      %reduce_sum3A_210 = vector.multi_reduction <add>, %select_n3A_208, %reduce_sum3A_209 [1] : vector<24x1024xf32> to vector<24xf32>
      %broadcast_in_dim3A_211 = vector.shape_cast %reduce_sum3A_210 : vector<24xf32> to vector<24x1xf32>
      %slice3A_212 = vector.extract_strided_slice %broadcast_in_dim3A_211 {offsets = [0, 0], sizes = [8, 1], strides = [1, 1]} : vector<24x1xf32> to vector<8x1xf32>
      %reduce_sum3A_213 = arith.constant dense<0.000000e+00> : vector<1xf32>
      %reduce_sum3A_214 = vector.multi_reduction <add>, %slice3A_212, %reduce_sum3A_213 [0] : vector<8x1xf32> to vector<1xf32>
      %broadcast_in_dim3A_215 = vector.shape_cast %reduce_sum3A_214 : vector<1xf32> to vector<1x1xf32>
      %slice3A_216 = vector.extract_strided_slice %broadcast_in_dim3A_211 {offsets = [8, 0], sizes = [8, 1], strides = [1, 1]} : vector<24x1xf32> to vector<8x1xf32>
      %reduce_sum3A_217 = arith.constant dense<0.000000e+00> : vector<1xf32>
      %reduce_sum3A_218 = vector.multi_reduction <add>, %slice3A_216, %reduce_sum3A_217 [0] : vector<8x1xf32> to vector<1xf32>
      %broadcast_in_dim3A_219 = vector.shape_cast %reduce_sum3A_218 : vector<1xf32> to vector<1x1xf32>
      %slice3A_220 = vector.extract_strided_slice %broadcast_in_dim3A_211 {offsets = [16, 0], sizes = [8, 1], strides = [1, 1]} : vector<24x1xf32> to vector<8x1xf32>
      %reduce_sum3A_221 = arith.constant dense<0.000000e+00> : vector<1xf32>
      %reduce_sum3A_222 = vector.multi_reduction <add>, %slice3A_220, %reduce_sum3A_221 [0] : vector<8x1xf32> to vector<1xf32>
      %broadcast_in_dim3A_223 = vector.shape_cast %reduce_sum3A_222 : vector<1xf32> to vector<1x1xf32>
      %mul3A_224 = arith.constant 4 : i32
      %mul3A_225 = arith.muli %mul3A_224, %scan3A_37 : i32
      %add3A_226 = arith.constant 3 : i32
      %add3A_227 = arith.addi %mul3A_225, %add3A_226 : i32
      %eq3A_228 = vector.broadcast %add3A_227 : i32 to vector<8x64xi32>
      %eq3A_229 = arith.cmpi eq, %add3A_16, %eq3A_228 : vector<8x64xi32>
      %broadcast_in_dim3A_230 = vector.shape_cast %broadcast_in_dim3A_215 : vector<1x1xf32> to vector<1x1xf32>
      %broadcast_in_dim3A_231 = vector.broadcast %broadcast_in_dim3A_230 : vector<1x1xf32> to vector<8x64xf32>
      %select_n3A_232 = arith.select %eq3A_229, %broadcast_in_dim3A_231, %select_n3A_169 : vector<8x64xi1>, vector<8x64xf32>
      %broadcast_in_dim3A_233 = vector.shape_cast %broadcast_in_dim3A_219 : vector<1x1xf32> to vector<1x1xf32>
      %broadcast_in_dim3A_234 = vector.broadcast %broadcast_in_dim3A_233 : vector<1x1xf32> to vector<8x64xf32>
      %select_n3A_235 = arith.select %eq3A_229, %broadcast_in_dim3A_234, %select_n3A_172 : vector<8x64xi1>, vector<8x64xf32>
      %broadcast_in_dim3A_236 = vector.shape_cast %broadcast_in_dim3A_223 : vector<1x1xf32> to vector<1x1xf32>
      %broadcast_in_dim3A_237 = vector.broadcast %broadcast_in_dim3A_236 : vector<1x1xf32> to vector<8x64xf32>
      %select_n3A_238 = arith.select %eq3A_229, %broadcast_in_dim3A_237, %select_n3A_175 : vector<8x64xi1>, vector<8x64xf32>
      %sub3A_239 = vector.broadcast %broadcast_in_dim3A_215 : vector<1x1xf32> to vector<8x1024xf32>
      %sub3A_240 = arith.subf %get3A_1, %sub3A_239 : vector<8x1024xf32>
      %sub3A_241 = vector.broadcast %broadcast_in_dim3A_219 : vector<1x1xf32> to vector<8x1024xf32>
      %sub3A_242 = arith.subf %get3A_4, %sub3A_241 : vector<8x1024xf32>
      %sub3A_243 = vector.broadcast %broadcast_in_dim3A_223 : vector<1x1xf32> to vector<8x1024xf32>
      %sub3A_244 = arith.subf %get3A_7, %sub3A_243 : vector<8x1024xf32>
      %mul3A_245 = arith.mulf %sub3A_240, %sub3A_240 : vector<8x1024xf32>
      %mul3A_246 = arith.mulf %sub3A_242, %sub3A_242 : vector<8x1024xf32>
      %add3A_247 = arith.addf %mul3A_245, %mul3A_246 : vector<8x1024xf32>
      %mul3A_248 = arith.mulf %sub3A_244, %sub3A_244 : vector<8x1024xf32>
      %add3A_249 = arith.addf %add3A_247, %mul3A_248 : vector<8x1024xf32>
      %min3A_250 = arith.minimumf %min3A_187, %add3A_249 : vector<8x1024xf32>
      %reduce_max3A_251 = arith.constant dense<0xFF800000> : vector<8xf32>
      %reduce_max3A_252 = vector.multi_reduction <maximumf>, %min3A_250, %reduce_max3A_251 [1] : vector<8x1024xf32> to vector<8xf32>
      %broadcast_in_dim3A_253 = vector.shape_cast %reduce_max3A_252 : vector<8xf32> to vector<8x1xf32>
      %reduce_max3A_254 = arith.constant dense<0xFF800000> : vector<1xf32>
      %reduce_max3A_255 = vector.multi_reduction <maximumf>, %broadcast_in_dim3A_253, %reduce_max3A_254 [0] : vector<8x1xf32> to vector<1xf32>
      %broadcast_in_dim3A_256 = vector.shape_cast %reduce_max3A_255 : vector<1xf32> to vector<1x1xf32>
      %eq3A_257 = vector.broadcast %broadcast_in_dim3A_256 : vector<1x1xf32> to vector<8x1024xf32>
      %eq3A_258 = arith.cmpf oeq, %min3A_250, %eq3A_257 : vector<8x1024xf32>
      %jit3A_259 = arith.constant 8192 : i32
      %broadcast_in_dim3A_260 = vector.broadcast %jit3A_259 : i32 to vector<8x1024xi32>
      %select_n3A_261 = arith.select %eq3A_258, %add3A, %broadcast_in_dim3A_260 : vector<8x1024xi1>, vector<8x1024xi32>
      %reduce_min3A_262 = arith.constant dense<2147483647> : vector<8xi32>
      %reduce_min3A_263 = vector.multi_reduction <minsi>, %select_n3A_261, %reduce_min3A_262 [1] : vector<8x1024xi32> to vector<8xi32>
      %broadcast_in_dim3A_264 = vector.shape_cast %reduce_min3A_263 : vector<8xi32> to vector<8x1xi32>
      %reduce_min3A_265 = arith.constant dense<2147483647> : vector<1xi32>
      %reduce_min3A_266 = vector.multi_reduction <minsi>, %broadcast_in_dim3A_264, %reduce_min3A_265 [0] : vector<8x1xi32> to vector<1xi32>
      %broadcast_in_dim3A_267 = vector.shape_cast %reduce_min3A_266 : vector<1xi32> to vector<1x1xi32>
      %eq3A_268 = vector.broadcast %broadcast_in_dim3A_267 : vector<1x1xi32> to vector<8x1024xi32>
      %eq3A_269 = arith.cmpi eq, %add3A, %eq3A_268 : vector<8x1024xi32>
      %concatenate3A_270 = tpu.concatenate %eq3A_269, %eq3A_269, %eq3A_269 in 0 : vector<8x1024xi1>, vector<8x1024xi1>, vector<8x1024xi1> -> vector<24x1024xi1>
      %select_n3A_271 = arith.select %concatenate3A_270, %concatenate3A, %broadcast_in_dim3A_17 : vector<24x1024xi1>, vector<24x1024xf32>
      %reduce_sum3A_272 = arith.constant dense<0.000000e+00> : vector<24xf32>
      %reduce_sum3A_273 = vector.multi_reduction <add>, %select_n3A_271, %reduce_sum3A_272 [1] : vector<24x1024xf32> to vector<24xf32>
      %broadcast_in_dim3A_274 = vector.shape_cast %reduce_sum3A_273 : vector<24xf32> to vector<24x1xf32>
      %slice3A_275 = vector.extract_strided_slice %broadcast_in_dim3A_274 {offsets = [0, 0], sizes = [8, 1], strides = [1, 1]} : vector<24x1xf32> to vector<8x1xf32>
      %reduce_sum3A_276 = arith.constant dense<0.000000e+00> : vector<1xf32>
      %reduce_sum3A_277 = vector.multi_reduction <add>, %slice3A_275, %reduce_sum3A_276 [0] : vector<8x1xf32> to vector<1xf32>
      %broadcast_in_dim3A_278 = vector.shape_cast %reduce_sum3A_277 : vector<1xf32> to vector<1x1xf32>
      %slice3A_279 = vector.extract_strided_slice %broadcast_in_dim3A_274 {offsets = [8, 0], sizes = [8, 1], strides = [1, 1]} : vector<24x1xf32> to vector<8x1xf32>
      %reduce_sum3A_280 = arith.constant dense<0.000000e+00> : vector<1xf32>
      %reduce_sum3A_281 = vector.multi_reduction <add>, %slice3A_279, %reduce_sum3A_280 [0] : vector<8x1xf32> to vector<1xf32>
      %broadcast_in_dim3A_282 = vector.shape_cast %reduce_sum3A_281 : vector<1xf32> to vector<1x1xf32>
      %slice3A_283 = vector.extract_strided_slice %broadcast_in_dim3A_274 {offsets = [16, 0], sizes = [8, 1], strides = [1, 1]} : vector<24x1xf32> to vector<8x1xf32>
      %reduce_sum3A_284 = arith.constant dense<0.000000e+00> : vector<1xf32>
      %reduce_sum3A_285 = vector.multi_reduction <add>, %slice3A_283, %reduce_sum3A_284 [0] : vector<8x1xf32> to vector<1xf32>
      %broadcast_in_dim3A_286 = vector.shape_cast %reduce_sum3A_285 : vector<1xf32> to vector<1x1xf32>
      scf.yield %min3A_250, %broadcast_in_dim3A_278, %broadcast_in_dim3A_282, %broadcast_in_dim3A_286, %select_n3A_232, %select_n3A_235, %select_n3A_238 : vector<8x1024xf32>, vector<1x1xf32>, vector<1x1xf32>, vector<1x1xf32>, vector<8x64xf32>, vector<8x64xf32>, vector<8x64xf32>
    }
    %scan3A_28 = arith.constant 128 : i32
    %swap3A = arith.constant 0 : index
    %swap3A_29 = arith.constant 0 : index
    %swap3A_30 = vector.load %arg3[%swap3A, %swap3A_29] : memref<8x64xf32, #tpu.memory_space<vmem>>, vector<8x64xf32>
    tpu.vector_store %arg3[%swap3A, %swap3A_29], %scan3A_27#4 {strides = array<i32>} : memref<8x64xf32, #tpu.memory_space<vmem>>, vector<8x64xf32>,
    %swap3A_31 = arith.constant 0 : index
    %swap3A_32 = arith.constant 0 : index
    %swap3A_33 = vector.load %arg4[%swap3A_31, %swap3A_32] : memref<8x64xf32, #tpu.memory_space<vmem>>, vector<8x64xf32>
    tpu.vector_store %arg4[%swap3A_31, %swap3A_32], %scan3A_27#5 {strides = array<i32>} : memref<8x64xf32, #tpu.memory_space<vmem>>, vector<8x64xf32>,
    %swap3A_34 = arith.constant 0 : index
    %swap3A_35 = arith.constant 0 : index
    %swap3A_36 = vector.load %arg5[%swap3A_34, %swap3A_35] : memref<8x64xf32, #tpu.memory_space<vmem>>, vector<8x64xf32>
    tpu.vector_store %arg5[%swap3A_34, %swap3A_35], %scan3A_27#6 {strides = array<i32>} : memref<8x64xf32, #tpu.memory_space<vmem>>, vector<8x64xf32>,
    return
  }
}

module attributes {stable_mosaic.version = 14 : i64} {
  func.func @_bq_body(%arg0: i32, %arg1: memref<256x1xf32, #tpu.memory_space<vmem>>, %arg2: memref<256x1xf32, #tpu.memory_space<vmem>>, %arg3: memref<256x1xf32, #tpu.memory_space<vmem>>, %arg4: memref<1x8192xf32, #tpu.memory_space<vmem>>, %arg5: memref<1x8192xf32, #tpu.memory_space<vmem>>, %arg6: memref<1x8192xf32, #tpu.memory_space<vmem>>, %arg7: memref<256x16xi32, #tpu.memory_space<vmem>>, %arg8: memref<256x16xf32, #tpu.memory_space<vmem>>) attributes {dimension_semantics = [#tpu.dimension_semantics<arbitrary>], iteration_bounds = array<i64: 2>, scalar_prefetch = 0 : i64, scratch_operands = 0 : i64, tpu.core_type = #tpu.core_type<tc>, window_params = [{transform_indices = @transform_0, window_bounds = array<i64: 256, 1>}, {transform_indices = @transform_1, window_bounds = array<i64: 256, 1>}, {transform_indices = @transform_2, window_bounds = array<i64: 256, 1>}, {pipeline_mode = #tpu.pipeline_mode<synchronous>, transform_indices = @transform_3, window_bounds = array<i64: 1, 8192>}, {pipeline_mode = #tpu.pipeline_mode<synchronous>, transform_indices = @transform_4, window_bounds = array<i64: 1, 8192>}, {pipeline_mode = #tpu.pipeline_mode<synchronous>, transform_indices = @transform_5, window_bounds = array<i64: 1, 8192>}, {transform_indices = @transform_6, window_bounds = array<i64: 256, 16>}, {transform_indices = @transform_7, window_bounds = array<i64: 256, 16>}]} {
    %get3A = arith.constant 0 : index
    %get3A_0 = arith.constant 0 : index
    %get3A_1 = vector.load %arg1[%get3A, %get3A_0] : memref<256x1xf32, #tpu.memory_space<vmem>>, vector<256x1xf32>
    %get3A_2 = arith.constant 0 : index
    %get3A_3 = arith.constant 0 : index
    %get3A_4 = vector.load %arg2[%get3A_2, %get3A_3] : memref<256x1xf32, #tpu.memory_space<vmem>>, vector<256x1xf32>
    %get3A_5 = arith.constant 0 : index
    %get3A_6 = arith.constant 0 : index
    %get3A_7 = vector.load %arg3[%get3A_5, %get3A_6] : memref<256x1xf32, #tpu.memory_space<vmem>>, vector<256x1xf32>
    %get3A_8 = arith.constant 0 : index
    %get3A_9 = arith.constant 0 : index
    %get3A_10 = vector.load %arg4[%get3A_8, %get3A_9] : memref<1x8192xf32, #tpu.memory_space<vmem>>, vector<1x8192xf32>
    %get3A_11 = arith.constant 0 : index
    %get3A_12 = arith.constant 0 : index
    %get3A_13 = vector.load %arg5[%get3A_11, %get3A_12] : memref<1x8192xf32, #tpu.memory_space<vmem>>, vector<1x8192xf32>
    %get3A_14 = arith.constant 0 : index
    %get3A_15 = arith.constant 0 : index
    %get3A_16 = vector.load %arg6[%get3A_14, %get3A_15] : memref<1x8192xf32, #tpu.memory_space<vmem>>, vector<1x8192xf32>
    %sub3A = vector.broadcast %get3A_1 : vector<256x1xf32> to vector<256x8192xf32>
    %sub3A_17 = vector.broadcast %get3A_10 : vector<1x8192xf32> to vector<256x8192xf32>
    %sub3A_18 = arith.subf %sub3A, %sub3A_17 : vector<256x8192xf32>
    %sub3A_19 = vector.broadcast %get3A_4 : vector<256x1xf32> to vector<256x8192xf32>
    %sub3A_20 = vector.broadcast %get3A_13 : vector<1x8192xf32> to vector<256x8192xf32>
    %sub3A_21 = arith.subf %sub3A_19, %sub3A_20 : vector<256x8192xf32>
    %sub3A_22 = vector.broadcast %get3A_7 : vector<256x1xf32> to vector<256x8192xf32>
    %sub3A_23 = vector.broadcast %get3A_16 : vector<1x8192xf32> to vector<256x8192xf32>
    %sub3A_24 = arith.subf %sub3A_22, %sub3A_23 : vector<256x8192xf32>
    %mul3A = arith.mulf %sub3A_18, %sub3A_18 : vector<256x8192xf32>
    %mul3A_25 = arith.mulf %sub3A_21, %sub3A_21 : vector<256x8192xf32>
    %add3A = arith.addf %mul3A, %mul3A_25 : vector<256x8192xf32>
    %mul3A_26 = arith.mulf %sub3A_24, %sub3A_24 : vector<256x8192xf32>
    %add3A_27 = arith.addf %add3A, %mul3A_26 : vector<256x8192xf32>
    %le3A = arith.constant 4.000000e-02 : f32
    %le3A_28 = vector.broadcast %le3A : f32 to vector<256x8192xf32>
    %le3A_29 = arith.cmpf ole, %add3A_27, %le3A_28 : vector<256x8192xf32>
    %jit3A = arith.constant 1.000000e+10 : f32
    %broadcast_in_dim3A = vector.broadcast %jit3A : f32 to vector<256x8192xf32>
    %select_n3A = arith.select %le3A_29, %add3A_27, %broadcast_in_dim3A : vector<256x8192xi1>, vector<256x8192xf32>
    %iota3A = tpu.iota {dimensions = array<i32: 1>} : vector<256x8192xi32>
    %iota3A_30 = tpu.iota {dimensions = array<i32: 1>} : vector<256x16xi32>
    %broadcast_in_dim3A_31 = arith.constant 0.000000e+00 : f32
    %broadcast_in_dim3A_32 = vector.broadcast %broadcast_in_dim3A_31 : f32 to vector<256x16xf32>
    %broadcast_in_dim3A_33 = arith.constant 0 : i32
    %broadcast_in_dim3A_34 = vector.broadcast %broadcast_in_dim3A_33 : i32 to vector<256x16xi32>
    %reduce_min3A = arith.constant dense<0x7F800000> : vector<256xf32>
    %reduce_min3A_35 = vector.multi_reduction <minimumf>, %select_n3A, %reduce_min3A [1] : vector<256x8192xf32> to vector<256xf32>
    %broadcast_in_dim3A_36 = vector.shape_cast %reduce_min3A_35 : vector<256xf32> to vector<256x1xf32>
    %eq3A = vector.broadcast %broadcast_in_dim3A_36 : vector<256x1xf32> to vector<256x8192xf32>
    %eq3A_37 = arith.cmpf oeq, %select_n3A, %eq3A : vector<256x8192xf32>
    %jit3A_38 = arith.constant 8192 : i32
    %broadcast_in_dim3A_39 = vector.broadcast %jit3A_38 : i32 to vector<256x8192xi32>
    %select_n3A_40 = arith.select %eq3A_37, %iota3A, %broadcast_in_dim3A_39 : vector<256x8192xi1>, vector<256x8192xi32>
    %reduce_min3A_41 = arith.constant dense<2147483647> : vector<256xi32>
    %reduce_min3A_42 = vector.multi_reduction <minsi>, %select_n3A_40, %reduce_min3A_41 [1] : vector<256x8192xi32> to vector<256xi32>
    %broadcast_in_dim3A_43 = vector.shape_cast %reduce_min3A_42 : vector<256xi32> to vector<256x1xi32>
    %eq3A_44 = arith.constant 0 : i32
    %eq3A_45 = vector.broadcast %eq3A_44 : i32 to vector<256x16xi32>
    %eq3A_46 = arith.cmpi eq, %iota3A_30, %eq3A_45 : vector<256x16xi32>
    %broadcast_in_dim3A_47 = vector.shape_cast %broadcast_in_dim3A_36 : vector<256x1xf32> to vector<256x1xf32>
    %broadcast_in_dim3A_48 = vector.broadcast %broadcast_in_dim3A_47 : vector<256x1xf32> to vector<256x16xf32>
    %select_n3A_49 = arith.select %eq3A_46, %broadcast_in_dim3A_48, %broadcast_in_dim3A_32 : vector<256x16xi1>, vector<256x16xf32>
    %eq3A_50 = arith.constant 0 : i32
    %eq3A_51 = vector.broadcast %eq3A_50 : i32 to vector<256x16xi32>
    %eq3A_52 = arith.cmpi eq, %iota3A_30, %eq3A_51 : vector<256x16xi32>
    %broadcast_in_dim3A_53 = vector.shape_cast %broadcast_in_dim3A_43 : vector<256x1xi32> to vector<256x1xi32>
    %broadcast_in_dim3A_54 = vector.broadcast %broadcast_in_dim3A_53 : vector<256x1xi32> to vector<256x16xi32>
    %select_n3A_55 = arith.select %eq3A_52, %broadcast_in_dim3A_54, %broadcast_in_dim3A_34 : vector<256x16xi1>, vector<256x16xi32>
    %eq3A_56 = vector.broadcast %broadcast_in_dim3A_43 : vector<256x1xi32> to vector<256x8192xi32>
    %eq3A_57 = arith.cmpi eq, %iota3A, %eq3A_56 : vector<256x8192xi32>
    %jit3A_58 = arith.constant 3.000000e+10 : f32
    %broadcast_in_dim3A_59 = vector.broadcast %jit3A_58 : f32 to vector<256x8192xf32>
    %select_n3A_60 = arith.select %eq3A_57, %broadcast_in_dim3A_59, %select_n3A : vector<256x8192xi1>, vector<256x8192xf32>
    %reduce_min3A_61 = arith.constant dense<0x7F800000> : vector<256xf32>
    %reduce_min3A_62 = vector.multi_reduction <minimumf>, %select_n3A_60, %reduce_min3A_61 [1] : vector<256x8192xf32> to vector<256xf32>
    %broadcast_in_dim3A_63 = vector.shape_cast %reduce_min3A_62 : vector<256xf32> to vector<256x1xf32>
    %eq3A_64 = vector.broadcast %broadcast_in_dim3A_63 : vector<256x1xf32> to vector<256x8192xf32>
    %eq3A_65 = arith.cmpf oeq, %select_n3A_60, %eq3A_64 : vector<256x8192xf32>
    %jit3A_66 = arith.constant 8192 : i32
    %broadcast_in_dim3A_67 = vector.broadcast %jit3A_66 : i32 to vector<256x8192xi32>
    %select_n3A_68 = arith.select %eq3A_65, %iota3A, %broadcast_in_dim3A_67 : vector<256x8192xi1>, vector<256x8192xi32>
    %reduce_min3A_69 = arith.constant dense<2147483647> : vector<256xi32>
    %reduce_min3A_70 = vector.multi_reduction <minsi>, %select_n3A_68, %reduce_min3A_69 [1] : vector<256x8192xi32> to vector<256xi32>
    %broadcast_in_dim3A_71 = vector.shape_cast %reduce_min3A_70 : vector<256xi32> to vector<256x1xi32>
    %eq3A_72 = arith.constant 1 : i32
    %eq3A_73 = vector.broadcast %eq3A_72 : i32 to vector<256x16xi32>
    %eq3A_74 = arith.cmpi eq, %iota3A_30, %eq3A_73 : vector<256x16xi32>
    %broadcast_in_dim3A_75 = vector.shape_cast %broadcast_in_dim3A_63 : vector<256x1xf32> to vector<256x1xf32>
    %broadcast_in_dim3A_76 = vector.broadcast %broadcast_in_dim3A_75 : vector<256x1xf32> to vector<256x16xf32>
    %select_n3A_77 = arith.select %eq3A_74, %broadcast_in_dim3A_76, %select_n3A_49 : vector<256x16xi1>, vector<256x16xf32>
    %eq3A_78 = arith.constant 1 : i32
    %eq3A_79 = vector.broadcast %eq3A_78 : i32 to vector<256x16xi32>
    %eq3A_80 = arith.cmpi eq, %iota3A_30, %eq3A_79 : vector<256x16xi32>
    %broadcast_in_dim3A_81 = vector.shape_cast %broadcast_in_dim3A_71 : vector<256x1xi32> to vector<256x1xi32>
    %broadcast_in_dim3A_82 = vector.broadcast %broadcast_in_dim3A_81 : vector<256x1xi32> to vector<256x16xi32>
    %select_n3A_83 = arith.select %eq3A_80, %broadcast_in_dim3A_82, %select_n3A_55 : vector<256x16xi1>, vector<256x16xi32>
    %eq3A_84 = vector.broadcast %broadcast_in_dim3A_71 : vector<256x1xi32> to vector<256x8192xi32>
    %eq3A_85 = arith.cmpi eq, %iota3A, %eq3A_84 : vector<256x8192xi32>
    %jit3A_86 = arith.constant 3.000000e+10 : f32
    %broadcast_in_dim3A_87 = vector.broadcast %jit3A_86 : f32 to vector<256x8192xf32>
    %select_n3A_88 = arith.select %eq3A_85, %broadcast_in_dim3A_87, %select_n3A_60 : vector<256x8192xi1>, vector<256x8192xf32>
    %reduce_min3A_89 = arith.constant dense<0x7F800000> : vector<256xf32>
    %reduce_min3A_90 = vector.multi_reduction <minimumf>, %select_n3A_88, %reduce_min3A_89 [1] : vector<256x8192xf32> to vector<256xf32>
    %broadcast_in_dim3A_91 = vector.shape_cast %reduce_min3A_90 : vector<256xf32> to vector<256x1xf32>
    %eq3A_92 = vector.broadcast %broadcast_in_dim3A_91 : vector<256x1xf32> to vector<256x8192xf32>
    %eq3A_93 = arith.cmpf oeq, %select_n3A_88, %eq3A_92 : vector<256x8192xf32>
    %jit3A_94 = arith.constant 8192 : i32
    %broadcast_in_dim3A_95 = vector.broadcast %jit3A_94 : i32 to vector<256x8192xi32>
    %select_n3A_96 = arith.select %eq3A_93, %iota3A, %broadcast_in_dim3A_95 : vector<256x8192xi1>, vector<256x8192xi32>
    %reduce_min3A_97 = arith.constant dense<2147483647> : vector<256xi32>
    %reduce_min3A_98 = vector.multi_reduction <minsi>, %select_n3A_96, %reduce_min3A_97 [1] : vector<256x8192xi32> to vector<256xi32>
    %broadcast_in_dim3A_99 = vector.shape_cast %reduce_min3A_98 : vector<256xi32> to vector<256x1xi32>
    %eq3A_100 = arith.constant 2 : i32
    %eq3A_101 = vector.broadcast %eq3A_100 : i32 to vector<256x16xi32>
    %eq3A_102 = arith.cmpi eq, %iota3A_30, %eq3A_101 : vector<256x16xi32>
    %broadcast_in_dim3A_103 = vector.shape_cast %broadcast_in_dim3A_91 : vector<256x1xf32> to vector<256x1xf32>
    %broadcast_in_dim3A_104 = vector.broadcast %broadcast_in_dim3A_103 : vector<256x1xf32> to vector<256x16xf32>
    %select_n3A_105 = arith.select %eq3A_102, %broadcast_in_dim3A_104, %select_n3A_77 : vector<256x16xi1>, vector<256x16xf32>
    %eq3A_106 = arith.constant 2 : i32
    %eq3A_107 = vector.broadcast %eq3A_106 : i32 to vector<256x16xi32>
    %eq3A_108 = arith.cmpi eq, %iota3A_30, %eq3A_107 : vector<256x16xi32>
    %broadcast_in_dim3A_109 = vector.shape_cast %broadcast_in_dim3A_99 : vector<256x1xi32> to vector<256x1xi32>
    %broadcast_in_dim3A_110 = vector.broadcast %broadcast_in_dim3A_109 : vector<256x1xi32> to vector<256x16xi32>
    %select_n3A_111 = arith.select %eq3A_108, %broadcast_in_dim3A_110, %select_n3A_83 : vector<256x16xi1>, vector<256x16xi32>
    %eq3A_112 = vector.broadcast %broadcast_in_dim3A_99 : vector<256x1xi32> to vector<256x8192xi32>
    %eq3A_113 = arith.cmpi eq, %iota3A, %eq3A_112 : vector<256x8192xi32>
    %jit3A_114 = arith.constant 3.000000e+10 : f32
    %broadcast_in_dim3A_115 = vector.broadcast %jit3A_114 : f32 to vector<256x8192xf32>
    %select_n3A_116 = arith.select %eq3A_113, %broadcast_in_dim3A_115, %select_n3A_88 : vector<256x8192xi1>, vector<256x8192xf32>
    %reduce_min3A_117 = arith.constant dense<0x7F800000> : vector<256xf32>
    %reduce_min3A_118 = vector.multi_reduction <minimumf>, %select_n3A_116, %reduce_min3A_117 [1] : vector<256x8192xf32> to vector<256xf32>
    %broadcast_in_dim3A_119 = vector.shape_cast %reduce_min3A_118 : vector<256xf32> to vector<256x1xf32>
    %eq3A_120 = vector.broadcast %broadcast_in_dim3A_119 : vector<256x1xf32> to vector<256x8192xf32>
    %eq3A_121 = arith.cmpf oeq, %select_n3A_116, %eq3A_120 : vector<256x8192xf32>
    %jit3A_122 = arith.constant 8192 : i32
    %broadcast_in_dim3A_123 = vector.broadcast %jit3A_122 : i32 to vector<256x8192xi32>
    %select_n3A_124 = arith.select %eq3A_121, %iota3A, %broadcast_in_dim3A_123 : vector<256x8192xi1>, vector<256x8192xi32>
    %reduce_min3A_125 = arith.constant dense<2147483647> : vector<256xi32>
    %reduce_min3A_126 = vector.multi_reduction <minsi>, %select_n3A_124, %reduce_min3A_125 [1] : vector<256x8192xi32> to vector<256xi32>
    %broadcast_in_dim3A_127 = vector.shape_cast %reduce_min3A_126 : vector<256xi32> to vector<256x1xi32>
    %eq3A_128 = arith.constant 3 : i32
    %eq3A_129 = vector.broadcast %eq3A_128 : i32 to vector<256x16xi32>
    %eq3A_130 = arith.cmpi eq, %iota3A_30, %eq3A_129 : vector<256x16xi32>
    %broadcast_in_dim3A_131 = vector.shape_cast %broadcast_in_dim3A_119 : vector<256x1xf32> to vector<256x1xf32>
    %broadcast_in_dim3A_132 = vector.broadcast %broadcast_in_dim3A_131 : vector<256x1xf32> to vector<256x16xf32>
    %select_n3A_133 = arith.select %eq3A_130, %broadcast_in_dim3A_132, %select_n3A_105 : vector<256x16xi1>, vector<256x16xf32>
    %eq3A_134 = arith.constant 3 : i32
    %eq3A_135 = vector.broadcast %eq3A_134 : i32 to vector<256x16xi32>
    %eq3A_136 = arith.cmpi eq, %iota3A_30, %eq3A_135 : vector<256x16xi32>
    %broadcast_in_dim3A_137 = vector.shape_cast %broadcast_in_dim3A_127 : vector<256x1xi32> to vector<256x1xi32>
    %broadcast_in_dim3A_138 = vector.broadcast %broadcast_in_dim3A_137 : vector<256x1xi32> to vector<256x16xi32>
    %select_n3A_139 = arith.select %eq3A_136, %broadcast_in_dim3A_138, %select_n3A_111 : vector<256x16xi1>, vector<256x16xi32>
    %eq3A_140 = vector.broadcast %broadcast_in_dim3A_127 : vector<256x1xi32> to vector<256x8192xi32>
    %eq3A_141 = arith.cmpi eq, %iota3A, %eq3A_140 : vector<256x8192xi32>
    %jit3A_142 = arith.constant 3.000000e+10 : f32
    %broadcast_in_dim3A_143 = vector.broadcast %jit3A_142 : f32 to vector<256x8192xf32>
    %select_n3A_144 = arith.select %eq3A_141, %broadcast_in_dim3A_143, %select_n3A_116 : vector<256x8192xi1>, vector<256x8192xf32>
    %reduce_min3A_145 = arith.constant dense<0x7F800000> : vector<256xf32>
    %reduce_min3A_146 = vector.multi_reduction <minimumf>, %select_n3A_144, %reduce_min3A_145 [1] : vector<256x8192xf32> to vector<256xf32>
    %broadcast_in_dim3A_147 = vector.shape_cast %reduce_min3A_146 : vector<256xf32> to vector<256x1xf32>
    %eq3A_148 = vector.broadcast %broadcast_in_dim3A_147 : vector<256x1xf32> to vector<256x8192xf32>
    %eq3A_149 = arith.cmpf oeq, %select_n3A_144, %eq3A_148 : vector<256x8192xf32>
    %jit3A_150 = arith.constant 8192 : i32
    %broadcast_in_dim3A_151 = vector.broadcast %jit3A_150 : i32 to vector<256x8192xi32>
    %select_n3A_152 = arith.select %eq3A_149, %iota3A, %broadcast_in_dim3A_151 : vector<256x8192xi1>, vector<256x8192xi32>
    %reduce_min3A_153 = arith.constant dense<2147483647> : vector<256xi32>
    %reduce_min3A_154 = vector.multi_reduction <minsi>, %select_n3A_152, %reduce_min3A_153 [1] : vector<256x8192xi32> to vector<256xi32>
    %broadcast_in_dim3A_155 = vector.shape_cast %reduce_min3A_154 : vector<256xi32> to vector<256x1xi32>
    %eq3A_156 = arith.constant 4 : i32
    %eq3A_157 = vector.broadcast %eq3A_156 : i32 to vector<256x16xi32>
    %eq3A_158 = arith.cmpi eq, %iota3A_30, %eq3A_157 : vector<256x16xi32>
    %broadcast_in_dim3A_159 = vector.shape_cast %broadcast_in_dim3A_147 : vector<256x1xf32> to vector<256x1xf32>
    %broadcast_in_dim3A_160 = vector.broadcast %broadcast_in_dim3A_159 : vector<256x1xf32> to vector<256x16xf32>
    %select_n3A_161 = arith.select %eq3A_158, %broadcast_in_dim3A_160, %select_n3A_133 : vector<256x16xi1>, vector<256x16xf32>
    %eq3A_162 = arith.constant 4 : i32
    %eq3A_163 = vector.broadcast %eq3A_162 : i32 to vector<256x16xi32>
    %eq3A_164 = arith.cmpi eq, %iota3A_30, %eq3A_163 : vector<256x16xi32>
    %broadcast_in_dim3A_165 = vector.shape_cast %broadcast_in_dim3A_155 : vector<256x1xi32> to vector<256x1xi32>
    %broadcast_in_dim3A_166 = vector.broadcast %broadcast_in_dim3A_165 : vector<256x1xi32> to vector<256x16xi32>
    %select_n3A_167 = arith.select %eq3A_164, %broadcast_in_dim3A_166, %select_n3A_139 : vector<256x16xi1>, vector<256x16xi32>
    %eq3A_168 = vector.broadcast %broadcast_in_dim3A_155 : vector<256x1xi32> to vector<256x8192xi32>
    %eq3A_169 = arith.cmpi eq, %iota3A, %eq3A_168 : vector<256x8192xi32>
    %jit3A_170 = arith.constant 3.000000e+10 : f32
    %broadcast_in_dim3A_171 = vector.broadcast %jit3A_170 : f32 to vector<256x8192xf32>
    %select_n3A_172 = arith.select %eq3A_169, %broadcast_in_dim3A_171, %select_n3A_144 : vector<256x8192xi1>, vector<256x8192xf32>
    %reduce_min3A_173 = arith.constant dense<0x7F800000> : vector<256xf32>
    %reduce_min3A_174 = vector.multi_reduction <minimumf>, %select_n3A_172, %reduce_min3A_173 [1] : vector<256x8192xf32> to vector<256xf32>
    %broadcast_in_dim3A_175 = vector.shape_cast %reduce_min3A_174 : vector<256xf32> to vector<256x1xf32>
    %eq3A_176 = vector.broadcast %broadcast_in_dim3A_175 : vector<256x1xf32> to vector<256x8192xf32>
    %eq3A_177 = arith.cmpf oeq, %select_n3A_172, %eq3A_176 : vector<256x8192xf32>
    %jit3A_178 = arith.constant 8192 : i32
    %broadcast_in_dim3A_179 = vector.broadcast %jit3A_178 : i32 to vector<256x8192xi32>
    %select_n3A_180 = arith.select %eq3A_177, %iota3A, %broadcast_in_dim3A_179 : vector<256x8192xi1>, vector<256x8192xi32>
    %reduce_min3A_181 = arith.constant dense<2147483647> : vector<256xi32>
    %reduce_min3A_182 = vector.multi_reduction <minsi>, %select_n3A_180, %reduce_min3A_181 [1] : vector<256x8192xi32> to vector<256xi32>
    %broadcast_in_dim3A_183 = vector.shape_cast %reduce_min3A_182 : vector<256xi32> to vector<256x1xi32>
    %eq3A_184 = arith.constant 5 : i32
    %eq3A_185 = vector.broadcast %eq3A_184 : i32 to vector<256x16xi32>
    %eq3A_186 = arith.cmpi eq, %iota3A_30, %eq3A_185 : vector<256x16xi32>
    %broadcast_in_dim3A_187 = vector.shape_cast %broadcast_in_dim3A_175 : vector<256x1xf32> to vector<256x1xf32>
    %broadcast_in_dim3A_188 = vector.broadcast %broadcast_in_dim3A_187 : vector<256x1xf32> to vector<256x16xf32>
    %select_n3A_189 = arith.select %eq3A_186, %broadcast_in_dim3A_188, %select_n3A_161 : vector<256x16xi1>, vector<256x16xf32>
    %eq3A_190 = arith.constant 5 : i32
    %eq3A_191 = vector.broadcast %eq3A_190 : i32 to vector<256x16xi32>
    %eq3A_192 = arith.cmpi eq, %iota3A_30, %eq3A_191 : vector<256x16xi32>
    %broadcast_in_dim3A_193 = vector.shape_cast %broadcast_in_dim3A_183 : vector<256x1xi32> to vector<256x1xi32>
    %broadcast_in_dim3A_194 = vector.broadcast %broadcast_in_dim3A_193 : vector<256x1xi32> to vector<256x16xi32>
    %select_n3A_195 = arith.select %eq3A_192, %broadcast_in_dim3A_194, %select_n3A_167 : vector<256x16xi1>, vector<256x16xi32>
    %eq3A_196 = vector.broadcast %broadcast_in_dim3A_183 : vector<256x1xi32> to vector<256x8192xi32>
    %eq3A_197 = arith.cmpi eq, %iota3A, %eq3A_196 : vector<256x8192xi32>
    %jit3A_198 = arith.constant 3.000000e+10 : f32
    %broadcast_in_dim3A_199 = vector.broadcast %jit3A_198 : f32 to vector<256x8192xf32>
    %select_n3A_200 = arith.select %eq3A_197, %broadcast_in_dim3A_199, %select_n3A_172 : vector<256x8192xi1>, vector<256x8192xf32>
    %reduce_min3A_201 = arith.constant dense<0x7F800000> : vector<256xf32>
    %reduce_min3A_202 = vector.multi_reduction <minimumf>, %select_n3A_200, %reduce_min3A_201 [1] : vector<256x8192xf32> to vector<256xf32>
    %broadcast_in_dim3A_203 = vector.shape_cast %reduce_min3A_202 : vector<256xf32> to vector<256x1xf32>
    %eq3A_204 = vector.broadcast %broadcast_in_dim3A_203 : vector<256x1xf32> to vector<256x8192xf32>
    %eq3A_205 = arith.cmpf oeq, %select_n3A_200, %eq3A_204 : vector<256x8192xf32>
    %jit3A_206 = arith.constant 8192 : i32
    %broadcast_in_dim3A_207 = vector.broadcast %jit3A_206 : i32 to vector<256x8192xi32>
    %select_n3A_208 = arith.select %eq3A_205, %iota3A, %broadcast_in_dim3A_207 : vector<256x8192xi1>, vector<256x8192xi32>
    %reduce_min3A_209 = arith.constant dense<2147483647> : vector<256xi32>
    %reduce_min3A_210 = vector.multi_reduction <minsi>, %select_n3A_208, %reduce_min3A_209 [1] : vector<256x8192xi32> to vector<256xi32>
    %broadcast_in_dim3A_211 = vector.shape_cast %reduce_min3A_210 : vector<256xi32> to vector<256x1xi32>
    %eq3A_212 = arith.constant 6 : i32
    %eq3A_213 = vector.broadcast %eq3A_212 : i32 to vector<256x16xi32>
    %eq3A_214 = arith.cmpi eq, %iota3A_30, %eq3A_213 : vector<256x16xi32>
    %broadcast_in_dim3A_215 = vector.shape_cast %broadcast_in_dim3A_203 : vector<256x1xf32> to vector<256x1xf32>
    %broadcast_in_dim3A_216 = vector.broadcast %broadcast_in_dim3A_215 : vector<256x1xf32> to vector<256x16xf32>
    %select_n3A_217 = arith.select %eq3A_214, %broadcast_in_dim3A_216, %select_n3A_189 : vector<256x16xi1>, vector<256x16xf32>
    %eq3A_218 = arith.constant 6 : i32
    %eq3A_219 = vector.broadcast %eq3A_218 : i32 to vector<256x16xi32>
    %eq3A_220 = arith.cmpi eq, %iota3A_30, %eq3A_219 : vector<256x16xi32>
    %broadcast_in_dim3A_221 = vector.shape_cast %broadcast_in_dim3A_211 : vector<256x1xi32> to vector<256x1xi32>
    %broadcast_in_dim3A_222 = vector.broadcast %broadcast_in_dim3A_221 : vector<256x1xi32> to vector<256x16xi32>
    %select_n3A_223 = arith.select %eq3A_220, %broadcast_in_dim3A_222, %select_n3A_195 : vector<256x16xi1>, vector<256x16xi32>
    %eq3A_224 = vector.broadcast %broadcast_in_dim3A_211 : vector<256x1xi32> to vector<256x8192xi32>
    %eq3A_225 = arith.cmpi eq, %iota3A, %eq3A_224 : vector<256x8192xi32>
    %jit3A_226 = arith.constant 3.000000e+10 : f32
    %broadcast_in_dim3A_227 = vector.broadcast %jit3A_226 : f32 to vector<256x8192xf32>
    %select_n3A_228 = arith.select %eq3A_225, %broadcast_in_dim3A_227, %select_n3A_200 : vector<256x8192xi1>, vector<256x8192xf32>
    %reduce_min3A_229 = arith.constant dense<0x7F800000> : vector<256xf32>
    %reduce_min3A_230 = vector.multi_reduction <minimumf>, %select_n3A_228, %reduce_min3A_229 [1] : vector<256x8192xf32> to vector<256xf32>
    %broadcast_in_dim3A_231 = vector.shape_cast %reduce_min3A_230 : vector<256xf32> to vector<256x1xf32>
    %eq3A_232 = vector.broadcast %broadcast_in_dim3A_231 : vector<256x1xf32> to vector<256x8192xf32>
    %eq3A_233 = arith.cmpf oeq, %select_n3A_228, %eq3A_232 : vector<256x8192xf32>
    %jit3A_234 = arith.constant 8192 : i32
    %broadcast_in_dim3A_235 = vector.broadcast %jit3A_234 : i32 to vector<256x8192xi32>
    %select_n3A_236 = arith.select %eq3A_233, %iota3A, %broadcast_in_dim3A_235 : vector<256x8192xi1>, vector<256x8192xi32>
    %reduce_min3A_237 = arith.constant dense<2147483647> : vector<256xi32>
    %reduce_min3A_238 = vector.multi_reduction <minsi>, %select_n3A_236, %reduce_min3A_237 [1] : vector<256x8192xi32> to vector<256xi32>
    %broadcast_in_dim3A_239 = vector.shape_cast %reduce_min3A_238 : vector<256xi32> to vector<256x1xi32>
    %eq3A_240 = arith.constant 7 : i32
    %eq3A_241 = vector.broadcast %eq3A_240 : i32 to vector<256x16xi32>
    %eq3A_242 = arith.cmpi eq, %iota3A_30, %eq3A_241 : vector<256x16xi32>
    %broadcast_in_dim3A_243 = vector.shape_cast %broadcast_in_dim3A_231 : vector<256x1xf32> to vector<256x1xf32>
    %broadcast_in_dim3A_244 = vector.broadcast %broadcast_in_dim3A_243 : vector<256x1xf32> to vector<256x16xf32>
    %select_n3A_245 = arith.select %eq3A_242, %broadcast_in_dim3A_244, %select_n3A_217 : vector<256x16xi1>, vector<256x16xf32>
    %eq3A_246 = arith.constant 7 : i32
    %eq3A_247 = vector.broadcast %eq3A_246 : i32 to vector<256x16xi32>
    %eq3A_248 = arith.cmpi eq, %iota3A_30, %eq3A_247 : vector<256x16xi32>
    %broadcast_in_dim3A_249 = vector.shape_cast %broadcast_in_dim3A_239 : vector<256x1xi32> to vector<256x1xi32>
    %broadcast_in_dim3A_250 = vector.broadcast %broadcast_in_dim3A_249 : vector<256x1xi32> to vector<256x16xi32>
    %select_n3A_251 = arith.select %eq3A_248, %broadcast_in_dim3A_250, %select_n3A_223 : vector<256x16xi1>, vector<256x16xi32>
    %eq3A_252 = vector.broadcast %broadcast_in_dim3A_239 : vector<256x1xi32> to vector<256x8192xi32>
    %eq3A_253 = arith.cmpi eq, %iota3A, %eq3A_252 : vector<256x8192xi32>
    %jit3A_254 = arith.constant 3.000000e+10 : f32
    %broadcast_in_dim3A_255 = vector.broadcast %jit3A_254 : f32 to vector<256x8192xf32>
    %select_n3A_256 = arith.select %eq3A_253, %broadcast_in_dim3A_255, %select_n3A_228 : vector<256x8192xi1>, vector<256x8192xf32>
    %reduce_min3A_257 = arith.constant dense<0x7F800000> : vector<256xf32>
    %reduce_min3A_258 = vector.multi_reduction <minimumf>, %select_n3A_256, %reduce_min3A_257 [1] : vector<256x8192xf32> to vector<256xf32>
    %broadcast_in_dim3A_259 = vector.shape_cast %reduce_min3A_258 : vector<256xf32> to vector<256x1xf32>
    %eq3A_260 = vector.broadcast %broadcast_in_dim3A_259 : vector<256x1xf32> to vector<256x8192xf32>
    %eq3A_261 = arith.cmpf oeq, %select_n3A_256, %eq3A_260 : vector<256x8192xf32>
    %jit3A_262 = arith.constant 8192 : i32
    %broadcast_in_dim3A_263 = vector.broadcast %jit3A_262 : i32 to vector<256x8192xi32>
    %select_n3A_264 = arith.select %eq3A_261, %iota3A, %broadcast_in_dim3A_263 : vector<256x8192xi1>, vector<256x8192xi32>
    %reduce_min3A_265 = arith.constant dense<2147483647> : vector<256xi32>
    %reduce_min3A_266 = vector.multi_reduction <minsi>, %select_n3A_264, %reduce_min3A_265 [1] : vector<256x8192xi32> to vector<256xi32>
    %broadcast_in_dim3A_267 = vector.shape_cast %reduce_min3A_266 : vector<256xi32> to vector<256x1xi32>
    %eq3A_268 = arith.constant 8 : i32
    %eq3A_269 = vector.broadcast %eq3A_268 : i32 to vector<256x16xi32>
    %eq3A_270 = arith.cmpi eq, %iota3A_30, %eq3A_269 : vector<256x16xi32>
    %broadcast_in_dim3A_271 = vector.shape_cast %broadcast_in_dim3A_259 : vector<256x1xf32> to vector<256x1xf32>
    %broadcast_in_dim3A_272 = vector.broadcast %broadcast_in_dim3A_271 : vector<256x1xf32> to vector<256x16xf32>
    %select_n3A_273 = arith.select %eq3A_270, %broadcast_in_dim3A_272, %select_n3A_245 : vector<256x16xi1>, vector<256x16xf32>
    %eq3A_274 = arith.constant 8 : i32
    %eq3A_275 = vector.broadcast %eq3A_274 : i32 to vector<256x16xi32>
    %eq3A_276 = arith.cmpi eq, %iota3A_30, %eq3A_275 : vector<256x16xi32>
    %broadcast_in_dim3A_277 = vector.shape_cast %broadcast_in_dim3A_267 : vector<256x1xi32> to vector<256x1xi32>
    %broadcast_in_dim3A_278 = vector.broadcast %broadcast_in_dim3A_277 : vector<256x1xi32> to vector<256x16xi32>
    %select_n3A_279 = arith.select %eq3A_276, %broadcast_in_dim3A_278, %select_n3A_251 : vector<256x16xi1>, vector<256x16xi32>
    %eq3A_280 = vector.broadcast %broadcast_in_dim3A_267 : vector<256x1xi32> to vector<256x8192xi32>
    %eq3A_281 = arith.cmpi eq, %iota3A, %eq3A_280 : vector<256x8192xi32>
    %jit3A_282 = arith.constant 3.000000e+10 : f32
    %broadcast_in_dim3A_283 = vector.broadcast %jit3A_282 : f32 to vector<256x8192xf32>
    %select_n3A_284 = arith.select %eq3A_281, %broadcast_in_dim3A_283, %select_n3A_256 : vector<256x8192xi1>, vector<256x8192xf32>
    %reduce_min3A_285 = arith.constant dense<0x7F800000> : vector<256xf32>
    %reduce_min3A_286 = vector.multi_reduction <minimumf>, %select_n3A_284, %reduce_min3A_285 [1] : vector<256x8192xf32> to vector<256xf32>
    %broadcast_in_dim3A_287 = vector.shape_cast %reduce_min3A_286 : vector<256xf32> to vector<256x1xf32>
    %eq3A_288 = vector.broadcast %broadcast_in_dim3A_287 : vector<256x1xf32> to vector<256x8192xf32>
    %eq3A_289 = arith.cmpf oeq, %select_n3A_284, %eq3A_288 : vector<256x8192xf32>
    %jit3A_290 = arith.constant 8192 : i32
    %broadcast_in_dim3A_291 = vector.broadcast %jit3A_290 : i32 to vector<256x8192xi32>
    %select_n3A_292 = arith.select %eq3A_289, %iota3A, %broadcast_in_dim3A_291 : vector<256x8192xi1>, vector<256x8192xi32>
    %reduce_min3A_293 = arith.constant dense<2147483647> : vector<256xi32>
    %reduce_min3A_294 = vector.multi_reduction <minsi>, %select_n3A_292, %reduce_min3A_293 [1] : vector<256x8192xi32> to vector<256xi32>
    %broadcast_in_dim3A_295 = vector.shape_cast %reduce_min3A_294 : vector<256xi32> to vector<256x1xi32>
    %eq3A_296 = arith.constant 9 : i32
    %eq3A_297 = vector.broadcast %eq3A_296 : i32 to vector<256x16xi32>
    %eq3A_298 = arith.cmpi eq, %iota3A_30, %eq3A_297 : vector<256x16xi32>
    %broadcast_in_dim3A_299 = vector.shape_cast %broadcast_in_dim3A_287 : vector<256x1xf32> to vector<256x1xf32>
    %broadcast_in_dim3A_300 = vector.broadcast %broadcast_in_dim3A_299 : vector<256x1xf32> to vector<256x16xf32>
    %select_n3A_301 = arith.select %eq3A_298, %broadcast_in_dim3A_300, %select_n3A_273 : vector<256x16xi1>, vector<256x16xf32>
    %eq3A_302 = arith.constant 9 : i32
    %eq3A_303 = vector.broadcast %eq3A_302 : i32 to vector<256x16xi32>
    %eq3A_304 = arith.cmpi eq, %iota3A_30, %eq3A_303 : vector<256x16xi32>
    %broadcast_in_dim3A_305 = vector.shape_cast %broadcast_in_dim3A_295 : vector<256x1xi32> to vector<256x1xi32>
    %broadcast_in_dim3A_306 = vector.broadcast %broadcast_in_dim3A_305 : vector<256x1xi32> to vector<256x16xi32>
    %select_n3A_307 = arith.select %eq3A_304, %broadcast_in_dim3A_306, %select_n3A_279 : vector<256x16xi1>, vector<256x16xi32>
    %eq3A_308 = vector.broadcast %broadcast_in_dim3A_295 : vector<256x1xi32> to vector<256x8192xi32>
    %eq3A_309 = arith.cmpi eq, %iota3A, %eq3A_308 : vector<256x8192xi32>
    %jit3A_310 = arith.constant 3.000000e+10 : f32
    %broadcast_in_dim3A_311 = vector.broadcast %jit3A_310 : f32 to vector<256x8192xf32>
    %select_n3A_312 = arith.select %eq3A_309, %broadcast_in_dim3A_311, %select_n3A_284 : vector<256x8192xi1>, vector<256x8192xf32>
    %reduce_min3A_313 = arith.constant dense<0x7F800000> : vector<256xf32>
    %reduce_min3A_314 = vector.multi_reduction <minimumf>, %select_n3A_312, %reduce_min3A_313 [1] : vector<256x8192xf32> to vector<256xf32>
    %broadcast_in_dim3A_315 = vector.shape_cast %reduce_min3A_314 : vector<256xf32> to vector<256x1xf32>
    %eq3A_316 = vector.broadcast %broadcast_in_dim3A_315 : vector<256x1xf32> to vector<256x8192xf32>
    %eq3A_317 = arith.cmpf oeq, %select_n3A_312, %eq3A_316 : vector<256x8192xf32>
    %jit3A_318 = arith.constant 8192 : i32
    %broadcast_in_dim3A_319 = vector.broadcast %jit3A_318 : i32 to vector<256x8192xi32>
    %select_n3A_320 = arith.select %eq3A_317, %iota3A, %broadcast_in_dim3A_319 : vector<256x8192xi1>, vector<256x8192xi32>
    %reduce_min3A_321 = arith.constant dense<2147483647> : vector<256xi32>
    %reduce_min3A_322 = vector.multi_reduction <minsi>, %select_n3A_320, %reduce_min3A_321 [1] : vector<256x8192xi32> to vector<256xi32>
    %broadcast_in_dim3A_323 = vector.shape_cast %reduce_min3A_322 : vector<256xi32> to vector<256x1xi32>
    %eq3A_324 = arith.constant 10 : i32
    %eq3A_325 = vector.broadcast %eq3A_324 : i32 to vector<256x16xi32>
    %eq3A_326 = arith.cmpi eq, %iota3A_30, %eq3A_325 : vector<256x16xi32>
    %broadcast_in_dim3A_327 = vector.shape_cast %broadcast_in_dim3A_315 : vector<256x1xf32> to vector<256x1xf32>
    %broadcast_in_dim3A_328 = vector.broadcast %broadcast_in_dim3A_327 : vector<256x1xf32> to vector<256x16xf32>
    %select_n3A_329 = arith.select %eq3A_326, %broadcast_in_dim3A_328, %select_n3A_301 : vector<256x16xi1>, vector<256x16xf32>
    %eq3A_330 = arith.constant 10 : i32
    %eq3A_331 = vector.broadcast %eq3A_330 : i32 to vector<256x16xi32>
    %eq3A_332 = arith.cmpi eq, %iota3A_30, %eq3A_331 : vector<256x16xi32>
    %broadcast_in_dim3A_333 = vector.shape_cast %broadcast_in_dim3A_323 : vector<256x1xi32> to vector<256x1xi32>
    %broadcast_in_dim3A_334 = vector.broadcast %broadcast_in_dim3A_333 : vector<256x1xi32> to vector<256x16xi32>
    %select_n3A_335 = arith.select %eq3A_332, %broadcast_in_dim3A_334, %select_n3A_307 : vector<256x16xi1>, vector<256x16xi32>
    %eq3A_336 = vector.broadcast %broadcast_in_dim3A_323 : vector<256x1xi32> to vector<256x8192xi32>
    %eq3A_337 = arith.cmpi eq, %iota3A, %eq3A_336 : vector<256x8192xi32>
    %jit3A_338 = arith.constant 3.000000e+10 : f32
    %broadcast_in_dim3A_339 = vector.broadcast %jit3A_338 : f32 to vector<256x8192xf32>
    %select_n3A_340 = arith.select %eq3A_337, %broadcast_in_dim3A_339, %select_n3A_312 : vector<256x8192xi1>, vector<256x8192xf32>
    %reduce_min3A_341 = arith.constant dense<0x7F800000> : vector<256xf32>
    %reduce_min3A_342 = vector.multi_reduction <minimumf>, %select_n3A_340, %reduce_min3A_341 [1] : vector<256x8192xf32> to vector<256xf32>
    %broadcast_in_dim3A_343 = vector.shape_cast %reduce_min3A_342 : vector<256xf32> to vector<256x1xf32>
    %eq3A_344 = vector.broadcast %broadcast_in_dim3A_343 : vector<256x1xf32> to vector<256x8192xf32>
    %eq3A_345 = arith.cmpf oeq, %select_n3A_340, %eq3A_344 : vector<256x8192xf32>
    %jit3A_346 = arith.constant 8192 : i32
    %broadcast_in_dim3A_347 = vector.broadcast %jit3A_346 : i32 to vector<256x8192xi32>
    %select_n3A_348 = arith.select %eq3A_345, %iota3A, %broadcast_in_dim3A_347 : vector<256x8192xi1>, vector<256x8192xi32>
    %reduce_min3A_349 = arith.constant dense<2147483647> : vector<256xi32>
    %reduce_min3A_350 = vector.multi_reduction <minsi>, %select_n3A_348, %reduce_min3A_349 [1] : vector<256x8192xi32> to vector<256xi32>
    %broadcast_in_dim3A_351 = vector.shape_cast %reduce_min3A_350 : vector<256xi32> to vector<256x1xi32>
    %eq3A_352 = arith.constant 11 : i32
    %eq3A_353 = vector.broadcast %eq3A_352 : i32 to vector<256x16xi32>
    %eq3A_354 = arith.cmpi eq, %iota3A_30, %eq3A_353 : vector<256x16xi32>
    %broadcast_in_dim3A_355 = vector.shape_cast %broadcast_in_dim3A_343 : vector<256x1xf32> to vector<256x1xf32>
    %broadcast_in_dim3A_356 = vector.broadcast %broadcast_in_dim3A_355 : vector<256x1xf32> to vector<256x16xf32>
    %select_n3A_357 = arith.select %eq3A_354, %broadcast_in_dim3A_356, %select_n3A_329 : vector<256x16xi1>, vector<256x16xf32>
    %eq3A_358 = arith.constant 11 : i32
    %eq3A_359 = vector.broadcast %eq3A_358 : i32 to vector<256x16xi32>
    %eq3A_360 = arith.cmpi eq, %iota3A_30, %eq3A_359 : vector<256x16xi32>
    %broadcast_in_dim3A_361 = vector.shape_cast %broadcast_in_dim3A_351 : vector<256x1xi32> to vector<256x1xi32>
    %broadcast_in_dim3A_362 = vector.broadcast %broadcast_in_dim3A_361 : vector<256x1xi32> to vector<256x16xi32>
    %select_n3A_363 = arith.select %eq3A_360, %broadcast_in_dim3A_362, %select_n3A_335 : vector<256x16xi1>, vector<256x16xi32>
    %eq3A_364 = vector.broadcast %broadcast_in_dim3A_351 : vector<256x1xi32> to vector<256x8192xi32>
    %eq3A_365 = arith.cmpi eq, %iota3A, %eq3A_364 : vector<256x8192xi32>
    %jit3A_366 = arith.constant 3.000000e+10 : f32
    %broadcast_in_dim3A_367 = vector.broadcast %jit3A_366 : f32 to vector<256x8192xf32>
    %select_n3A_368 = arith.select %eq3A_365, %broadcast_in_dim3A_367, %select_n3A_340 : vector<256x8192xi1>, vector<256x8192xf32>
    %reduce_min3A_369 = arith.constant dense<0x7F800000> : vector<256xf32>
    %reduce_min3A_370 = vector.multi_reduction <minimumf>, %select_n3A_368, %reduce_min3A_369 [1] : vector<256x8192xf32> to vector<256xf32>
    %broadcast_in_dim3A_371 = vector.shape_cast %reduce_min3A_370 : vector<256xf32> to vector<256x1xf32>
    %eq3A_372 = vector.broadcast %broadcast_in_dim3A_371 : vector<256x1xf32> to vector<256x8192xf32>
    %eq3A_373 = arith.cmpf oeq, %select_n3A_368, %eq3A_372 : vector<256x8192xf32>
    %jit3A_374 = arith.constant 8192 : i32
    %broadcast_in_dim3A_375 = vector.broadcast %jit3A_374 : i32 to vector<256x8192xi32>
    %select_n3A_376 = arith.select %eq3A_373, %iota3A, %broadcast_in_dim3A_375 : vector<256x8192xi1>, vector<256x8192xi32>
    %reduce_min3A_377 = arith.constant dense<2147483647> : vector<256xi32>
    %reduce_min3A_378 = vector.multi_reduction <minsi>, %select_n3A_376, %reduce_min3A_377 [1] : vector<256x8192xi32> to vector<256xi32>
    %broadcast_in_dim3A_379 = vector.shape_cast %reduce_min3A_378 : vector<256xi32> to vector<256x1xi32>
    %eq3A_380 = arith.constant 12 : i32
    %eq3A_381 = vector.broadcast %eq3A_380 : i32 to vector<256x16xi32>
    %eq3A_382 = arith.cmpi eq, %iota3A_30, %eq3A_381 : vector<256x16xi32>
    %broadcast_in_dim3A_383 = vector.shape_cast %broadcast_in_dim3A_371 : vector<256x1xf32> to vector<256x1xf32>
    %broadcast_in_dim3A_384 = vector.broadcast %broadcast_in_dim3A_383 : vector<256x1xf32> to vector<256x16xf32>
    %select_n3A_385 = arith.select %eq3A_382, %broadcast_in_dim3A_384, %select_n3A_357 : vector<256x16xi1>, vector<256x16xf32>
    %eq3A_386 = arith.constant 12 : i32
    %eq3A_387 = vector.broadcast %eq3A_386 : i32 to vector<256x16xi32>
    %eq3A_388 = arith.cmpi eq, %iota3A_30, %eq3A_387 : vector<256x16xi32>
    %broadcast_in_dim3A_389 = vector.shape_cast %broadcast_in_dim3A_379 : vector<256x1xi32> to vector<256x1xi32>
    %broadcast_in_dim3A_390 = vector.broadcast %broadcast_in_dim3A_389 : vector<256x1xi32> to vector<256x16xi32>
    %select_n3A_391 = arith.select %eq3A_388, %broadcast_in_dim3A_390, %select_n3A_363 : vector<256x16xi1>, vector<256x16xi32>
    %eq3A_392 = vector.broadcast %broadcast_in_dim3A_379 : vector<256x1xi32> to vector<256x8192xi32>
    %eq3A_393 = arith.cmpi eq, %iota3A, %eq3A_392 : vector<256x8192xi32>
    %jit3A_394 = arith.constant 3.000000e+10 : f32
    %broadcast_in_dim3A_395 = vector.broadcast %jit3A_394 : f32 to vector<256x8192xf32>
    %select_n3A_396 = arith.select %eq3A_393, %broadcast_in_dim3A_395, %select_n3A_368 : vector<256x8192xi1>, vector<256x8192xf32>
    %reduce_min3A_397 = arith.constant dense<0x7F800000> : vector<256xf32>
    %reduce_min3A_398 = vector.multi_reduction <minimumf>, %select_n3A_396, %reduce_min3A_397 [1] : vector<256x8192xf32> to vector<256xf32>
    %broadcast_in_dim3A_399 = vector.shape_cast %reduce_min3A_398 : vector<256xf32> to vector<256x1xf32>
    %eq3A_400 = vector.broadcast %broadcast_in_dim3A_399 : vector<256x1xf32> to vector<256x8192xf32>
    %eq3A_401 = arith.cmpf oeq, %select_n3A_396, %eq3A_400 : vector<256x8192xf32>
    %jit3A_402 = arith.constant 8192 : i32
    %broadcast_in_dim3A_403 = vector.broadcast %jit3A_402 : i32 to vector<256x8192xi32>
    %select_n3A_404 = arith.select %eq3A_401, %iota3A, %broadcast_in_dim3A_403 : vector<256x8192xi1>, vector<256x8192xi32>
    %reduce_min3A_405 = arith.constant dense<2147483647> : vector<256xi32>
    %reduce_min3A_406 = vector.multi_reduction <minsi>, %select_n3A_404, %reduce_min3A_405 [1] : vector<256x8192xi32> to vector<256xi32>
    %broadcast_in_dim3A_407 = vector.shape_cast %reduce_min3A_406 : vector<256xi32> to vector<256x1xi32>
    %eq3A_408 = arith.constant 13 : i32
    %eq3A_409 = vector.broadcast %eq3A_408 : i32 to vector<256x16xi32>
    %eq3A_410 = arith.cmpi eq, %iota3A_30, %eq3A_409 : vector<256x16xi32>
    %broadcast_in_dim3A_411 = vector.shape_cast %broadcast_in_dim3A_399 : vector<256x1xf32> to vector<256x1xf32>
    %broadcast_in_dim3A_412 = vector.broadcast %broadcast_in_dim3A_411 : vector<256x1xf32> to vector<256x16xf32>
    %select_n3A_413 = arith.select %eq3A_410, %broadcast_in_dim3A_412, %select_n3A_385 : vector<256x16xi1>, vector<256x16xf32>
    %eq3A_414 = arith.constant 13 : i32
    %eq3A_415 = vector.broadcast %eq3A_414 : i32 to vector<256x16xi32>
    %eq3A_416 = arith.cmpi eq, %iota3A_30, %eq3A_415 : vector<256x16xi32>
    %broadcast_in_dim3A_417 = vector.shape_cast %broadcast_in_dim3A_407 : vector<256x1xi32> to vector<256x1xi32>
    %broadcast_in_dim3A_418 = vector.broadcast %broadcast_in_dim3A_417 : vector<256x1xi32> to vector<256x16xi32>
    %select_n3A_419 = arith.select %eq3A_416, %broadcast_in_dim3A_418, %select_n3A_391 : vector<256x16xi1>, vector<256x16xi32>
    %eq3A_420 = vector.broadcast %broadcast_in_dim3A_407 : vector<256x1xi32> to vector<256x8192xi32>
    %eq3A_421 = arith.cmpi eq, %iota3A, %eq3A_420 : vector<256x8192xi32>
    %jit3A_422 = arith.constant 3.000000e+10 : f32
    %broadcast_in_dim3A_423 = vector.broadcast %jit3A_422 : f32 to vector<256x8192xf32>
    %select_n3A_424 = arith.select %eq3A_421, %broadcast_in_dim3A_423, %select_n3A_396 : vector<256x8192xi1>, vector<256x8192xf32>
    %reduce_min3A_425 = arith.constant dense<0x7F800000> : vector<256xf32>
    %reduce_min3A_426 = vector.multi_reduction <minimumf>, %select_n3A_424, %reduce_min3A_425 [1] : vector<256x8192xf32> to vector<256xf32>
    %broadcast_in_dim3A_427 = vector.shape_cast %reduce_min3A_426 : vector<256xf32> to vector<256x1xf32>
    %eq3A_428 = vector.broadcast %broadcast_in_dim3A_427 : vector<256x1xf32> to vector<256x8192xf32>
    %eq3A_429 = arith.cmpf oeq, %select_n3A_424, %eq3A_428 : vector<256x8192xf32>
    %jit3A_430 = arith.constant 8192 : i32
    %broadcast_in_dim3A_431 = vector.broadcast %jit3A_430 : i32 to vector<256x8192xi32>
    %select_n3A_432 = arith.select %eq3A_429, %iota3A, %broadcast_in_dim3A_431 : vector<256x8192xi1>, vector<256x8192xi32>
    %reduce_min3A_433 = arith.constant dense<2147483647> : vector<256xi32>
    %reduce_min3A_434 = vector.multi_reduction <minsi>, %select_n3A_432, %reduce_min3A_433 [1] : vector<256x8192xi32> to vector<256xi32>
    %broadcast_in_dim3A_435 = vector.shape_cast %reduce_min3A_434 : vector<256xi32> to vector<256x1xi32>
    %eq3A_436 = arith.constant 14 : i32
    %eq3A_437 = vector.broadcast %eq3A_436 : i32 to vector<256x16xi32>
    %eq3A_438 = arith.cmpi eq, %iota3A_30, %eq3A_437 : vector<256x16xi32>
    %broadcast_in_dim3A_439 = vector.shape_cast %broadcast_in_dim3A_427 : vector<256x1xf32> to vector<256x1xf32>
    %broadcast_in_dim3A_440 = vector.broadcast %broadcast_in_dim3A_439 : vector<256x1xf32> to vector<256x16xf32>
    %select_n3A_441 = arith.select %eq3A_438, %broadcast_in_dim3A_440, %select_n3A_413 : vector<256x16xi1>, vector<256x16xf32>
    %eq3A_442 = arith.constant 14 : i32
    %eq3A_443 = vector.broadcast %eq3A_442 : i32 to vector<256x16xi32>
    %eq3A_444 = arith.cmpi eq, %iota3A_30, %eq3A_443 : vector<256x16xi32>
    %broadcast_in_dim3A_445 = vector.shape_cast %broadcast_in_dim3A_435 : vector<256x1xi32> to vector<256x1xi32>
    %broadcast_in_dim3A_446 = vector.broadcast %broadcast_in_dim3A_445 : vector<256x1xi32> to vector<256x16xi32>
    %select_n3A_447 = arith.select %eq3A_444, %broadcast_in_dim3A_446, %select_n3A_419 : vector<256x16xi1>, vector<256x16xi32>
    %eq3A_448 = vector.broadcast %broadcast_in_dim3A_435 : vector<256x1xi32> to vector<256x8192xi32>
    %eq3A_449 = arith.cmpi eq, %iota3A, %eq3A_448 : vector<256x8192xi32>
    %jit3A_450 = arith.constant 3.000000e+10 : f32
    %broadcast_in_dim3A_451 = vector.broadcast %jit3A_450 : f32 to vector<256x8192xf32>
    %select_n3A_452 = arith.select %eq3A_449, %broadcast_in_dim3A_451, %select_n3A_424 : vector<256x8192xi1>, vector<256x8192xf32>
    %reduce_min3A_453 = arith.constant dense<0x7F800000> : vector<256xf32>
    %reduce_min3A_454 = vector.multi_reduction <minimumf>, %select_n3A_452, %reduce_min3A_453 [1] : vector<256x8192xf32> to vector<256xf32>
    %broadcast_in_dim3A_455 = vector.shape_cast %reduce_min3A_454 : vector<256xf32> to vector<256x1xf32>
    %eq3A_456 = vector.broadcast %broadcast_in_dim3A_455 : vector<256x1xf32> to vector<256x8192xf32>
    %eq3A_457 = arith.cmpf oeq, %select_n3A_452, %eq3A_456 : vector<256x8192xf32>
    %jit3A_458 = arith.constant 8192 : i32
    %broadcast_in_dim3A_459 = vector.broadcast %jit3A_458 : i32 to vector<256x8192xi32>
    %select_n3A_460 = arith.select %eq3A_457, %iota3A, %broadcast_in_dim3A_459 : vector<256x8192xi1>, vector<256x8192xi32>
    %reduce_min3A_461 = arith.constant dense<2147483647> : vector<256xi32>
    %reduce_min3A_462 = vector.multi_reduction <minsi>, %select_n3A_460, %reduce_min3A_461 [1] : vector<256x8192xi32> to vector<256xi32>
    %broadcast_in_dim3A_463 = vector.shape_cast %reduce_min3A_462 : vector<256xi32> to vector<256x1xi32>
    %eq3A_464 = arith.constant 15 : i32
    %eq3A_465 = vector.broadcast %eq3A_464 : i32 to vector<256x16xi32>
    %eq3A_466 = arith.cmpi eq, %iota3A_30, %eq3A_465 : vector<256x16xi32>
    %broadcast_in_dim3A_467 = vector.shape_cast %broadcast_in_dim3A_455 : vector<256x1xf32> to vector<256x1xf32>
    %broadcast_in_dim3A_468 = vector.broadcast %broadcast_in_dim3A_467 : vector<256x1xf32> to vector<256x16xf32>
    %select_n3A_469 = arith.select %eq3A_466, %broadcast_in_dim3A_468, %select_n3A_441 : vector<256x16xi1>, vector<256x16xf32>
    %eq3A_470 = arith.constant 15 : i32
    %eq3A_471 = vector.broadcast %eq3A_470 : i32 to vector<256x16xi32>
    %eq3A_472 = arith.cmpi eq, %iota3A_30, %eq3A_471 : vector<256x16xi32>
    %broadcast_in_dim3A_473 = vector.shape_cast %broadcast_in_dim3A_463 : vector<256x1xi32> to vector<256x1xi32>
    %broadcast_in_dim3A_474 = vector.broadcast %broadcast_in_dim3A_473 : vector<256x1xi32> to vector<256x16xi32>
    %select_n3A_475 = arith.select %eq3A_472, %broadcast_in_dim3A_474, %select_n3A_447 : vector<256x16xi1>, vector<256x16xi32>
    %lt3A = arith.constant 1.000000e+09 : f32
    %lt3A_476 = vector.broadcast %lt3A : f32 to vector<256x16xf32>
    %lt3A_477 = arith.cmpf olt, %select_n3A_469, %lt3A_476 : vector<256x16xf32>
    %slice3A = vector.extract_strided_slice %select_n3A_475 {offsets = [0, 0], sizes = [256, 1], strides = [1, 1]} : vector<256x16xi32> to vector<256x1xi32>
    %slice3A_478 = vector.extract_strided_slice %select_n3A_469 {offsets = [0, 0], sizes = [256, 1], strides = [1, 1]} : vector<256x16xf32> to vector<256x1xf32>
    %broadcast_in_dim3A_479 = vector.shape_cast %slice3A : vector<256x1xi32> to vector<256x1xi32>
    %broadcast_in_dim3A_480 = vector.broadcast %broadcast_in_dim3A_479 : vector<256x1xi32> to vector<256x16xi32>
    %select_n3A_481 = arith.select %lt3A_477, %select_n3A_475, %broadcast_in_dim3A_480 : vector<256x16xi1>, vector<256x16xi32>
    %swap3A = arith.constant 0 : index
    %swap3A_482 = arith.constant 0 : index
    %swap3A_483 = vector.load %arg7[%swap3A, %swap3A_482] : memref<256x16xi32, #tpu.memory_space<vmem>>, vector<256x16xi32>
    tpu.vector_store %arg7[%swap3A, %swap3A_482], %select_n3A_481 {strides = array<i32>} : memref<256x16xi32, #tpu.memory_space<vmem>>, vector<256x16xi32>,
    %broadcast_in_dim3A_484 = vector.shape_cast %slice3A_478 : vector<256x1xf32> to vector<256x1xf32>
    %broadcast_in_dim3A_485 = vector.broadcast %broadcast_in_dim3A_484 : vector<256x1xf32> to vector<256x16xf32>
    %select_n3A_486 = arith.select %lt3A_477, %select_n3A_469, %broadcast_in_dim3A_485 : vector<256x16xi1>, vector<256x16xf32>
    %swap3A_487 = arith.constant 0 : index
    %swap3A_488 = arith.constant 0 : index
    %swap3A_489 = vector.load %arg8[%swap3A_487, %swap3A_488] : memref<256x16xf32, #tpu.memory_space<vmem>>, vector<256x16xf32>
    tpu.vector_store %arg8[%swap3A_487, %swap3A_488], %select_n3A_486 {strides = array<i32>} : memref<256x16xf32, #tpu.memory_space<vmem>>, vector<256x16xf32>,
    return
  }
  func.func @transform_0(%arg0: i32) -> (i32, i32) {
    %c0_i32 = arith.constant 0 : i32
    %c0_i32_0 = arith.constant 0 : i32
    return %arg0, %c0_i32 : i32, i32
  }
  func.func @transform_1(%arg0: i32) -> (i32, i32) {
    %c0_i32 = arith.constant 0 : i32
    %c0_i32_0 = arith.constant 0 : i32
    return %arg0, %c0_i32 : i32, i32
  }
  func.func @transform_2(%arg0: i32) -> (i32, i32) {
    %c0_i32 = arith.constant 0 : i32
    %c0_i32_0 = arith.constant 0 : i32
    return %arg0, %c0_i32 : i32, i32
  }
  func.func @transform_3(%arg0: i32) -> (i32, i32) {
    %c0_i32 = arith.constant 0 : i32
    %c0_i32_0 = arith.constant 0 : i32
    %c0_i32_1 = arith.constant 0 : i32
    return %c0_i32, %c0_i32_0 : i32, i32
  }
  func.func @transform_4(%arg0: i32) -> (i32, i32) {
    %c0_i32 = arith.constant 0 : i32
    %c0_i32_0 = arith.constant 0 : i32
    %c0_i32_1 = arith.constant 0 : i32
    return %c0_i32, %c0_i32_0 : i32, i32
  }
  func.func @transform_5(%arg0: i32) -> (i32, i32) {
    %c0_i32 = arith.constant 0 : i32
    %c0_i32_0 = arith.constant 0 : i32
    %c0_i32_1 = arith.constant 0 : i32
    return %c0_i32, %c0_i32_0 : i32, i32
  }
  func.func @transform_6(%arg0: i32) -> (i32, i32) {
    %c0_i32 = arith.constant 0 : i32
    %c0_i32_0 = arith.constant 0 : i32
    return %arg0, %c0_i32 : i32, i32
  }
  func.func @transform_7(%arg0: i32) -> (i32, i32) {
    %c0_i32 = arith.constant 0 : i32
    %c0_i32_0 = arith.constant 0 : i32
    return %arg0, %c0_i32 : i32, i32
  }
}

module attributes {stable_mosaic.version = 14 : i64} {
  func.func @_prep_body(%arg0: memref<8192x3xf32, #tpu.memory_space<vmem>>, %arg1: memref<8192x128xf32, #tpu.memory_space<vmem>>) attributes {dimension_semantics = [], scalar_prefetch = 0 : i64, scratch_operands = 0 : i64, tpu.core_type = #tpu.core_type<tc>} {
    %get3A = arith.constant 0 : index
    %get3A_0 = arith.constant 0 : index
    %get3A_1 = vector.load %arg0[%get3A, %get3A_0] : memref<8192x3xf32, #tpu.memory_space<vmem>>, vector<8192x3xf32>
    %slice3A = vector.extract_strided_slice %get3A_1 {offsets = [0, 0], sizes = [8192, 1], strides = [1, 1]} : vector<8192x3xf32> to vector<8192x1xf32>
    %slice3A_2 = vector.extract_strided_slice %get3A_1 {offsets = [0, 1], sizes = [8192, 1], strides = [1, 1]} : vector<8192x3xf32> to vector<8192x1xf32>
    %slice3A_3 = vector.extract_strided_slice %get3A_1 {offsets = [0, 2], sizes = [8192, 1], strides = [1, 1]} : vector<8192x3xf32> to vector<8192x1xf32>
    %mul3A = arith.mulf %slice3A, %slice3A : vector<8192x1xf32>
    %mul3A_4 = arith.mulf %slice3A_2, %slice3A_2 : vector<8192x1xf32>
    %add3A = arith.addf %mul3A, %mul3A_4 : vector<8192x1xf32>
    %mul3A_5 = arith.mulf %slice3A_3, %slice3A_3 : vector<8192x1xf32>
    %add3A_6 = arith.addf %add3A, %mul3A_5 : vector<8192x1xf32>
    %sqrt3A = math.sqrt %add3A_6 : vector<8192x1xf32>
    %broadcast_in_dim3A = arith.constant 0.000000e+00 : f32
    %broadcast_in_dim3A_7 = vector.broadcast %broadcast_in_dim3A : f32 to vector<8192x124xf32>
    %concatenate3A = tpu.concatenate %sqrt3A, %slice3A, %slice3A_2, %slice3A_3, %broadcast_in_dim3A_7 in 1 : vector<8192x1xf32>, vector<8192x1xf32>, vector<8192x1xf32>, vector<8192x1xf32>, vector<8192x124xf32> -> vector<8192x128xf32>
    %swap3A = arith.constant 0 : index
    %swap3A_8 = arith.constant 0 : index
    %swap3A_9 = vector.load %arg1[%swap3A, %swap3A_8] : memref<8192x128xf32, #tpu.memory_space<vmem>>, vector<8192x128xf32>
    tpu.vector_store %arg1[%swap3A, %swap3A_8], %concatenate3A {strides = array<i32>} : memref<8192x128xf32, #tpu.memory_space<vmem>>, vector<8192x128xf32>,
    return
  }
}

module attributes {stable_mosaic.version = 14 : i64} {
  func.func @_fps_body(%arg0: memref<8x64xf32, #tpu.memory_space<vmem>>, %arg1: memref<8x64xf32, #tpu.memory_space<vmem>>, %arg2: memref<8x64xf32, #tpu.memory_space<vmem>>, %arg3: memref<8x16xf32, #tpu.memory_space<vmem>>, %arg4: memref<8x16xf32, #tpu.memory_space<vmem>>, %arg5: memref<8x16xf32, #tpu.memory_space<vmem>>) attributes {dimension_semantics = [], scalar_prefetch = 0 : i64, scratch_operands = 0 : i64, tpu.core_type = #tpu.core_type<tc>} {
    %get3A = arith.constant 0 : index
    %get3A_0 = arith.constant 0 : index
    %get3A_1 = vector.load %arg0[%get3A, %get3A_0] : memref<8x64xf32, #tpu.memory_space<vmem>>, vector<8x64xf32>
    %get3A_2 = arith.constant 0 : index
    %get3A_3 = arith.constant 0 : index
    %get3A_4 = vector.load %arg1[%get3A_2, %get3A_3] : memref<8x64xf32, #tpu.memory_space<vmem>>, vector<8x64xf32>
    %get3A_5 = arith.constant 0 : index
    %get3A_6 = arith.constant 0 : index
    %get3A_7 = vector.load %arg2[%get3A_5, %get3A_6] : memref<8x64xf32, #tpu.memory_space<vmem>>, vector<8x64xf32>
    %iota3A = tpu.iota {dimensions = array<i32: 0>} : vector<8x64xi32>
    %mul3A = arith.constant 64 : i32
    %mul3A_8 = vector.broadcast %mul3A : i32 to vector<8x64xi32>
    %mul3A_9 = arith.muli %iota3A, %mul3A_8 : vector<8x64xi32>
    %iota3A_10 = tpu.iota {dimensions = array<i32: 1>} : vector<8x64xi32>
    %add3A = arith.addi %mul3A_9, %iota3A_10 : vector<8x64xi32>
    %iota3A_11 = tpu.iota {dimensions = array<i32: 0>} : vector<8x16xi32>
    %mul3A_12 = arith.constant 16 : i32
    %mul3A_13 = vector.broadcast %mul3A_12 : i32 to vector<8x16xi32>
    %mul3A_14 = arith.muli %iota3A_11, %mul3A_13 : vector<8x16xi32>
    %iota3A_15 = tpu.iota {dimensions = array<i32: 1>} : vector<8x16xi32>
    %add3A_16 = arith.addi %mul3A_14, %iota3A_15 : vector<8x16xi32>
    %concatenate3A = tpu.concatenate %get3A_1, %get3A_4, %get3A_7 in 0 : vector<8x64xf32>, vector<8x64xf32>, vector<8x64xf32> -> vector<24x64xf32>
    %broadcast_in_dim3A = arith.constant 0.000000e+00 : f32
    %broadcast_in_dim3A_17 = vector.broadcast %broadcast_in_dim3A : f32 to vector<24x64xf32>
    %broadcast_in_dim3A_18 = arith.constant 1.000000e+30 : f32
    %broadcast_in_dim3A_19 = vector.broadcast %broadcast_in_dim3A_18 : f32 to vector<8x64xf32>
    %slice3A = vector.extract_strided_slice %get3A_1 {offsets = [0, 0], sizes = [1, 1], strides = [1, 1]} : vector<8x64xf32> to vector<1x1xf32>
    %slice3A_20 = vector.extract_strided_slice %get3A_4 {offsets = [0, 0], sizes = [1, 1], strides = [1, 1]} : vector<8x64xf32> to vector<1x1xf32>
    %slice3A_21 = vector.extract_strided_slice %get3A_7 {offsets = [0, 0], sizes = [1, 1], strides = [1, 1]} : vector<8x64xf32> to vector<1x1xf32>
    %broadcast_in_dim3A_22 = arith.constant 0.000000e+00 : f32
    %broadcast_in_dim3A_23 = vector.broadcast %broadcast_in_dim3A_22 : f32 to vector<8x16xf32>
    %scan3A = arith.constant 0 : i32
    %scan3A_24 = arith.constant 32 : i32
    %scan3A_25 = arith.addi %scan3A, %scan3A_24 : i32
    %scan3A_26 = arith.constant 1 : i32
    %scan3A_27:7 = scf.for %scan3A_37 = %scan3A to %scan3A_25 step %scan3A_26 iter_args(%scan3A_38 = %broadcast_in_dim3A_19, %scan3A_39 = %slice3A, %scan3A_40 = %slice3A_20, %scan3A_41 = %slice3A_21, %scan3A_42 = %broadcast_in_dim3A_23, %scan3A_43 = %broadcast_in_dim3A_23, %scan3A_44 = %broadcast_in_dim3A_23) -> (vector<8x64xf32>, vector<1x1xf32>, vector<1x1xf32>, vector<1x1xf32>, vector<8x16xf32>, vector<8x16xf32>, vector<8x16xf32>)  : i32 {
      %mul3A_45 = arith.constant 4 : i32
      %mul3A_46 = arith.muli %mul3A_45, %scan3A_37 : i32
      %eq3A = vector.broadcast %mul3A_46 : i32 to vector<8x16xi32>
      %eq3A_47 = arith.cmpi eq, %add3A_16, %eq3A : vector<8x16xi32>
      %broadcast_in_dim3A_48 = vector.shape_cast %scan3A_39 : vector<1x1xf32> to vector<1x1xf32>
      %broadcast_in_dim3A_49 = vector.broadcast %broadcast_in_dim3A_48 : vector<1x1xf32> to vector<8x16xf32>
      %select_n3A = arith.select %eq3A_47, %broadcast_in_dim3A_49, %scan3A_42 : vector<8x16xi1>, vector<8x16xf32>
      %broadcast_in_dim3A_50 = vector.shape_cast %scan3A_40 : vector<1x1xf32> to vector<1x1xf32>
      %broadcast_in_dim3A_51 = vector.broadcast %broadcast_in_dim3A_50 : vector<1x1xf32> to vector<8x16xf32>
      %select_n3A_52 = arith.select %eq3A_47, %broadcast_in_dim3A_51, %scan3A_43 : vector<8x16xi1>, vector<8x16xf32>
      %broadcast_in_dim3A_53 = vector.shape_cast %scan3A_41 : vector<1x1xf32> to vector<1x1xf32>
      %broadcast_in_dim3A_54 = vector.broadcast %broadcast_in_dim3A_53 : vector<1x1xf32> to vector<8x16xf32>
      %select_n3A_55 = arith.select %eq3A_47, %broadcast_in_dim3A_54, %scan3A_44 : vector<8x16xi1>, vector<8x16xf32>
      %sub3A = vector.broadcast %scan3A_39 : vector<1x1xf32> to vector<8x64xf32>
      %sub3A_56 = arith.subf %get3A_1, %sub3A : vector<8x64xf32>
      %sub3A_57 = vector.broadcast %scan3A_40 : vector<1x1xf32> to vector<8x64xf32>
      %sub3A_58 = arith.subf %get3A_4, %sub3A_57 : vector<8x64xf32>
      %sub3A_59 = vector.broadcast %scan3A_41 : vector<1x1xf32> to vector<8x64xf32>
      %sub3A_60 = arith.subf %get3A_7, %sub3A_59 : vector<8x64xf32>
      %mul3A_61 = arith.mulf %sub3A_56, %sub3A_56 : vector<8x64xf32>
      %mul3A_62 = arith.mulf %sub3A_58, %sub3A_58 : vector<8x64xf32>
      %add3A_63 = arith.addf %mul3A_61, %mul3A_62 : vector<8x64xf32>
      %mul3A_64 = arith.mulf %sub3A_60, %sub3A_60 : vector<8x64xf32>
      %add3A_65 = arith.addf %add3A_63, %mul3A_64 : vector<8x64xf32>
      %min3A = arith.minimumf %scan3A_38, %add3A_65 : vector<8x64xf32>
      %reduce_max3A = arith.constant dense<0xFF800000> : vector<8xf32>
      %reduce_max3A_66 = vector.multi_reduction <maximumf>, %min3A, %reduce_max3A [1] : vector<8x64xf32> to vector<8xf32>
      %broadcast_in_dim3A_67 = vector.shape_cast %reduce_max3A_66 : vector<8xf32> to vector<8x1xf32>
      %reduce_max3A_68 = arith.constant dense<0xFF800000> : vector<1xf32>
      %reduce_max3A_69 = vector.multi_reduction <maximumf>, %broadcast_in_dim3A_67, %reduce_max3A_68 [0] : vector<8x1xf32> to vector<1xf32>
      %broadcast_in_dim3A_70 = vector.shape_cast %reduce_max3A_69 : vector<1xf32> to vector<1x1xf32>
      %eq3A_71 = vector.broadcast %broadcast_in_dim3A_70 : vector<1x1xf32> to vector<8x64xf32>
      %eq3A_72 = arith.cmpf oeq, %min3A, %eq3A_71 : vector<8x64xf32>
      %jit3A = arith.constant 512 : i32
      %broadcast_in_dim3A_73 = vector.broadcast %jit3A : i32 to vector<8x64xi32>
      %select_n3A_74 = arith.select %eq3A_72, %add3A, %broadcast_in_dim3A_73 : vector<8x64xi1>, vector<8x64xi32>
      %reduce_min3A = arith.constant dense<2147483647> : vector<8xi32>
      %reduce_min3A_75 = vector.multi_reduction <minsi>, %select_n3A_74, %reduce_min3A [1] : vector<8x64xi32> to vector<8xi32>
      %broadcast_in_dim3A_76 = vector.shape_cast %reduce_min3A_75 : vector<8xi32> to vector<8x1xi32>
      %reduce_min3A_77 = arith.constant dense<2147483647> : vector<1xi32>
      %reduce_min3A_78 = vector.multi_reduction <minsi>, %broadcast_in_dim3A_76, %reduce_min3A_77 [0] : vector<8x1xi32> to vector<1xi32>
      %broadcast_in_dim3A_79 = vector.shape_cast %reduce_min3A_78 : vector<1xi32> to vector<1x1xi32>
      %eq3A_80 = vector.broadcast %broadcast_in_dim3A_79 : vector<1x1xi32> to vector<8x64xi32>
      %eq3A_81 = arith.cmpi eq, %add3A, %eq3A_80 : vector<8x64xi32>
      %concatenate3A_82 = tpu.concatenate %eq3A_81, %eq3A_81, %eq3A_81 in 0 : vector<8x64xi1>, vector<8x64xi1>, vector<8x64xi1> -> vector<24x64xi1>
      %select_n3A_83 = arith.select %concatenate3A_82, %concatenate3A, %broadcast_in_dim3A_17 : vector<24x64xi1>, vector<24x64xf32>
      %reduce_sum3A = arith.constant dense<0.000000e+00> : vector<24xf32>
      %reduce_sum3A_84 = vector.multi_reduction <add>, %select_n3A_83, %reduce_sum3A [1] : vector<24x64xf32> to vector<24xf32>
      %broadcast_in_dim3A_85 = vector.shape_cast %reduce_sum3A_84 : vector<24xf32> to vector<24x1xf32>
      %slice3A_86 = vector.extract_strided_slice %broadcast_in_dim3A_85 {offsets = [0, 0], sizes = [8, 1], strides = [1, 1]} : vector<24x1xf32> to vector<8x1xf32>
      %reduce_sum3A_87 = arith.constant dense<0.000000e+00> : vector<1xf32>
      %reduce_sum3A_88 = vector.multi_reduction <add>, %slice3A_86, %reduce_sum3A_87 [0] : vector<8x1xf32> to vector<1xf32>
      %broadcast_in_dim3A_89 = vector.shape_cast %reduce_sum3A_88 : vector<1xf32> to vector<1x1xf32>
      %slice3A_90 = vector.extract_strided_slice %broadcast_in_dim3A_85 {offsets = [8, 0], sizes = [8, 1], strides = [1, 1]} : vector<24x1xf32> to vector<8x1xf32>
      %reduce_sum3A_91 = arith.constant dense<0.000000e+00> : vector<1xf32>
      %reduce_sum3A_92 = vector.multi_reduction <add>, %slice3A_90, %reduce_sum3A_91 [0] : vector<8x1xf32> to vector<1xf32>
      %broadcast_in_dim3A_93 = vector.shape_cast %reduce_sum3A_92 : vector<1xf32> to vector<1x1xf32>
      %slice3A_94 = vector.extract_strided_slice %broadcast_in_dim3A_85 {offsets = [16, 0], sizes = [8, 1], strides = [1, 1]} : vector<24x1xf32> to vector<8x1xf32>
      %reduce_sum3A_95 = arith.constant dense<0.000000e+00> : vector<1xf32>
      %reduce_sum3A_96 = vector.multi_reduction <add>, %slice3A_94, %reduce_sum3A_95 [0] : vector<8x1xf32> to vector<1xf32>
      %broadcast_in_dim3A_97 = vector.shape_cast %reduce_sum3A_96 : vector<1xf32> to vector<1x1xf32>
      %mul3A_98 = arith.constant 4 : i32
      %mul3A_99 = arith.muli %mul3A_98, %scan3A_37 : i32
      %add3A_100 = arith.constant 1 : i32
      %add3A_101 = arith.addi %mul3A_99, %add3A_100 : i32
      %eq3A_102 = vector.broadcast %add3A_101 : i32 to vector<8x16xi32>
      %eq3A_103 = arith.cmpi eq, %add3A_16, %eq3A_102 : vector<8x16xi32>
      %broadcast_in_dim3A_104 = vector.shape_cast %broadcast_in_dim3A_89 : vector<1x1xf32> to vector<1x1xf32>
      %broadcast_in_dim3A_105 = vector.broadcast %broadcast_in_dim3A_104 : vector<1x1xf32> to vector<8x16xf32>
      %select_n3A_106 = arith.select %eq3A_103, %broadcast_in_dim3A_105, %select_n3A : vector<8x16xi1>, vector<8x16xf32>
      %broadcast_in_dim3A_107 = vector.shape_cast %broadcast_in_dim3A_93 : vector<1x1xf32> to vector<1x1xf32>
      %broadcast_in_dim3A_108 = vector.broadcast %broadcast_in_dim3A_107 : vector<1x1xf32> to vector<8x16xf32>
      %select_n3A_109 = arith.select %eq3A_103, %broadcast_in_dim3A_108, %select_n3A_52 : vector<8x16xi1>, vector<8x16xf32>
      %broadcast_in_dim3A_110 = vector.shape_cast %broadcast_in_dim3A_97 : vector<1x1xf32> to vector<1x1xf32>
      %broadcast_in_dim3A_111 = vector.broadcast %broadcast_in_dim3A_110 : vector<1x1xf32> to vector<8x16xf32>
      %select_n3A_112 = arith.select %eq3A_103, %broadcast_in_dim3A_111, %select_n3A_55 : vector<8x16xi1>, vector<8x16xf32>
      %sub3A_113 = vector.broadcast %broadcast_in_dim3A_89 : vector<1x1xf32> to vector<8x64xf32>
      %sub3A_114 = arith.subf %get3A_1, %sub3A_113 : vector<8x64xf32>
      %sub3A_115 = vector.broadcast %broadcast_in_dim3A_93 : vector<1x1xf32> to vector<8x64xf32>
      %sub3A_116 = arith.subf %get3A_4, %sub3A_115 : vector<8x64xf32>
      %sub3A_117 = vector.broadcast %broadcast_in_dim3A_97 : vector<1x1xf32> to vector<8x64xf32>
      %sub3A_118 = arith.subf %get3A_7, %sub3A_117 : vector<8x64xf32>
      %mul3A_119 = arith.mulf %sub3A_114, %sub3A_114 : vector<8x64xf32>
      %mul3A_120 = arith.mulf %sub3A_116, %sub3A_116 : vector<8x64xf32>
      %add3A_121 = arith.addf %mul3A_119, %mul3A_120 : vector<8x64xf32>
      %mul3A_122 = arith.mulf %sub3A_118, %sub3A_118 : vector<8x64xf32>
      %add3A_123 = arith.addf %add3A_121, %mul3A_122 : vector<8x64xf32>
      %min3A_124 = arith.minimumf %min3A, %add3A_123 : vector<8x64xf32>
      %reduce_max3A_125 = arith.constant dense<0xFF800000> : vector<8xf32>
      %reduce_max3A_126 = vector.multi_reduction <maximumf>, %min3A_124, %reduce_max3A_125 [1] : vector<8x64xf32> to vector<8xf32>
      %broadcast_in_dim3A_127 = vector.shape_cast %reduce_max3A_126 : vector<8xf32> to vector<8x1xf32>
      %reduce_max3A_128 = arith.constant dense<0xFF800000> : vector<1xf32>
      %reduce_max3A_129 = vector.multi_reduction <maximumf>, %broadcast_in_dim3A_127, %reduce_max3A_128 [0] : vector<8x1xf32> to vector<1xf32>
      %broadcast_in_dim3A_130 = vector.shape_cast %reduce_max3A_129 : vector<1xf32> to vector<1x1xf32>
      %eq3A_131 = vector.broadcast %broadcast_in_dim3A_130 : vector<1x1xf32> to vector<8x64xf32>
      %eq3A_132 = arith.cmpf oeq, %min3A_124, %eq3A_131 : vector<8x64xf32>
      %jit3A_133 = arith.constant 512 : i32
      %broadcast_in_dim3A_134 = vector.broadcast %jit3A_133 : i32 to vector<8x64xi32>
      %select_n3A_135 = arith.select %eq3A_132, %add3A, %broadcast_in_dim3A_134 : vector<8x64xi1>, vector<8x64xi32>
      %reduce_min3A_136 = arith.constant dense<2147483647> : vector<8xi32>
      %reduce_min3A_137 = vector.multi_reduction <minsi>, %select_n3A_135, %reduce_min3A_136 [1] : vector<8x64xi32> to vector<8xi32>
      %broadcast_in_dim3A_138 = vector.shape_cast %reduce_min3A_137 : vector<8xi32> to vector<8x1xi32>
      %reduce_min3A_139 = arith.constant dense<2147483647> : vector<1xi32>
      %reduce_min3A_140 = vector.multi_reduction <minsi>, %broadcast_in_dim3A_138, %reduce_min3A_139 [0] : vector<8x1xi32> to vector<1xi32>
      %broadcast_in_dim3A_141 = vector.shape_cast %reduce_min3A_140 : vector<1xi32> to vector<1x1xi32>
      %eq3A_142 = vector.broadcast %broadcast_in_dim3A_141 : vector<1x1xi32> to vector<8x64xi32>
      %eq3A_143 = arith.cmpi eq, %add3A, %eq3A_142 : vector<8x64xi32>
      %concatenate3A_144 = tpu.concatenate %eq3A_143, %eq3A_143, %eq3A_143 in 0 : vector<8x64xi1>, vector<8x64xi1>, vector<8x64xi1> -> vector<24x64xi1>
      %select_n3A_145 = arith.select %concatenate3A_144, %concatenate3A, %broadcast_in_dim3A_17 : vector<24x64xi1>, vector<24x64xf32>
      %reduce_sum3A_146 = arith.constant dense<0.000000e+00> : vector<24xf32>
      %reduce_sum3A_147 = vector.multi_reduction <add>, %select_n3A_145, %reduce_sum3A_146 [1] : vector<24x64xf32> to vector<24xf32>
      %broadcast_in_dim3A_148 = vector.shape_cast %reduce_sum3A_147 : vector<24xf32> to vector<24x1xf32>
      %slice3A_149 = vector.extract_strided_slice %broadcast_in_dim3A_148 {offsets = [0, 0], sizes = [8, 1], strides = [1, 1]} : vector<24x1xf32> to vector<8x1xf32>
      %reduce_sum3A_150 = arith.constant dense<0.000000e+00> : vector<1xf32>
      %reduce_sum3A_151 = vector.multi_reduction <add>, %slice3A_149, %reduce_sum3A_150 [0] : vector<8x1xf32> to vector<1xf32>
      %broadcast_in_dim3A_152 = vector.shape_cast %reduce_sum3A_151 : vector<1xf32> to vector<1x1xf32>
      %slice3A_153 = vector.extract_strided_slice %broadcast_in_dim3A_148 {offsets = [8, 0], sizes = [8, 1], strides = [1, 1]} : vector<24x1xf32> to vector<8x1xf32>
      %reduce_sum3A_154 = arith.constant dense<0.000000e+00> : vector<1xf32>
      %reduce_sum3A_155 = vector.multi_reduction <add>, %slice3A_153, %reduce_sum3A_154 [0] : vector<8x1xf32> to vector<1xf32>
      %broadcast_in_dim3A_156 = vector.shape_cast %reduce_sum3A_155 : vector<1xf32> to vector<1x1xf32>
      %slice3A_157 = vector.extract_strided_slice %broadcast_in_dim3A_148 {offsets = [16, 0], sizes = [8, 1], strides = [1, 1]} : vector<24x1xf32> to vector<8x1xf32>
      %reduce_sum3A_158 = arith.constant dense<0.000000e+00> : vector<1xf32>
      %reduce_sum3A_159 = vector.multi_reduction <add>, %slice3A_157, %reduce_sum3A_158 [0] : vector<8x1xf32> to vector<1xf32>
      %broadcast_in_dim3A_160 = vector.shape_cast %reduce_sum3A_159 : vector<1xf32> to vector<1x1xf32>
      %mul3A_161 = arith.constant 4 : i32
      %mul3A_162 = arith.muli %mul3A_161, %scan3A_37 : i32
      %add3A_163 = arith.constant 2 : i32
      %add3A_164 = arith.addi %mul3A_162, %add3A_163 : i32
      %eq3A_165 = vector.broadcast %add3A_164 : i32 to vector<8x16xi32>
      %eq3A_166 = arith.cmpi eq, %add3A_16, %eq3A_165 : vector<8x16xi32>
      %broadcast_in_dim3A_167 = vector.shape_cast %broadcast_in_dim3A_152 : vector<1x1xf32> to vector<1x1xf32>
      %broadcast_in_dim3A_168 = vector.broadcast %broadcast_in_dim3A_167 : vector<1x1xf32> to vector<8x16xf32>
      %select_n3A_169 = arith.select %eq3A_166, %broadcast_in_dim3A_168, %select_n3A_106 : vector<8x16xi1>, vector<8x16xf32>
      %broadcast_in_dim3A_170 = vector.shape_cast %broadcast_in_dim3A_156 : vector<1x1xf32> to vector<1x1xf32>
      %broadcast_in_dim3A_171 = vector.broadcast %broadcast_in_dim3A_170 : vector<1x1xf32> to vector<8x16xf32>
      %select_n3A_172 = arith.select %eq3A_166, %broadcast_in_dim3A_171, %select_n3A_109 : vector<8x16xi1>, vector<8x16xf32>
      %broadcast_in_dim3A_173 = vector.shape_cast %broadcast_in_dim3A_160 : vector<1x1xf32> to vector<1x1xf32>
      %broadcast_in_dim3A_174 = vector.broadcast %broadcast_in_dim3A_173 : vector<1x1xf32> to vector<8x16xf32>
      %select_n3A_175 = arith.select %eq3A_166, %broadcast_in_dim3A_174, %select_n3A_112 : vector<8x16xi1>, vector<8x16xf32>
      %sub3A_176 = vector.broadcast %broadcast_in_dim3A_152 : vector<1x1xf32> to vector<8x64xf32>
      %sub3A_177 = arith.subf %get3A_1, %sub3A_176 : vector<8x64xf32>
      %sub3A_178 = vector.broadcast %broadcast_in_dim3A_156 : vector<1x1xf32> to vector<8x64xf32>
      %sub3A_179 = arith.subf %get3A_4, %sub3A_178 : vector<8x64xf32>
      %sub3A_180 = vector.broadcast %broadcast_in_dim3A_160 : vector<1x1xf32> to vector<8x64xf32>
      %sub3A_181 = arith.subf %get3A_7, %sub3A_180 : vector<8x64xf32>
      %mul3A_182 = arith.mulf %sub3A_177, %sub3A_177 : vector<8x64xf32>
      %mul3A_183 = arith.mulf %sub3A_179, %sub3A_179 : vector<8x64xf32>
      %add3A_184 = arith.addf %mul3A_182, %mul3A_183 : vector<8x64xf32>
      %mul3A_185 = arith.mulf %sub3A_181, %sub3A_181 : vector<8x64xf32>
      %add3A_186 = arith.addf %add3A_184, %mul3A_185 : vector<8x64xf32>
      %min3A_187 = arith.minimumf %min3A_124, %add3A_186 : vector<8x64xf32>
      %reduce_max3A_188 = arith.constant dense<0xFF800000> : vector<8xf32>
      %reduce_max3A_189 = vector.multi_reduction <maximumf>, %min3A_187, %reduce_max3A_188 [1] : vector<8x64xf32> to vector<8xf32>
      %broadcast_in_dim3A_190 = vector.shape_cast %reduce_max3A_189 : vector<8xf32> to vector<8x1xf32>
      %reduce_max3A_191 = arith.constant dense<0xFF800000> : vector<1xf32>
      %reduce_max3A_192 = vector.multi_reduction <maximumf>, %broadcast_in_dim3A_190, %reduce_max3A_191 [0] : vector<8x1xf32> to vector<1xf32>
      %broadcast_in_dim3A_193 = vector.shape_cast %reduce_max3A_192 : vector<1xf32> to vector<1x1xf32>
      %eq3A_194 = vector.broadcast %broadcast_in_dim3A_193 : vector<1x1xf32> to vector<8x64xf32>
      %eq3A_195 = arith.cmpf oeq, %min3A_187, %eq3A_194 : vector<8x64xf32>
      %jit3A_196 = arith.constant 512 : i32
      %broadcast_in_dim3A_197 = vector.broadcast %jit3A_196 : i32 to vector<8x64xi32>
      %select_n3A_198 = arith.select %eq3A_195, %add3A, %broadcast_in_dim3A_197 : vector<8x64xi1>, vector<8x64xi32>
      %reduce_min3A_199 = arith.constant dense<2147483647> : vector<8xi32>
      %reduce_min3A_200 = vector.multi_reduction <minsi>, %select_n3A_198, %reduce_min3A_199 [1] : vector<8x64xi32> to vector<8xi32>
      %broadcast_in_dim3A_201 = vector.shape_cast %reduce_min3A_200 : vector<8xi32> to vector<8x1xi32>
      %reduce_min3A_202 = arith.constant dense<2147483647> : vector<1xi32>
      %reduce_min3A_203 = vector.multi_reduction <minsi>, %broadcast_in_dim3A_201, %reduce_min3A_202 [0] : vector<8x1xi32> to vector<1xi32>
      %broadcast_in_dim3A_204 = vector.shape_cast %reduce_min3A_203 : vector<1xi32> to vector<1x1xi32>
      %eq3A_205 = vector.broadcast %broadcast_in_dim3A_204 : vector<1x1xi32> to vector<8x64xi32>
      %eq3A_206 = arith.cmpi eq, %add3A, %eq3A_205 : vector<8x64xi32>
      %concatenate3A_207 = tpu.concatenate %eq3A_206, %eq3A_206, %eq3A_206 in 0 : vector<8x64xi1>, vector<8x64xi1>, vector<8x64xi1> -> vector<24x64xi1>
      %select_n3A_208 = arith.select %concatenate3A_207, %concatenate3A, %broadcast_in_dim3A_17 : vector<24x64xi1>, vector<24x64xf32>
      %reduce_sum3A_209 = arith.constant dense<0.000000e+00> : vector<24xf32>
      %reduce_sum3A_210 = vector.multi_reduction <add>, %select_n3A_208, %reduce_sum3A_209 [1] : vector<24x64xf32> to vector<24xf32>
      %broadcast_in_dim3A_211 = vector.shape_cast %reduce_sum3A_210 : vector<24xf32> to vector<24x1xf32>
      %slice3A_212 = vector.extract_strided_slice %broadcast_in_dim3A_211 {offsets = [0, 0], sizes = [8, 1], strides = [1, 1]} : vector<24x1xf32> to vector<8x1xf32>
      %reduce_sum3A_213 = arith.constant dense<0.000000e+00> : vector<1xf32>
      %reduce_sum3A_214 = vector.multi_reduction <add>, %slice3A_212, %reduce_sum3A_213 [0] : vector<8x1xf32> to vector<1xf32>
      %broadcast_in_dim3A_215 = vector.shape_cast %reduce_sum3A_214 : vector<1xf32> to vector<1x1xf32>
      %slice3A_216 = vector.extract_strided_slice %broadcast_in_dim3A_211 {offsets = [8, 0], sizes = [8, 1], strides = [1, 1]} : vector<24x1xf32> to vector<8x1xf32>
      %reduce_sum3A_217 = arith.constant dense<0.000000e+00> : vector<1xf32>
      %reduce_sum3A_218 = vector.multi_reduction <add>, %slice3A_216, %reduce_sum3A_217 [0] : vector<8x1xf32> to vector<1xf32>
      %broadcast_in_dim3A_219 = vector.shape_cast %reduce_sum3A_218 : vector<1xf32> to vector<1x1xf32>
      %slice3A_220 = vector.extract_strided_slice %broadcast_in_dim3A_211 {offsets = [16, 0], sizes = [8, 1], strides = [1, 1]} : vector<24x1xf32> to vector<8x1xf32>
      %reduce_sum3A_221 = arith.constant dense<0.000000e+00> : vector<1xf32>
      %reduce_sum3A_222 = vector.multi_reduction <add>, %slice3A_220, %reduce_sum3A_221 [0] : vector<8x1xf32> to vector<1xf32>
      %broadcast_in_dim3A_223 = vector.shape_cast %reduce_sum3A_222 : vector<1xf32> to vector<1x1xf32>
      %mul3A_224 = arith.constant 4 : i32
      %mul3A_225 = arith.muli %mul3A_224, %scan3A_37 : i32
      %add3A_226 = arith.constant 3 : i32
      %add3A_227 = arith.addi %mul3A_225, %add3A_226 : i32
      %eq3A_228 = vector.broadcast %add3A_227 : i32 to vector<8x16xi32>
      %eq3A_229 = arith.cmpi eq, %add3A_16, %eq3A_228 : vector<8x16xi32>
      %broadcast_in_dim3A_230 = vector.shape_cast %broadcast_in_dim3A_215 : vector<1x1xf32> to vector<1x1xf32>
      %broadcast_in_dim3A_231 = vector.broadcast %broadcast_in_dim3A_230 : vector<1x1xf32> to vector<8x16xf32>
      %select_n3A_232 = arith.select %eq3A_229, %broadcast_in_dim3A_231, %select_n3A_169 : vector<8x16xi1>, vector<8x16xf32>
      %broadcast_in_dim3A_233 = vector.shape_cast %broadcast_in_dim3A_219 : vector<1x1xf32> to vector<1x1xf32>
      %broadcast_in_dim3A_234 = vector.broadcast %broadcast_in_dim3A_233 : vector<1x1xf32> to vector<8x16xf32>
      %select_n3A_235 = arith.select %eq3A_229, %broadcast_in_dim3A_234, %select_n3A_172 : vector<8x16xi1>, vector<8x16xf32>
      %broadcast_in_dim3A_236 = vector.shape_cast %broadcast_in_dim3A_223 : vector<1x1xf32> to vector<1x1xf32>
      %broadcast_in_dim3A_237 = vector.broadcast %broadcast_in_dim3A_236 : vector<1x1xf32> to vector<8x16xf32>
      %select_n3A_238 = arith.select %eq3A_229, %broadcast_in_dim3A_237, %select_n3A_175 : vector<8x16xi1>, vector<8x16xf32>
      %sub3A_239 = vector.broadcast %broadcast_in_dim3A_215 : vector<1x1xf32> to vector<8x64xf32>
      %sub3A_240 = arith.subf %get3A_1, %sub3A_239 : vector<8x64xf32>
      %sub3A_241 = vector.broadcast %broadcast_in_dim3A_219 : vector<1x1xf32> to vector<8x64xf32>
      %sub3A_242 = arith.subf %get3A_4, %sub3A_241 : vector<8x64xf32>
      %sub3A_243 = vector.broadcast %broadcast_in_dim3A_223 : vector<1x1xf32> to vector<8x64xf32>
      %sub3A_244 = arith.subf %get3A_7, %sub3A_243 : vector<8x64xf32>
      %mul3A_245 = arith.mulf %sub3A_240, %sub3A_240 : vector<8x64xf32>
      %mul3A_246 = arith.mulf %sub3A_242, %sub3A_242 : vector<8x64xf32>
      %add3A_247 = arith.addf %mul3A_245, %mul3A_246 : vector<8x64xf32>
      %mul3A_248 = arith.mulf %sub3A_244, %sub3A_244 : vector<8x64xf32>
      %add3A_249 = arith.addf %add3A_247, %mul3A_248 : vector<8x64xf32>
      %min3A_250 = arith.minimumf %min3A_187, %add3A_249 : vector<8x64xf32>
      %reduce_max3A_251 = arith.constant dense<0xFF800000> : vector<8xf32>
      %reduce_max3A_252 = vector.multi_reduction <maximumf>, %min3A_250, %reduce_max3A_251 [1] : vector<8x64xf32> to vector<8xf32>
      %broadcast_in_dim3A_253 = vector.shape_cast %reduce_max3A_252 : vector<8xf32> to vector<8x1xf32>
      %reduce_max3A_254 = arith.constant dense<0xFF800000> : vector<1xf32>
      %reduce_max3A_255 = vector.multi_reduction <maximumf>, %broadcast_in_dim3A_253, %reduce_max3A_254 [0] : vector<8x1xf32> to vector<1xf32>
      %broadcast_in_dim3A_256 = vector.shape_cast %reduce_max3A_255 : vector<1xf32> to vector<1x1xf32>
      %eq3A_257 = vector.broadcast %broadcast_in_dim3A_256 : vector<1x1xf32> to vector<8x64xf32>
      %eq3A_258 = arith.cmpf oeq, %min3A_250, %eq3A_257 : vector<8x64xf32>
      %jit3A_259 = arith.constant 512 : i32
      %broadcast_in_dim3A_260 = vector.broadcast %jit3A_259 : i32 to vector<8x64xi32>
      %select_n3A_261 = arith.select %eq3A_258, %add3A, %broadcast_in_dim3A_260 : vector<8x64xi1>, vector<8x64xi32>
      %reduce_min3A_262 = arith.constant dense<2147483647> : vector<8xi32>
      %reduce_min3A_263 = vector.multi_reduction <minsi>, %select_n3A_261, %reduce_min3A_262 [1] : vector<8x64xi32> to vector<8xi32>
      %broadcast_in_dim3A_264 = vector.shape_cast %reduce_min3A_263 : vector<8xi32> to vector<8x1xi32>
      %reduce_min3A_265 = arith.constant dense<2147483647> : vector<1xi32>
      %reduce_min3A_266 = vector.multi_reduction <minsi>, %broadcast_in_dim3A_264, %reduce_min3A_265 [0] : vector<8x1xi32> to vector<1xi32>
      %broadcast_in_dim3A_267 = vector.shape_cast %reduce_min3A_266 : vector<1xi32> to vector<1x1xi32>
      %eq3A_268 = vector.broadcast %broadcast_in_dim3A_267 : vector<1x1xi32> to vector<8x64xi32>
      %eq3A_269 = arith.cmpi eq, %add3A, %eq3A_268 : vector<8x64xi32>
      %concatenate3A_270 = tpu.concatenate %eq3A_269, %eq3A_269, %eq3A_269 in 0 : vector<8x64xi1>, vector<8x64xi1>, vector<8x64xi1> -> vector<24x64xi1>
      %select_n3A_271 = arith.select %concatenate3A_270, %concatenate3A, %broadcast_in_dim3A_17 : vector<24x64xi1>, vector<24x64xf32>
      %reduce_sum3A_272 = arith.constant dense<0.000000e+00> : vector<24xf32>
      %reduce_sum3A_273 = vector.multi_reduction <add>, %select_n3A_271, %reduce_sum3A_272 [1] : vector<24x64xf32> to vector<24xf32>
      %broadcast_in_dim3A_274 = vector.shape_cast %reduce_sum3A_273 : vector<24xf32> to vector<24x1xf32>
      %slice3A_275 = vector.extract_strided_slice %broadcast_in_dim3A_274 {offsets = [0, 0], sizes = [8, 1], strides = [1, 1]} : vector<24x1xf32> to vector<8x1xf32>
      %reduce_sum3A_276 = arith.constant dense<0.000000e+00> : vector<1xf32>
      %reduce_sum3A_277 = vector.multi_reduction <add>, %slice3A_275, %reduce_sum3A_276 [0] : vector<8x1xf32> to vector<1xf32>
      %broadcast_in_dim3A_278 = vector.shape_cast %reduce_sum3A_277 : vector<1xf32> to vector<1x1xf32>
      %slice3A_279 = vector.extract_strided_slice %broadcast_in_dim3A_274 {offsets = [8, 0], sizes = [8, 1], strides = [1, 1]} : vector<24x1xf32> to vector<8x1xf32>
      %reduce_sum3A_280 = arith.constant dense<0.000000e+00> : vector<1xf32>
      %reduce_sum3A_281 = vector.multi_reduction <add>, %slice3A_279, %reduce_sum3A_280 [0] : vector<8x1xf32> to vector<1xf32>
      %broadcast_in_dim3A_282 = vector.shape_cast %reduce_sum3A_281 : vector<1xf32> to vector<1x1xf32>
      %slice3A_283 = vector.extract_strided_slice %broadcast_in_dim3A_274 {offsets = [16, 0], sizes = [8, 1], strides = [1, 1]} : vector<24x1xf32> to vector<8x1xf32>
      %reduce_sum3A_284 = arith.constant dense<0.000000e+00> : vector<1xf32>
      %reduce_sum3A_285 = vector.multi_reduction <add>, %slice3A_283, %reduce_sum3A_284 [0] : vector<8x1xf32> to vector<1xf32>
      %broadcast_in_dim3A_286 = vector.shape_cast %reduce_sum3A_285 : vector<1xf32> to vector<1x1xf32>
      scf.yield %min3A_250, %broadcast_in_dim3A_278, %broadcast_in_dim3A_282, %broadcast_in_dim3A_286, %select_n3A_232, %select_n3A_235, %select_n3A_238 : vector<8x64xf32>, vector<1x1xf32>, vector<1x1xf32>, vector<1x1xf32>, vector<8x16xf32>, vector<8x16xf32>, vector<8x16xf32>
    }
    %scan3A_28 = arith.constant 32 : i32
    %swap3A = arith.constant 0 : index
    %swap3A_29 = arith.constant 0 : index
    %swap3A_30 = vector.load %arg3[%swap3A, %swap3A_29] : memref<8x16xf32, #tpu.memory_space<vmem>>, vector<8x16xf32>
    tpu.vector_store %arg3[%swap3A, %swap3A_29], %scan3A_27#4 {strides = array<i32>} : memref<8x16xf32, #tpu.memory_space<vmem>>, vector<8x16xf32>,
    %swap3A_31 = arith.constant 0 : index
    %swap3A_32 = arith.constant 0 : index
    %swap3A_33 = vector.load %arg4[%swap3A_31, %swap3A_32] : memref<8x16xf32, #tpu.memory_space<vmem>>, vector<8x16xf32>
    tpu.vector_store %arg4[%swap3A_31, %swap3A_32], %scan3A_27#5 {strides = array<i32>} : memref<8x16xf32, #tpu.memory_space<vmem>>, vector<8x16xf32>,
    %swap3A_34 = arith.constant 0 : index
    %swap3A_35 = arith.constant 0 : index
    %swap3A_36 = vector.load %arg5[%swap3A_34, %swap3A_35] : memref<8x16xf32, #tpu.memory_space<vmem>>, vector<8x16xf32>
    tpu.vector_store %arg5[%swap3A_34, %swap3A_35], %scan3A_27#6 {strides = array<i32>} : memref<8x16xf32, #tpu.memory_space<vmem>>, vector<8x16xf32>,
    return
  }
}

module attributes {stable_mosaic.version = 14 : i64} {
  func.func @_bq_body(%arg0: i32, %arg1: memref<128x1xf32, #tpu.memory_space<vmem>>, %arg2: memref<128x1xf32, #tpu.memory_space<vmem>>, %arg3: memref<128x1xf32, #tpu.memory_space<vmem>>, %arg4: memref<1x512xf32, #tpu.memory_space<vmem>>, %arg5: memref<1x512xf32, #tpu.memory_space<vmem>>, %arg6: memref<1x512xf32, #tpu.memory_space<vmem>>, %arg7: memref<128x16xi32, #tpu.memory_space<vmem>>, %arg8: memref<128x16xf32, #tpu.memory_space<vmem>>) attributes {dimension_semantics = [#tpu.dimension_semantics<arbitrary>], iteration_bounds = array<i64: 1>, scalar_prefetch = 0 : i64, scratch_operands = 0 : i64, tpu.core_type = #tpu.core_type<tc>, window_params = [{transform_indices = @transform_0, window_bounds = array<i64: 128, 1>}, {transform_indices = @transform_1, window_bounds = array<i64: 128, 1>}, {transform_indices = @transform_2, window_bounds = array<i64: 128, 1>}, {pipeline_mode = #tpu.pipeline_mode<synchronous>, transform_indices = @transform_3, window_bounds = array<i64: 1, 512>}, {pipeline_mode = #tpu.pipeline_mode<synchronous>, transform_indices = @transform_4, window_bounds = array<i64: 1, 512>}, {pipeline_mode = #tpu.pipeline_mode<synchronous>, transform_indices = @transform_5, window_bounds = array<i64: 1, 512>}, {transform_indices = @transform_6, window_bounds = array<i64: 128, 16>}, {transform_indices = @transform_7, window_bounds = array<i64: 128, 16>}]} {
    %get3A = arith.constant 0 : index
    %get3A_0 = arith.constant 0 : index
    %get3A_1 = vector.load %arg1[%get3A, %get3A_0] : memref<128x1xf32, #tpu.memory_space<vmem>>, vector<128x1xf32>
    %get3A_2 = arith.constant 0 : index
    %get3A_3 = arith.constant 0 : index
    %get3A_4 = vector.load %arg2[%get3A_2, %get3A_3] : memref<128x1xf32, #tpu.memory_space<vmem>>, vector<128x1xf32>
    %get3A_5 = arith.constant 0 : index
    %get3A_6 = arith.constant 0 : index
    %get3A_7 = vector.load %arg3[%get3A_5, %get3A_6] : memref<128x1xf32, #tpu.memory_space<vmem>>, vector<128x1xf32>
    %get3A_8 = arith.constant 0 : index
    %get3A_9 = arith.constant 0 : index
    %get3A_10 = vector.load %arg4[%get3A_8, %get3A_9] : memref<1x512xf32, #tpu.memory_space<vmem>>, vector<1x512xf32>
    %get3A_11 = arith.constant 0 : index
    %get3A_12 = arith.constant 0 : index
    %get3A_13 = vector.load %arg5[%get3A_11, %get3A_12] : memref<1x512xf32, #tpu.memory_space<vmem>>, vector<1x512xf32>
    %get3A_14 = arith.constant 0 : index
    %get3A_15 = arith.constant 0 : index
    %get3A_16 = vector.load %arg6[%get3A_14, %get3A_15] : memref<1x512xf32, #tpu.memory_space<vmem>>, vector<1x512xf32>
    %sub3A = vector.broadcast %get3A_1 : vector<128x1xf32> to vector<128x512xf32>
    %sub3A_17 = vector.broadcast %get3A_10 : vector<1x512xf32> to vector<128x512xf32>
    %sub3A_18 = arith.subf %sub3A, %sub3A_17 : vector<128x512xf32>
    %sub3A_19 = vector.broadcast %get3A_4 : vector<128x1xf32> to vector<128x512xf32>
    %sub3A_20 = vector.broadcast %get3A_13 : vector<1x512xf32> to vector<128x512xf32>
    %sub3A_21 = arith.subf %sub3A_19, %sub3A_20 : vector<128x512xf32>
    %sub3A_22 = vector.broadcast %get3A_7 : vector<128x1xf32> to vector<128x512xf32>
    %sub3A_23 = vector.broadcast %get3A_16 : vector<1x512xf32> to vector<128x512xf32>
    %sub3A_24 = arith.subf %sub3A_22, %sub3A_23 : vector<128x512xf32>
    %mul3A = arith.mulf %sub3A_18, %sub3A_18 : vector<128x512xf32>
    %mul3A_25 = arith.mulf %sub3A_21, %sub3A_21 : vector<128x512xf32>
    %add3A = arith.addf %mul3A, %mul3A_25 : vector<128x512xf32>
    %mul3A_26 = arith.mulf %sub3A_24, %sub3A_24 : vector<128x512xf32>
    %add3A_27 = arith.addf %add3A, %mul3A_26 : vector<128x512xf32>
    %le3A = arith.constant 1.600000e-01 : f32
    %le3A_28 = vector.broadcast %le3A : f32 to vector<128x512xf32>
    %le3A_29 = arith.cmpf ole, %add3A_27, %le3A_28 : vector<128x512xf32>
    %jit3A = arith.constant 1.000000e+10 : f32
    %broadcast_in_dim3A = vector.broadcast %jit3A : f32 to vector<128x512xf32>
    %select_n3A = arith.select %le3A_29, %add3A_27, %broadcast_in_dim3A : vector<128x512xi1>, vector<128x512xf32>
    %iota3A = tpu.iota {dimensions = array<i32: 1>} : vector<128x512xi32>
    %iota3A_30 = tpu.iota {dimensions = array<i32: 1>} : vector<128x16xi32>
    %broadcast_in_dim3A_31 = arith.constant 0.000000e+00 : f32
    %broadcast_in_dim3A_32 = vector.broadcast %broadcast_in_dim3A_31 : f32 to vector<128x16xf32>
    %broadcast_in_dim3A_33 = arith.constant 0 : i32
    %broadcast_in_dim3A_34 = vector.broadcast %broadcast_in_dim3A_33 : i32 to vector<128x16xi32>
    %reduce_min3A = arith.constant dense<0x7F800000> : vector<128xf32>
    %reduce_min3A_35 = vector.multi_reduction <minimumf>, %select_n3A, %reduce_min3A [1] : vector<128x512xf32> to vector<128xf32>
    %broadcast_in_dim3A_36 = vector.shape_cast %reduce_min3A_35 : vector<128xf32> to vector<128x1xf32>
    %eq3A = vector.broadcast %broadcast_in_dim3A_36 : vector<128x1xf32> to vector<128x512xf32>
    %eq3A_37 = arith.cmpf oeq, %select_n3A, %eq3A : vector<128x512xf32>
    %jit3A_38 = arith.constant 512 : i32
    %broadcast_in_dim3A_39 = vector.broadcast %jit3A_38 : i32 to vector<128x512xi32>
    %select_n3A_40 = arith.select %eq3A_37, %iota3A, %broadcast_in_dim3A_39 : vector<128x512xi1>, vector<128x512xi32>
    %reduce_min3A_41 = arith.constant dense<2147483647> : vector<128xi32>
    %reduce_min3A_42 = vector.multi_reduction <minsi>, %select_n3A_40, %reduce_min3A_41 [1] : vector<128x512xi32> to vector<128xi32>
    %broadcast_in_dim3A_43 = vector.shape_cast %reduce_min3A_42 : vector<128xi32> to vector<128x1xi32>
    %eq3A_44 = arith.constant 0 : i32
    %eq3A_45 = vector.broadcast %eq3A_44 : i32 to vector<128x16xi32>
    %eq3A_46 = arith.cmpi eq, %iota3A_30, %eq3A_45 : vector<128x16xi32>
    %broadcast_in_dim3A_47 = vector.shape_cast %broadcast_in_dim3A_36 : vector<128x1xf32> to vector<128x1xf32>
    %broadcast_in_dim3A_48 = vector.broadcast %broadcast_in_dim3A_47 : vector<128x1xf32> to vector<128x16xf32>
    %select_n3A_49 = arith.select %eq3A_46, %broadcast_in_dim3A_48, %broadcast_in_dim3A_32 : vector<128x16xi1>, vector<128x16xf32>
    %eq3A_50 = arith.constant 0 : i32
    %eq3A_51 = vector.broadcast %eq3A_50 : i32 to vector<128x16xi32>
    %eq3A_52 = arith.cmpi eq, %iota3A_30, %eq3A_51 : vector<128x16xi32>
    %broadcast_in_dim3A_53 = vector.shape_cast %broadcast_in_dim3A_43 : vector<128x1xi32> to vector<128x1xi32>
    %broadcast_in_dim3A_54 = vector.broadcast %broadcast_in_dim3A_53 : vector<128x1xi32> to vector<128x16xi32>
    %select_n3A_55 = arith.select %eq3A_52, %broadcast_in_dim3A_54, %broadcast_in_dim3A_34 : vector<128x16xi1>, vector<128x16xi32>
    %eq3A_56 = vector.broadcast %broadcast_in_dim3A_43 : vector<128x1xi32> to vector<128x512xi32>
    %eq3A_57 = arith.cmpi eq, %iota3A, %eq3A_56 : vector<128x512xi32>
    %jit3A_58 = arith.constant 3.000000e+10 : f32
    %broadcast_in_dim3A_59 = vector.broadcast %jit3A_58 : f32 to vector<128x512xf32>
    %select_n3A_60 = arith.select %eq3A_57, %broadcast_in_dim3A_59, %select_n3A : vector<128x512xi1>, vector<128x512xf32>
    %reduce_min3A_61 = arith.constant dense<0x7F800000> : vector<128xf32>
    %reduce_min3A_62 = vector.multi_reduction <minimumf>, %select_n3A_60, %reduce_min3A_61 [1] : vector<128x512xf32> to vector<128xf32>
    %broadcast_in_dim3A_63 = vector.shape_cast %reduce_min3A_62 : vector<128xf32> to vector<128x1xf32>
    %eq3A_64 = vector.broadcast %broadcast_in_dim3A_63 : vector<128x1xf32> to vector<128x512xf32>
    %eq3A_65 = arith.cmpf oeq, %select_n3A_60, %eq3A_64 : vector<128x512xf32>
    %jit3A_66 = arith.constant 512 : i32
    %broadcast_in_dim3A_67 = vector.broadcast %jit3A_66 : i32 to vector<128x512xi32>
    %select_n3A_68 = arith.select %eq3A_65, %iota3A, %broadcast_in_dim3A_67 : vector<128x512xi1>, vector<128x512xi32>
    %reduce_min3A_69 = arith.constant dense<2147483647> : vector<128xi32>
    %reduce_min3A_70 = vector.multi_reduction <minsi>, %select_n3A_68, %reduce_min3A_69 [1] : vector<128x512xi32> to vector<128xi32>
    %broadcast_in_dim3A_71 = vector.shape_cast %reduce_min3A_70 : vector<128xi32> to vector<128x1xi32>
    %eq3A_72 = arith.constant 1 : i32
    %eq3A_73 = vector.broadcast %eq3A_72 : i32 to vector<128x16xi32>
    %eq3A_74 = arith.cmpi eq, %iota3A_30, %eq3A_73 : vector<128x16xi32>
    %broadcast_in_dim3A_75 = vector.shape_cast %broadcast_in_dim3A_63 : vector<128x1xf32> to vector<128x1xf32>
    %broadcast_in_dim3A_76 = vector.broadcast %broadcast_in_dim3A_75 : vector<128x1xf32> to vector<128x16xf32>
    %select_n3A_77 = arith.select %eq3A_74, %broadcast_in_dim3A_76, %select_n3A_49 : vector<128x16xi1>, vector<128x16xf32>
    %eq3A_78 = arith.constant 1 : i32
    %eq3A_79 = vector.broadcast %eq3A_78 : i32 to vector<128x16xi32>
    %eq3A_80 = arith.cmpi eq, %iota3A_30, %eq3A_79 : vector<128x16xi32>
    %broadcast_in_dim3A_81 = vector.shape_cast %broadcast_in_dim3A_71 : vector<128x1xi32> to vector<128x1xi32>
    %broadcast_in_dim3A_82 = vector.broadcast %broadcast_in_dim3A_81 : vector<128x1xi32> to vector<128x16xi32>
    %select_n3A_83 = arith.select %eq3A_80, %broadcast_in_dim3A_82, %select_n3A_55 : vector<128x16xi1>, vector<128x16xi32>
    %eq3A_84 = vector.broadcast %broadcast_in_dim3A_71 : vector<128x1xi32> to vector<128x512xi32>
    %eq3A_85 = arith.cmpi eq, %iota3A, %eq3A_84 : vector<128x512xi32>
    %jit3A_86 = arith.constant 3.000000e+10 : f32
    %broadcast_in_dim3A_87 = vector.broadcast %jit3A_86 : f32 to vector<128x512xf32>
    %select_n3A_88 = arith.select %eq3A_85, %broadcast_in_dim3A_87, %select_n3A_60 : vector<128x512xi1>, vector<128x512xf32>
    %reduce_min3A_89 = arith.constant dense<0x7F800000> : vector<128xf32>
    %reduce_min3A_90 = vector.multi_reduction <minimumf>, %select_n3A_88, %reduce_min3A_89 [1] : vector<128x512xf32> to vector<128xf32>
    %broadcast_in_dim3A_91 = vector.shape_cast %reduce_min3A_90 : vector<128xf32> to vector<128x1xf32>
    %eq3A_92 = vector.broadcast %broadcast_in_dim3A_91 : vector<128x1xf32> to vector<128x512xf32>
    %eq3A_93 = arith.cmpf oeq, %select_n3A_88, %eq3A_92 : vector<128x512xf32>
    %jit3A_94 = arith.constant 512 : i32
    %broadcast_in_dim3A_95 = vector.broadcast %jit3A_94 : i32 to vector<128x512xi32>
    %select_n3A_96 = arith.select %eq3A_93, %iota3A, %broadcast_in_dim3A_95 : vector<128x512xi1>, vector<128x512xi32>
    %reduce_min3A_97 = arith.constant dense<2147483647> : vector<128xi32>
    %reduce_min3A_98 = vector.multi_reduction <minsi>, %select_n3A_96, %reduce_min3A_97 [1] : vector<128x512xi32> to vector<128xi32>
    %broadcast_in_dim3A_99 = vector.shape_cast %reduce_min3A_98 : vector<128xi32> to vector<128x1xi32>
    %eq3A_100 = arith.constant 2 : i32
    %eq3A_101 = vector.broadcast %eq3A_100 : i32 to vector<128x16xi32>
    %eq3A_102 = arith.cmpi eq, %iota3A_30, %eq3A_101 : vector<128x16xi32>
    %broadcast_in_dim3A_103 = vector.shape_cast %broadcast_in_dim3A_91 : vector<128x1xf32> to vector<128x1xf32>
    %broadcast_in_dim3A_104 = vector.broadcast %broadcast_in_dim3A_103 : vector<128x1xf32> to vector<128x16xf32>
    %select_n3A_105 = arith.select %eq3A_102, %broadcast_in_dim3A_104, %select_n3A_77 : vector<128x16xi1>, vector<128x16xf32>
    %eq3A_106 = arith.constant 2 : i32
    %eq3A_107 = vector.broadcast %eq3A_106 : i32 to vector<128x16xi32>
    %eq3A_108 = arith.cmpi eq, %iota3A_30, %eq3A_107 : vector<128x16xi32>
    %broadcast_in_dim3A_109 = vector.shape_cast %broadcast_in_dim3A_99 : vector<128x1xi32> to vector<128x1xi32>
    %broadcast_in_dim3A_110 = vector.broadcast %broadcast_in_dim3A_109 : vector<128x1xi32> to vector<128x16xi32>
    %select_n3A_111 = arith.select %eq3A_108, %broadcast_in_dim3A_110, %select_n3A_83 : vector<128x16xi1>, vector<128x16xi32>
    %eq3A_112 = vector.broadcast %broadcast_in_dim3A_99 : vector<128x1xi32> to vector<128x512xi32>
    %eq3A_113 = arith.cmpi eq, %iota3A, %eq3A_112 : vector<128x512xi32>
    %jit3A_114 = arith.constant 3.000000e+10 : f32
    %broadcast_in_dim3A_115 = vector.broadcast %jit3A_114 : f32 to vector<128x512xf32>
    %select_n3A_116 = arith.select %eq3A_113, %broadcast_in_dim3A_115, %select_n3A_88 : vector<128x512xi1>, vector<128x512xf32>
    %reduce_min3A_117 = arith.constant dense<0x7F800000> : vector<128xf32>
    %reduce_min3A_118 = vector.multi_reduction <minimumf>, %select_n3A_116, %reduce_min3A_117 [1] : vector<128x512xf32> to vector<128xf32>
    %broadcast_in_dim3A_119 = vector.shape_cast %reduce_min3A_118 : vector<128xf32> to vector<128x1xf32>
    %eq3A_120 = vector.broadcast %broadcast_in_dim3A_119 : vector<128x1xf32> to vector<128x512xf32>
    %eq3A_121 = arith.cmpf oeq, %select_n3A_116, %eq3A_120 : vector<128x512xf32>
    %jit3A_122 = arith.constant 512 : i32
    %broadcast_in_dim3A_123 = vector.broadcast %jit3A_122 : i32 to vector<128x512xi32>
    %select_n3A_124 = arith.select %eq3A_121, %iota3A, %broadcast_in_dim3A_123 : vector<128x512xi1>, vector<128x512xi32>
    %reduce_min3A_125 = arith.constant dense<2147483647> : vector<128xi32>
    %reduce_min3A_126 = vector.multi_reduction <minsi>, %select_n3A_124, %reduce_min3A_125 [1] : vector<128x512xi32> to vector<128xi32>
    %broadcast_in_dim3A_127 = vector.shape_cast %reduce_min3A_126 : vector<128xi32> to vector<128x1xi32>
    %eq3A_128 = arith.constant 3 : i32
    %eq3A_129 = vector.broadcast %eq3A_128 : i32 to vector<128x16xi32>
    %eq3A_130 = arith.cmpi eq, %iota3A_30, %eq3A_129 : vector<128x16xi32>
    %broadcast_in_dim3A_131 = vector.shape_cast %broadcast_in_dim3A_119 : vector<128x1xf32> to vector<128x1xf32>
    %broadcast_in_dim3A_132 = vector.broadcast %broadcast_in_dim3A_131 : vector<128x1xf32> to vector<128x16xf32>
    %select_n3A_133 = arith.select %eq3A_130, %broadcast_in_dim3A_132, %select_n3A_105 : vector<128x16xi1>, vector<128x16xf32>
    %eq3A_134 = arith.constant 3 : i32
    %eq3A_135 = vector.broadcast %eq3A_134 : i32 to vector<128x16xi32>
    %eq3A_136 = arith.cmpi eq, %iota3A_30, %eq3A_135 : vector<128x16xi32>
    %broadcast_in_dim3A_137 = vector.shape_cast %broadcast_in_dim3A_127 : vector<128x1xi32> to vector<128x1xi32>
    %broadcast_in_dim3A_138 = vector.broadcast %broadcast_in_dim3A_137 : vector<128x1xi32> to vector<128x16xi32>
    %select_n3A_139 = arith.select %eq3A_136, %broadcast_in_dim3A_138, %select_n3A_111 : vector<128x16xi1>, vector<128x16xi32>
    %eq3A_140 = vector.broadcast %broadcast_in_dim3A_127 : vector<128x1xi32> to vector<128x512xi32>
    %eq3A_141 = arith.cmpi eq, %iota3A, %eq3A_140 : vector<128x512xi32>
    %jit3A_142 = arith.constant 3.000000e+10 : f32
    %broadcast_in_dim3A_143 = vector.broadcast %jit3A_142 : f32 to vector<128x512xf32>
    %select_n3A_144 = arith.select %eq3A_141, %broadcast_in_dim3A_143, %select_n3A_116 : vector<128x512xi1>, vector<128x512xf32>
    %reduce_min3A_145 = arith.constant dense<0x7F800000> : vector<128xf32>
    %reduce_min3A_146 = vector.multi_reduction <minimumf>, %select_n3A_144, %reduce_min3A_145 [1] : vector<128x512xf32> to vector<128xf32>
    %broadcast_in_dim3A_147 = vector.shape_cast %reduce_min3A_146 : vector<128xf32> to vector<128x1xf32>
    %eq3A_148 = vector.broadcast %broadcast_in_dim3A_147 : vector<128x1xf32> to vector<128x512xf32>
    %eq3A_149 = arith.cmpf oeq, %select_n3A_144, %eq3A_148 : vector<128x512xf32>
    %jit3A_150 = arith.constant 512 : i32
    %broadcast_in_dim3A_151 = vector.broadcast %jit3A_150 : i32 to vector<128x512xi32>
    %select_n3A_152 = arith.select %eq3A_149, %iota3A, %broadcast_in_dim3A_151 : vector<128x512xi1>, vector<128x512xi32>
    %reduce_min3A_153 = arith.constant dense<2147483647> : vector<128xi32>
    %reduce_min3A_154 = vector.multi_reduction <minsi>, %select_n3A_152, %reduce_min3A_153 [1] : vector<128x512xi32> to vector<128xi32>
    %broadcast_in_dim3A_155 = vector.shape_cast %reduce_min3A_154 : vector<128xi32> to vector<128x1xi32>
    %eq3A_156 = arith.constant 4 : i32
    %eq3A_157 = vector.broadcast %eq3A_156 : i32 to vector<128x16xi32>
    %eq3A_158 = arith.cmpi eq, %iota3A_30, %eq3A_157 : vector<128x16xi32>
    %broadcast_in_dim3A_159 = vector.shape_cast %broadcast_in_dim3A_147 : vector<128x1xf32> to vector<128x1xf32>
    %broadcast_in_dim3A_160 = vector.broadcast %broadcast_in_dim3A_159 : vector<128x1xf32> to vector<128x16xf32>
    %select_n3A_161 = arith.select %eq3A_158, %broadcast_in_dim3A_160, %select_n3A_133 : vector<128x16xi1>, vector<128x16xf32>
    %eq3A_162 = arith.constant 4 : i32
    %eq3A_163 = vector.broadcast %eq3A_162 : i32 to vector<128x16xi32>
    %eq3A_164 = arith.cmpi eq, %iota3A_30, %eq3A_163 : vector<128x16xi32>
    %broadcast_in_dim3A_165 = vector.shape_cast %broadcast_in_dim3A_155 : vector<128x1xi32> to vector<128x1xi32>
    %broadcast_in_dim3A_166 = vector.broadcast %broadcast_in_dim3A_165 : vector<128x1xi32> to vector<128x16xi32>
    %select_n3A_167 = arith.select %eq3A_164, %broadcast_in_dim3A_166, %select_n3A_139 : vector<128x16xi1>, vector<128x16xi32>
    %eq3A_168 = vector.broadcast %broadcast_in_dim3A_155 : vector<128x1xi32> to vector<128x512xi32>
    %eq3A_169 = arith.cmpi eq, %iota3A, %eq3A_168 : vector<128x512xi32>
    %jit3A_170 = arith.constant 3.000000e+10 : f32
    %broadcast_in_dim3A_171 = vector.broadcast %jit3A_170 : f32 to vector<128x512xf32>
    %select_n3A_172 = arith.select %eq3A_169, %broadcast_in_dim3A_171, %select_n3A_144 : vector<128x512xi1>, vector<128x512xf32>
    %reduce_min3A_173 = arith.constant dense<0x7F800000> : vector<128xf32>
    %reduce_min3A_174 = vector.multi_reduction <minimumf>, %select_n3A_172, %reduce_min3A_173 [1] : vector<128x512xf32> to vector<128xf32>
    %broadcast_in_dim3A_175 = vector.shape_cast %reduce_min3A_174 : vector<128xf32> to vector<128x1xf32>
    %eq3A_176 = vector.broadcast %broadcast_in_dim3A_175 : vector<128x1xf32> to vector<128x512xf32>
    %eq3A_177 = arith.cmpf oeq, %select_n3A_172, %eq3A_176 : vector<128x512xf32>
    %jit3A_178 = arith.constant 512 : i32
    %broadcast_in_dim3A_179 = vector.broadcast %jit3A_178 : i32 to vector<128x512xi32>
    %select_n3A_180 = arith.select %eq3A_177, %iota3A, %broadcast_in_dim3A_179 : vector<128x512xi1>, vector<128x512xi32>
    %reduce_min3A_181 = arith.constant dense<2147483647> : vector<128xi32>
    %reduce_min3A_182 = vector.multi_reduction <minsi>, %select_n3A_180, %reduce_min3A_181 [1] : vector<128x512xi32> to vector<128xi32>
    %broadcast_in_dim3A_183 = vector.shape_cast %reduce_min3A_182 : vector<128xi32> to vector<128x1xi32>
    %eq3A_184 = arith.constant 5 : i32
    %eq3A_185 = vector.broadcast %eq3A_184 : i32 to vector<128x16xi32>
    %eq3A_186 = arith.cmpi eq, %iota3A_30, %eq3A_185 : vector<128x16xi32>
    %broadcast_in_dim3A_187 = vector.shape_cast %broadcast_in_dim3A_175 : vector<128x1xf32> to vector<128x1xf32>
    %broadcast_in_dim3A_188 = vector.broadcast %broadcast_in_dim3A_187 : vector<128x1xf32> to vector<128x16xf32>
    %select_n3A_189 = arith.select %eq3A_186, %broadcast_in_dim3A_188, %select_n3A_161 : vector<128x16xi1>, vector<128x16xf32>
    %eq3A_190 = arith.constant 5 : i32
    %eq3A_191 = vector.broadcast %eq3A_190 : i32 to vector<128x16xi32>
    %eq3A_192 = arith.cmpi eq, %iota3A_30, %eq3A_191 : vector<128x16xi32>
    %broadcast_in_dim3A_193 = vector.shape_cast %broadcast_in_dim3A_183 : vector<128x1xi32> to vector<128x1xi32>
    %broadcast_in_dim3A_194 = vector.broadcast %broadcast_in_dim3A_193 : vector<128x1xi32> to vector<128x16xi32>
    %select_n3A_195 = arith.select %eq3A_192, %broadcast_in_dim3A_194, %select_n3A_167 : vector<128x16xi1>, vector<128x16xi32>
    %eq3A_196 = vector.broadcast %broadcast_in_dim3A_183 : vector<128x1xi32> to vector<128x512xi32>
    %eq3A_197 = arith.cmpi eq, %iota3A, %eq3A_196 : vector<128x512xi32>
    %jit3A_198 = arith.constant 3.000000e+10 : f32
    %broadcast_in_dim3A_199 = vector.broadcast %jit3A_198 : f32 to vector<128x512xf32>
    %select_n3A_200 = arith.select %eq3A_197, %broadcast_in_dim3A_199, %select_n3A_172 : vector<128x512xi1>, vector<128x512xf32>
    %reduce_min3A_201 = arith.constant dense<0x7F800000> : vector<128xf32>
    %reduce_min3A_202 = vector.multi_reduction <minimumf>, %select_n3A_200, %reduce_min3A_201 [1] : vector<128x512xf32> to vector<128xf32>
    %broadcast_in_dim3A_203 = vector.shape_cast %reduce_min3A_202 : vector<128xf32> to vector<128x1xf32>
    %eq3A_204 = vector.broadcast %broadcast_in_dim3A_203 : vector<128x1xf32> to vector<128x512xf32>
    %eq3A_205 = arith.cmpf oeq, %select_n3A_200, %eq3A_204 : vector<128x512xf32>
    %jit3A_206 = arith.constant 512 : i32
    %broadcast_in_dim3A_207 = vector.broadcast %jit3A_206 : i32 to vector<128x512xi32>
    %select_n3A_208 = arith.select %eq3A_205, %iota3A, %broadcast_in_dim3A_207 : vector<128x512xi1>, vector<128x512xi32>
    %reduce_min3A_209 = arith.constant dense<2147483647> : vector<128xi32>
    %reduce_min3A_210 = vector.multi_reduction <minsi>, %select_n3A_208, %reduce_min3A_209 [1] : vector<128x512xi32> to vector<128xi32>
    %broadcast_in_dim3A_211 = vector.shape_cast %reduce_min3A_210 : vector<128xi32> to vector<128x1xi32>
    %eq3A_212 = arith.constant 6 : i32
    %eq3A_213 = vector.broadcast %eq3A_212 : i32 to vector<128x16xi32>
    %eq3A_214 = arith.cmpi eq, %iota3A_30, %eq3A_213 : vector<128x16xi32>
    %broadcast_in_dim3A_215 = vector.shape_cast %broadcast_in_dim3A_203 : vector<128x1xf32> to vector<128x1xf32>
    %broadcast_in_dim3A_216 = vector.broadcast %broadcast_in_dim3A_215 : vector<128x1xf32> to vector<128x16xf32>
    %select_n3A_217 = arith.select %eq3A_214, %broadcast_in_dim3A_216, %select_n3A_189 : vector<128x16xi1>, vector<128x16xf32>
    %eq3A_218 = arith.constant 6 : i32
    %eq3A_219 = vector.broadcast %eq3A_218 : i32 to vector<128x16xi32>
    %eq3A_220 = arith.cmpi eq, %iota3A_30, %eq3A_219 : vector<128x16xi32>
    %broadcast_in_dim3A_221 = vector.shape_cast %broadcast_in_dim3A_211 : vector<128x1xi32> to vector<128x1xi32>
    %broadcast_in_dim3A_222 = vector.broadcast %broadcast_in_dim3A_221 : vector<128x1xi32> to vector<128x16xi32>
    %select_n3A_223 = arith.select %eq3A_220, %broadcast_in_dim3A_222, %select_n3A_195 : vector<128x16xi1>, vector<128x16xi32>
    %eq3A_224 = vector.broadcast %broadcast_in_dim3A_211 : vector<128x1xi32> to vector<128x512xi32>
    %eq3A_225 = arith.cmpi eq, %iota3A, %eq3A_224 : vector<128x512xi32>
    %jit3A_226 = arith.constant 3.000000e+10 : f32
    %broadcast_in_dim3A_227 = vector.broadcast %jit3A_226 : f32 to vector<128x512xf32>
    %select_n3A_228 = arith.select %eq3A_225, %broadcast_in_dim3A_227, %select_n3A_200 : vector<128x512xi1>, vector<128x512xf32>
    %reduce_min3A_229 = arith.constant dense<0x7F800000> : vector<128xf32>
    %reduce_min3A_230 = vector.multi_reduction <minimumf>, %select_n3A_228, %reduce_min3A_229 [1] : vector<128x512xf32> to vector<128xf32>
    %broadcast_in_dim3A_231 = vector.shape_cast %reduce_min3A_230 : vector<128xf32> to vector<128x1xf32>
    %eq3A_232 = vector.broadcast %broadcast_in_dim3A_231 : vector<128x1xf32> to vector<128x512xf32>
    %eq3A_233 = arith.cmpf oeq, %select_n3A_228, %eq3A_232 : vector<128x512xf32>
    %jit3A_234 = arith.constant 512 : i32
    %broadcast_in_dim3A_235 = vector.broadcast %jit3A_234 : i32 to vector<128x512xi32>
    %select_n3A_236 = arith.select %eq3A_233, %iota3A, %broadcast_in_dim3A_235 : vector<128x512xi1>, vector<128x512xi32>
    %reduce_min3A_237 = arith.constant dense<2147483647> : vector<128xi32>
    %reduce_min3A_238 = vector.multi_reduction <minsi>, %select_n3A_236, %reduce_min3A_237 [1] : vector<128x512xi32> to vector<128xi32>
    %broadcast_in_dim3A_239 = vector.shape_cast %reduce_min3A_238 : vector<128xi32> to vector<128x1xi32>
    %eq3A_240 = arith.constant 7 : i32
    %eq3A_241 = vector.broadcast %eq3A_240 : i32 to vector<128x16xi32>
    %eq3A_242 = arith.cmpi eq, %iota3A_30, %eq3A_241 : vector<128x16xi32>
    %broadcast_in_dim3A_243 = vector.shape_cast %broadcast_in_dim3A_231 : vector<128x1xf32> to vector<128x1xf32>
    %broadcast_in_dim3A_244 = vector.broadcast %broadcast_in_dim3A_243 : vector<128x1xf32> to vector<128x16xf32>
    %select_n3A_245 = arith.select %eq3A_242, %broadcast_in_dim3A_244, %select_n3A_217 : vector<128x16xi1>, vector<128x16xf32>
    %eq3A_246 = arith.constant 7 : i32
    %eq3A_247 = vector.broadcast %eq3A_246 : i32 to vector<128x16xi32>
    %eq3A_248 = arith.cmpi eq, %iota3A_30, %eq3A_247 : vector<128x16xi32>
    %broadcast_in_dim3A_249 = vector.shape_cast %broadcast_in_dim3A_239 : vector<128x1xi32> to vector<128x1xi32>
    %broadcast_in_dim3A_250 = vector.broadcast %broadcast_in_dim3A_249 : vector<128x1xi32> to vector<128x16xi32>
    %select_n3A_251 = arith.select %eq3A_248, %broadcast_in_dim3A_250, %select_n3A_223 : vector<128x16xi1>, vector<128x16xi32>
    %eq3A_252 = vector.broadcast %broadcast_in_dim3A_239 : vector<128x1xi32> to vector<128x512xi32>
    %eq3A_253 = arith.cmpi eq, %iota3A, %eq3A_252 : vector<128x512xi32>
    %jit3A_254 = arith.constant 3.000000e+10 : f32
    %broadcast_in_dim3A_255 = vector.broadcast %jit3A_254 : f32 to vector<128x512xf32>
    %select_n3A_256 = arith.select %eq3A_253, %broadcast_in_dim3A_255, %select_n3A_228 : vector<128x512xi1>, vector<128x512xf32>
    %reduce_min3A_257 = arith.constant dense<0x7F800000> : vector<128xf32>
    %reduce_min3A_258 = vector.multi_reduction <minimumf>, %select_n3A_256, %reduce_min3A_257 [1] : vector<128x512xf32> to vector<128xf32>
    %broadcast_in_dim3A_259 = vector.shape_cast %reduce_min3A_258 : vector<128xf32> to vector<128x1xf32>
    %eq3A_260 = vector.broadcast %broadcast_in_dim3A_259 : vector<128x1xf32> to vector<128x512xf32>
    %eq3A_261 = arith.cmpf oeq, %select_n3A_256, %eq3A_260 : vector<128x512xf32>
    %jit3A_262 = arith.constant 512 : i32
    %broadcast_in_dim3A_263 = vector.broadcast %jit3A_262 : i32 to vector<128x512xi32>
    %select_n3A_264 = arith.select %eq3A_261, %iota3A, %broadcast_in_dim3A_263 : vector<128x512xi1>, vector<128x512xi32>
    %reduce_min3A_265 = arith.constant dense<2147483647> : vector<128xi32>
    %reduce_min3A_266 = vector.multi_reduction <minsi>, %select_n3A_264, %reduce_min3A_265 [1] : vector<128x512xi32> to vector<128xi32>
    %broadcast_in_dim3A_267 = vector.shape_cast %reduce_min3A_266 : vector<128xi32> to vector<128x1xi32>
    %eq3A_268 = arith.constant 8 : i32
    %eq3A_269 = vector.broadcast %eq3A_268 : i32 to vector<128x16xi32>
    %eq3A_270 = arith.cmpi eq, %iota3A_30, %eq3A_269 : vector<128x16xi32>
    %broadcast_in_dim3A_271 = vector.shape_cast %broadcast_in_dim3A_259 : vector<128x1xf32> to vector<128x1xf32>
    %broadcast_in_dim3A_272 = vector.broadcast %broadcast_in_dim3A_271 : vector<128x1xf32> to vector<128x16xf32>
    %select_n3A_273 = arith.select %eq3A_270, %broadcast_in_dim3A_272, %select_n3A_245 : vector<128x16xi1>, vector<128x16xf32>
    %eq3A_274 = arith.constant 8 : i32
    %eq3A_275 = vector.broadcast %eq3A_274 : i32 to vector<128x16xi32>
    %eq3A_276 = arith.cmpi eq, %iota3A_30, %eq3A_275 : vector<128x16xi32>
    %broadcast_in_dim3A_277 = vector.shape_cast %broadcast_in_dim3A_267 : vector<128x1xi32> to vector<128x1xi32>
    %broadcast_in_dim3A_278 = vector.broadcast %broadcast_in_dim3A_277 : vector<128x1xi32> to vector<128x16xi32>
    %select_n3A_279 = arith.select %eq3A_276, %broadcast_in_dim3A_278, %select_n3A_251 : vector<128x16xi1>, vector<128x16xi32>
    %eq3A_280 = vector.broadcast %broadcast_in_dim3A_267 : vector<128x1xi32> to vector<128x512xi32>
    %eq3A_281 = arith.cmpi eq, %iota3A, %eq3A_280 : vector<128x512xi32>
    %jit3A_282 = arith.constant 3.000000e+10 : f32
    %broadcast_in_dim3A_283 = vector.broadcast %jit3A_282 : f32 to vector<128x512xf32>
    %select_n3A_284 = arith.select %eq3A_281, %broadcast_in_dim3A_283, %select_n3A_256 : vector<128x512xi1>, vector<128x512xf32>
    %reduce_min3A_285 = arith.constant dense<0x7F800000> : vector<128xf32>
    %reduce_min3A_286 = vector.multi_reduction <minimumf>, %select_n3A_284, %reduce_min3A_285 [1] : vector<128x512xf32> to vector<128xf32>
    %broadcast_in_dim3A_287 = vector.shape_cast %reduce_min3A_286 : vector<128xf32> to vector<128x1xf32>
    %eq3A_288 = vector.broadcast %broadcast_in_dim3A_287 : vector<128x1xf32> to vector<128x512xf32>
    %eq3A_289 = arith.cmpf oeq, %select_n3A_284, %eq3A_288 : vector<128x512xf32>
    %jit3A_290 = arith.constant 512 : i32
    %broadcast_in_dim3A_291 = vector.broadcast %jit3A_290 : i32 to vector<128x512xi32>
    %select_n3A_292 = arith.select %eq3A_289, %iota3A, %broadcast_in_dim3A_291 : vector<128x512xi1>, vector<128x512xi32>
    %reduce_min3A_293 = arith.constant dense<2147483647> : vector<128xi32>
    %reduce_min3A_294 = vector.multi_reduction <minsi>, %select_n3A_292, %reduce_min3A_293 [1] : vector<128x512xi32> to vector<128xi32>
    %broadcast_in_dim3A_295 = vector.shape_cast %reduce_min3A_294 : vector<128xi32> to vector<128x1xi32>
    %eq3A_296 = arith.constant 9 : i32
    %eq3A_297 = vector.broadcast %eq3A_296 : i32 to vector<128x16xi32>
    %eq3A_298 = arith.cmpi eq, %iota3A_30, %eq3A_297 : vector<128x16xi32>
    %broadcast_in_dim3A_299 = vector.shape_cast %broadcast_in_dim3A_287 : vector<128x1xf32> to vector<128x1xf32>
    %broadcast_in_dim3A_300 = vector.broadcast %broadcast_in_dim3A_299 : vector<128x1xf32> to vector<128x16xf32>
    %select_n3A_301 = arith.select %eq3A_298, %broadcast_in_dim3A_300, %select_n3A_273 : vector<128x16xi1>, vector<128x16xf32>
    %eq3A_302 = arith.constant 9 : i32
    %eq3A_303 = vector.broadcast %eq3A_302 : i32 to vector<128x16xi32>
    %eq3A_304 = arith.cmpi eq, %iota3A_30, %eq3A_303 : vector<128x16xi32>
    %broadcast_in_dim3A_305 = vector.shape_cast %broadcast_in_dim3A_295 : vector<128x1xi32> to vector<128x1xi32>
    %broadcast_in_dim3A_306 = vector.broadcast %broadcast_in_dim3A_305 : vector<128x1xi32> to vector<128x16xi32>
    %select_n3A_307 = arith.select %eq3A_304, %broadcast_in_dim3A_306, %select_n3A_279 : vector<128x16xi1>, vector<128x16xi32>
    %eq3A_308 = vector.broadcast %broadcast_in_dim3A_295 : vector<128x1xi32> to vector<128x512xi32>
    %eq3A_309 = arith.cmpi eq, %iota3A, %eq3A_308 : vector<128x512xi32>
    %jit3A_310 = arith.constant 3.000000e+10 : f32
    %broadcast_in_dim3A_311 = vector.broadcast %jit3A_310 : f32 to vector<128x512xf32>
    %select_n3A_312 = arith.select %eq3A_309, %broadcast_in_dim3A_311, %select_n3A_284 : vector<128x512xi1>, vector<128x512xf32>
    %reduce_min3A_313 = arith.constant dense<0x7F800000> : vector<128xf32>
    %reduce_min3A_314 = vector.multi_reduction <minimumf>, %select_n3A_312, %reduce_min3A_313 [1] : vector<128x512xf32> to vector<128xf32>
    %broadcast_in_dim3A_315 = vector.shape_cast %reduce_min3A_314 : vector<128xf32> to vector<128x1xf32>
    %eq3A_316 = vector.broadcast %broadcast_in_dim3A_315 : vector<128x1xf32> to vector<128x512xf32>
    %eq3A_317 = arith.cmpf oeq, %select_n3A_312, %eq3A_316 : vector<128x512xf32>
    %jit3A_318 = arith.constant 512 : i32
    %broadcast_in_dim3A_319 = vector.broadcast %jit3A_318 : i32 to vector<128x512xi32>
    %select_n3A_320 = arith.select %eq3A_317, %iota3A, %broadcast_in_dim3A_319 : vector<128x512xi1>, vector<128x512xi32>
    %reduce_min3A_321 = arith.constant dense<2147483647> : vector<128xi32>
    %reduce_min3A_322 = vector.multi_reduction <minsi>, %select_n3A_320, %reduce_min3A_321 [1] : vector<128x512xi32> to vector<128xi32>
    %broadcast_in_dim3A_323 = vector.shape_cast %reduce_min3A_322 : vector<128xi32> to vector<128x1xi32>
    %eq3A_324 = arith.constant 10 : i32
    %eq3A_325 = vector.broadcast %eq3A_324 : i32 to vector<128x16xi32>
    %eq3A_326 = arith.cmpi eq, %iota3A_30, %eq3A_325 : vector<128x16xi32>
    %broadcast_in_dim3A_327 = vector.shape_cast %broadcast_in_dim3A_315 : vector<128x1xf32> to vector<128x1xf32>
    %broadcast_in_dim3A_328 = vector.broadcast %broadcast_in_dim3A_327 : vector<128x1xf32> to vector<128x16xf32>
    %select_n3A_329 = arith.select %eq3A_326, %broadcast_in_dim3A_328, %select_n3A_301 : vector<128x16xi1>, vector<128x16xf32>
    %eq3A_330 = arith.constant 10 : i32
    %eq3A_331 = vector.broadcast %eq3A_330 : i32 to vector<128x16xi32>
    %eq3A_332 = arith.cmpi eq, %iota3A_30, %eq3A_331 : vector<128x16xi32>
    %broadcast_in_dim3A_333 = vector.shape_cast %broadcast_in_dim3A_323 : vector<128x1xi32> to vector<128x1xi32>
    %broadcast_in_dim3A_334 = vector.broadcast %broadcast_in_dim3A_333 : vector<128x1xi32> to vector<128x16xi32>
    %select_n3A_335 = arith.select %eq3A_332, %broadcast_in_dim3A_334, %select_n3A_307 : vector<128x16xi1>, vector<128x16xi32>
    %eq3A_336 = vector.broadcast %broadcast_in_dim3A_323 : vector<128x1xi32> to vector<128x512xi32>
    %eq3A_337 = arith.cmpi eq, %iota3A, %eq3A_336 : vector<128x512xi32>
    %jit3A_338 = arith.constant 3.000000e+10 : f32
    %broadcast_in_dim3A_339 = vector.broadcast %jit3A_338 : f32 to vector<128x512xf32>
    %select_n3A_340 = arith.select %eq3A_337, %broadcast_in_dim3A_339, %select_n3A_312 : vector<128x512xi1>, vector<128x512xf32>
    %reduce_min3A_341 = arith.constant dense<0x7F800000> : vector<128xf32>
    %reduce_min3A_342 = vector.multi_reduction <minimumf>, %select_n3A_340, %reduce_min3A_341 [1] : vector<128x512xf32> to vector<128xf32>
    %broadcast_in_dim3A_343 = vector.shape_cast %reduce_min3A_342 : vector<128xf32> to vector<128x1xf32>
    %eq3A_344 = vector.broadcast %broadcast_in_dim3A_343 : vector<128x1xf32> to vector<128x512xf32>
    %eq3A_345 = arith.cmpf oeq, %select_n3A_340, %eq3A_344 : vector<128x512xf32>
    %jit3A_346 = arith.constant 512 : i32
    %broadcast_in_dim3A_347 = vector.broadcast %jit3A_346 : i32 to vector<128x512xi32>
    %select_n3A_348 = arith.select %eq3A_345, %iota3A, %broadcast_in_dim3A_347 : vector<128x512xi1>, vector<128x512xi32>
    %reduce_min3A_349 = arith.constant dense<2147483647> : vector<128xi32>
    %reduce_min3A_350 = vector.multi_reduction <minsi>, %select_n3A_348, %reduce_min3A_349 [1] : vector<128x512xi32> to vector<128xi32>
    %broadcast_in_dim3A_351 = vector.shape_cast %reduce_min3A_350 : vector<128xi32> to vector<128x1xi32>
    %eq3A_352 = arith.constant 11 : i32
    %eq3A_353 = vector.broadcast %eq3A_352 : i32 to vector<128x16xi32>
    %eq3A_354 = arith.cmpi eq, %iota3A_30, %eq3A_353 : vector<128x16xi32>
    %broadcast_in_dim3A_355 = vector.shape_cast %broadcast_in_dim3A_343 : vector<128x1xf32> to vector<128x1xf32>
    %broadcast_in_dim3A_356 = vector.broadcast %broadcast_in_dim3A_355 : vector<128x1xf32> to vector<128x16xf32>
    %select_n3A_357 = arith.select %eq3A_354, %broadcast_in_dim3A_356, %select_n3A_329 : vector<128x16xi1>, vector<128x16xf32>
    %eq3A_358 = arith.constant 11 : i32
    %eq3A_359 = vector.broadcast %eq3A_358 : i32 to vector<128x16xi32>
    %eq3A_360 = arith.cmpi eq, %iota3A_30, %eq3A_359 : vector<128x16xi32>
    %broadcast_in_dim3A_361 = vector.shape_cast %broadcast_in_dim3A_351 : vector<128x1xi32> to vector<128x1xi32>
    %broadcast_in_dim3A_362 = vector.broadcast %broadcast_in_dim3A_361 : vector<128x1xi32> to vector<128x16xi32>
    %select_n3A_363 = arith.select %eq3A_360, %broadcast_in_dim3A_362, %select_n3A_335 : vector<128x16xi1>, vector<128x16xi32>
    %eq3A_364 = vector.broadcast %broadcast_in_dim3A_351 : vector<128x1xi32> to vector<128x512xi32>
    %eq3A_365 = arith.cmpi eq, %iota3A, %eq3A_364 : vector<128x512xi32>
    %jit3A_366 = arith.constant 3.000000e+10 : f32
    %broadcast_in_dim3A_367 = vector.broadcast %jit3A_366 : f32 to vector<128x512xf32>
    %select_n3A_368 = arith.select %eq3A_365, %broadcast_in_dim3A_367, %select_n3A_340 : vector<128x512xi1>, vector<128x512xf32>
    %reduce_min3A_369 = arith.constant dense<0x7F800000> : vector<128xf32>
    %reduce_min3A_370 = vector.multi_reduction <minimumf>, %select_n3A_368, %reduce_min3A_369 [1] : vector<128x512xf32> to vector<128xf32>
    %broadcast_in_dim3A_371 = vector.shape_cast %reduce_min3A_370 : vector<128xf32> to vector<128x1xf32>
    %eq3A_372 = vector.broadcast %broadcast_in_dim3A_371 : vector<128x1xf32> to vector<128x512xf32>
    %eq3A_373 = arith.cmpf oeq, %select_n3A_368, %eq3A_372 : vector<128x512xf32>
    %jit3A_374 = arith.constant 512 : i32
    %broadcast_in_dim3A_375 = vector.broadcast %jit3A_374 : i32 to vector<128x512xi32>
    %select_n3A_376 = arith.select %eq3A_373, %iota3A, %broadcast_in_dim3A_375 : vector<128x512xi1>, vector<128x512xi32>
    %reduce_min3A_377 = arith.constant dense<2147483647> : vector<128xi32>
    %reduce_min3A_378 = vector.multi_reduction <minsi>, %select_n3A_376, %reduce_min3A_377 [1] : vector<128x512xi32> to vector<128xi32>
    %broadcast_in_dim3A_379 = vector.shape_cast %reduce_min3A_378 : vector<128xi32> to vector<128x1xi32>
    %eq3A_380 = arith.constant 12 : i32
    %eq3A_381 = vector.broadcast %eq3A_380 : i32 to vector<128x16xi32>
    %eq3A_382 = arith.cmpi eq, %iota3A_30, %eq3A_381 : vector<128x16xi32>
    %broadcast_in_dim3A_383 = vector.shape_cast %broadcast_in_dim3A_371 : vector<128x1xf32> to vector<128x1xf32>
    %broadcast_in_dim3A_384 = vector.broadcast %broadcast_in_dim3A_383 : vector<128x1xf32> to vector<128x16xf32>
    %select_n3A_385 = arith.select %eq3A_382, %broadcast_in_dim3A_384, %select_n3A_357 : vector<128x16xi1>, vector<128x16xf32>
    %eq3A_386 = arith.constant 12 : i32
    %eq3A_387 = vector.broadcast %eq3A_386 : i32 to vector<128x16xi32>
    %eq3A_388 = arith.cmpi eq, %iota3A_30, %eq3A_387 : vector<128x16xi32>
    %broadcast_in_dim3A_389 = vector.shape_cast %broadcast_in_dim3A_379 : vector<128x1xi32> to vector<128x1xi32>
    %broadcast_in_dim3A_390 = vector.broadcast %broadcast_in_dim3A_389 : vector<128x1xi32> to vector<128x16xi32>
    %select_n3A_391 = arith.select %eq3A_388, %broadcast_in_dim3A_390, %select_n3A_363 : vector<128x16xi1>, vector<128x16xi32>
    %eq3A_392 = vector.broadcast %broadcast_in_dim3A_379 : vector<128x1xi32> to vector<128x512xi32>
    %eq3A_393 = arith.cmpi eq, %iota3A, %eq3A_392 : vector<128x512xi32>
    %jit3A_394 = arith.constant 3.000000e+10 : f32
    %broadcast_in_dim3A_395 = vector.broadcast %jit3A_394 : f32 to vector<128x512xf32>
    %select_n3A_396 = arith.select %eq3A_393, %broadcast_in_dim3A_395, %select_n3A_368 : vector<128x512xi1>, vector<128x512xf32>
    %reduce_min3A_397 = arith.constant dense<0x7F800000> : vector<128xf32>
    %reduce_min3A_398 = vector.multi_reduction <minimumf>, %select_n3A_396, %reduce_min3A_397 [1] : vector<128x512xf32> to vector<128xf32>
    %broadcast_in_dim3A_399 = vector.shape_cast %reduce_min3A_398 : vector<128xf32> to vector<128x1xf32>
    %eq3A_400 = vector.broadcast %broadcast_in_dim3A_399 : vector<128x1xf32> to vector<128x512xf32>
    %eq3A_401 = arith.cmpf oeq, %select_n3A_396, %eq3A_400 : vector<128x512xf32>
    %jit3A_402 = arith.constant 512 : i32
    %broadcast_in_dim3A_403 = vector.broadcast %jit3A_402 : i32 to vector<128x512xi32>
    %select_n3A_404 = arith.select %eq3A_401, %iota3A, %broadcast_in_dim3A_403 : vector<128x512xi1>, vector<128x512xi32>
    %reduce_min3A_405 = arith.constant dense<2147483647> : vector<128xi32>
    %reduce_min3A_406 = vector.multi_reduction <minsi>, %select_n3A_404, %reduce_min3A_405 [1] : vector<128x512xi32> to vector<128xi32>
    %broadcast_in_dim3A_407 = vector.shape_cast %reduce_min3A_406 : vector<128xi32> to vector<128x1xi32>
    %eq3A_408 = arith.constant 13 : i32
    %eq3A_409 = vector.broadcast %eq3A_408 : i32 to vector<128x16xi32>
    %eq3A_410 = arith.cmpi eq, %iota3A_30, %eq3A_409 : vector<128x16xi32>
    %broadcast_in_dim3A_411 = vector.shape_cast %broadcast_in_dim3A_399 : vector<128x1xf32> to vector<128x1xf32>
    %broadcast_in_dim3A_412 = vector.broadcast %broadcast_in_dim3A_411 : vector<128x1xf32> to vector<128x16xf32>
    %select_n3A_413 = arith.select %eq3A_410, %broadcast_in_dim3A_412, %select_n3A_385 : vector<128x16xi1>, vector<128x16xf32>
    %eq3A_414 = arith.constant 13 : i32
    %eq3A_415 = vector.broadcast %eq3A_414 : i32 to vector<128x16xi32>
    %eq3A_416 = arith.cmpi eq, %iota3A_30, %eq3A_415 : vector<128x16xi32>
    %broadcast_in_dim3A_417 = vector.shape_cast %broadcast_in_dim3A_407 : vector<128x1xi32> to vector<128x1xi32>
    %broadcast_in_dim3A_418 = vector.broadcast %broadcast_in_dim3A_417 : vector<128x1xi32> to vector<128x16xi32>
    %select_n3A_419 = arith.select %eq3A_416, %broadcast_in_dim3A_418, %select_n3A_391 : vector<128x16xi1>, vector<128x16xi32>
    %eq3A_420 = vector.broadcast %broadcast_in_dim3A_407 : vector<128x1xi32> to vector<128x512xi32>
    %eq3A_421 = arith.cmpi eq, %iota3A, %eq3A_420 : vector<128x512xi32>
    %jit3A_422 = arith.constant 3.000000e+10 : f32
    %broadcast_in_dim3A_423 = vector.broadcast %jit3A_422 : f32 to vector<128x512xf32>
    %select_n3A_424 = arith.select %eq3A_421, %broadcast_in_dim3A_423, %select_n3A_396 : vector<128x512xi1>, vector<128x512xf32>
    %reduce_min3A_425 = arith.constant dense<0x7F800000> : vector<128xf32>
    %reduce_min3A_426 = vector.multi_reduction <minimumf>, %select_n3A_424, %reduce_min3A_425 [1] : vector<128x512xf32> to vector<128xf32>
    %broadcast_in_dim3A_427 = vector.shape_cast %reduce_min3A_426 : vector<128xf32> to vector<128x1xf32>
    %eq3A_428 = vector.broadcast %broadcast_in_dim3A_427 : vector<128x1xf32> to vector<128x512xf32>
    %eq3A_429 = arith.cmpf oeq, %select_n3A_424, %eq3A_428 : vector<128x512xf32>
    %jit3A_430 = arith.constant 512 : i32
    %broadcast_in_dim3A_431 = vector.broadcast %jit3A_430 : i32 to vector<128x512xi32>
    %select_n3A_432 = arith.select %eq3A_429, %iota3A, %broadcast_in_dim3A_431 : vector<128x512xi1>, vector<128x512xi32>
    %reduce_min3A_433 = arith.constant dense<2147483647> : vector<128xi32>
    %reduce_min3A_434 = vector.multi_reduction <minsi>, %select_n3A_432, %reduce_min3A_433 [1] : vector<128x512xi32> to vector<128xi32>
    %broadcast_in_dim3A_435 = vector.shape_cast %reduce_min3A_434 : vector<128xi32> to vector<128x1xi32>
    %eq3A_436 = arith.constant 14 : i32
    %eq3A_437 = vector.broadcast %eq3A_436 : i32 to vector<128x16xi32>
    %eq3A_438 = arith.cmpi eq, %iota3A_30, %eq3A_437 : vector<128x16xi32>
    %broadcast_in_dim3A_439 = vector.shape_cast %broadcast_in_dim3A_427 : vector<128x1xf32> to vector<128x1xf32>
    %broadcast_in_dim3A_440 = vector.broadcast %broadcast_in_dim3A_439 : vector<128x1xf32> to vector<128x16xf32>
    %select_n3A_441 = arith.select %eq3A_438, %broadcast_in_dim3A_440, %select_n3A_413 : vector<128x16xi1>, vector<128x16xf32>
    %eq3A_442 = arith.constant 14 : i32
    %eq3A_443 = vector.broadcast %eq3A_442 : i32 to vector<128x16xi32>
    %eq3A_444 = arith.cmpi eq, %iota3A_30, %eq3A_443 : vector<128x16xi32>
    %broadcast_in_dim3A_445 = vector.shape_cast %broadcast_in_dim3A_435 : vector<128x1xi32> to vector<128x1xi32>
    %broadcast_in_dim3A_446 = vector.broadcast %broadcast_in_dim3A_445 : vector<128x1xi32> to vector<128x16xi32>
    %select_n3A_447 = arith.select %eq3A_444, %broadcast_in_dim3A_446, %select_n3A_419 : vector<128x16xi1>, vector<128x16xi32>
    %eq3A_448 = vector.broadcast %broadcast_in_dim3A_435 : vector<128x1xi32> to vector<128x512xi32>
    %eq3A_449 = arith.cmpi eq, %iota3A, %eq3A_448 : vector<128x512xi32>
    %jit3A_450 = arith.constant 3.000000e+10 : f32
    %broadcast_in_dim3A_451 = vector.broadcast %jit3A_450 : f32 to vector<128x512xf32>
    %select_n3A_452 = arith.select %eq3A_449, %broadcast_in_dim3A_451, %select_n3A_424 : vector<128x512xi1>, vector<128x512xf32>
    %reduce_min3A_453 = arith.constant dense<0x7F800000> : vector<128xf32>
    %reduce_min3A_454 = vector.multi_reduction <minimumf>, %select_n3A_452, %reduce_min3A_453 [1] : vector<128x512xf32> to vector<128xf32>
    %broadcast_in_dim3A_455 = vector.shape_cast %reduce_min3A_454 : vector<128xf32> to vector<128x1xf32>
    %eq3A_456 = vector.broadcast %broadcast_in_dim3A_455 : vector<128x1xf32> to vector<128x512xf32>
    %eq3A_457 = arith.cmpf oeq, %select_n3A_452, %eq3A_456 : vector<128x512xf32>
    %jit3A_458 = arith.constant 512 : i32
    %broadcast_in_dim3A_459 = vector.broadcast %jit3A_458 : i32 to vector<128x512xi32>
    %select_n3A_460 = arith.select %eq3A_457, %iota3A, %broadcast_in_dim3A_459 : vector<128x512xi1>, vector<128x512xi32>
    %reduce_min3A_461 = arith.constant dense<2147483647> : vector<128xi32>
    %reduce_min3A_462 = vector.multi_reduction <minsi>, %select_n3A_460, %reduce_min3A_461 [1] : vector<128x512xi32> to vector<128xi32>
    %broadcast_in_dim3A_463 = vector.shape_cast %reduce_min3A_462 : vector<128xi32> to vector<128x1xi32>
    %eq3A_464 = arith.constant 15 : i32
    %eq3A_465 = vector.broadcast %eq3A_464 : i32 to vector<128x16xi32>
    %eq3A_466 = arith.cmpi eq, %iota3A_30, %eq3A_465 : vector<128x16xi32>
    %broadcast_in_dim3A_467 = vector.shape_cast %broadcast_in_dim3A_455 : vector<128x1xf32> to vector<128x1xf32>
    %broadcast_in_dim3A_468 = vector.broadcast %broadcast_in_dim3A_467 : vector<128x1xf32> to vector<128x16xf32>
    %select_n3A_469 = arith.select %eq3A_466, %broadcast_in_dim3A_468, %select_n3A_441 : vector<128x16xi1>, vector<128x16xf32>
    %eq3A_470 = arith.constant 15 : i32
    %eq3A_471 = vector.broadcast %eq3A_470 : i32 to vector<128x16xi32>
    %eq3A_472 = arith.cmpi eq, %iota3A_30, %eq3A_471 : vector<128x16xi32>
    %broadcast_in_dim3A_473 = vector.shape_cast %broadcast_in_dim3A_463 : vector<128x1xi32> to vector<128x1xi32>
    %broadcast_in_dim3A_474 = vector.broadcast %broadcast_in_dim3A_473 : vector<128x1xi32> to vector<128x16xi32>
    %select_n3A_475 = arith.select %eq3A_472, %broadcast_in_dim3A_474, %select_n3A_447 : vector<128x16xi1>, vector<128x16xi32>
    %lt3A = arith.constant 1.000000e+09 : f32
    %lt3A_476 = vector.broadcast %lt3A : f32 to vector<128x16xf32>
    %lt3A_477 = arith.cmpf olt, %select_n3A_469, %lt3A_476 : vector<128x16xf32>
    %slice3A = vector.extract_strided_slice %select_n3A_475 {offsets = [0, 0], sizes = [128, 1], strides = [1, 1]} : vector<128x16xi32> to vector<128x1xi32>
    %slice3A_478 = vector.extract_strided_slice %select_n3A_469 {offsets = [0, 0], sizes = [128, 1], strides = [1, 1]} : vector<128x16xf32> to vector<128x1xf32>
    %broadcast_in_dim3A_479 = vector.shape_cast %slice3A : vector<128x1xi32> to vector<128x1xi32>
    %broadcast_in_dim3A_480 = vector.broadcast %broadcast_in_dim3A_479 : vector<128x1xi32> to vector<128x16xi32>
    %select_n3A_481 = arith.select %lt3A_477, %select_n3A_475, %broadcast_in_dim3A_480 : vector<128x16xi1>, vector<128x16xi32>
    %swap3A = arith.constant 0 : index
    %swap3A_482 = arith.constant 0 : index
    %swap3A_483 = vector.load %arg7[%swap3A, %swap3A_482] : memref<128x16xi32, #tpu.memory_space<vmem>>, vector<128x16xi32>
    tpu.vector_store %arg7[%swap3A, %swap3A_482], %select_n3A_481 {strides = array<i32>} : memref<128x16xi32, #tpu.memory_space<vmem>>, vector<128x16xi32>,
    %broadcast_in_dim3A_484 = vector.shape_cast %slice3A_478 : vector<128x1xf32> to vector<128x1xf32>
    %broadcast_in_dim3A_485 = vector.broadcast %broadcast_in_dim3A_484 : vector<128x1xf32> to vector<128x16xf32>
    %select_n3A_486 = arith.select %lt3A_477, %select_n3A_469, %broadcast_in_dim3A_485 : vector<128x16xi1>, vector<128x16xf32>
    %swap3A_487 = arith.constant 0 : index
    %swap3A_488 = arith.constant 0 : index
    %swap3A_489 = vector.load %arg8[%swap3A_487, %swap3A_488] : memref<128x16xf32, #tpu.memory_space<vmem>>, vector<128x16xf32>
    tpu.vector_store %arg8[%swap3A_487, %swap3A_488], %select_n3A_486 {strides = array<i32>} : memref<128x16xf32, #tpu.memory_space<vmem>>, vector<128x16xf32>,
    return
  }
  func.func @transform_0(%arg0: i32) -> (i32, i32) {
    %c0_i32 = arith.constant 0 : i32
    %c0_i32_0 = arith.constant 0 : i32
    return %arg0, %c0_i32 : i32, i32
  }
  func.func @transform_1(%arg0: i32) -> (i32, i32) {
    %c0_i32 = arith.constant 0 : i32
    %c0_i32_0 = arith.constant 0 : i32
    return %arg0, %c0_i32 : i32, i32
  }
  func.func @transform_2(%arg0: i32) -> (i32, i32) {
    %c0_i32 = arith.constant 0 : i32
    %c0_i32_0 = arith.constant 0 : i32
    return %arg0, %c0_i32 : i32, i32
  }
  func.func @transform_3(%arg0: i32) -> (i32, i32) {
    %c0_i32 = arith.constant 0 : i32
    %c0_i32_0 = arith.constant 0 : i32
    %c0_i32_1 = arith.constant 0 : i32
    return %c0_i32, %c0_i32_0 : i32, i32
  }
  func.func @transform_4(%arg0: i32) -> (i32, i32) {
    %c0_i32 = arith.constant 0 : i32
    %c0_i32_0 = arith.constant 0 : i32
    %c0_i32_1 = arith.constant 0 : i32
    return %c0_i32, %c0_i32_0 : i32, i32
  }
  func.func @transform_5(%arg0: i32) -> (i32, i32) {
    %c0_i32 = arith.constant 0 : i32
    %c0_i32_0 = arith.constant 0 : i32
    %c0_i32_1 = arith.constant 0 : i32
    return %c0_i32, %c0_i32_0 : i32, i32
  }
  func.func @transform_6(%arg0: i32) -> (i32, i32) {
    %c0_i32 = arith.constant 0 : i32
    %c0_i32_0 = arith.constant 0 : i32
    return %arg0, %c0_i32 : i32, i32
  }
  func.func @transform_7(%arg0: i32) -> (i32, i32) {
    %c0_i32 = arith.constant 0 : i32
    %c0_i32_0 = arith.constant 0 : i32
    return %arg0, %c0_i32 : i32, i32
  }
}

module attributes {stable_mosaic.version = 14 : i64} {
  func.func @_stage0_body(%arg0: memref<8192x128xf32, #tpu.memory_space<vmem>>, %arg1: memref<8192x1xf32, #tpu.memory_space<vmem>>, %arg2: memref<32x64xf32, #tpu.memory_space<vmem>>, %arg3: memref<64x32xf32, #tpu.memory_space<vmem>>, %arg4: memref<1x32xf32, #tpu.memory_space<vmem>>, %arg5: memref<1x32xf32, #tpu.memory_space<vmem>>, %arg6: memref<32x32xf32, #tpu.memory_space<vmem>>, %arg7: memref<32x32xf32, #tpu.memory_space<vmem>>, %arg8: memref<512x128xf32, #tpu.memory_space<vmem>>) attributes {dimension_semantics = [], scalar_prefetch = 0 : i64, scratch_operands = 0 : i64, tpu.core_type = #tpu.core_type<tc>} {
    %get3A = arith.constant 0 : index
    %get3A_0 = arith.constant 0 : index
    %get3A_1 = vector.load %arg0[%get3A, %get3A_0] : memref<8192x128xf32, #tpu.memory_space<vmem>>, vector<8192x128xf32>
    %get3A_2 = arith.constant 0 : index
    %get3A_3 = arith.constant 0 : index
    %get3A_4 = vector.load %arg1[%get3A_2, %get3A_3] : memref<8192x1xf32, #tpu.memory_space<vmem>>, vector<8192x1xf32>
    %get3A_5 = arith.constant 0 : index
    %get3A_6 = arith.constant 0 : index
    %get3A_7 = vector.load %arg2[%get3A_5, %get3A_6] : memref<32x64xf32, #tpu.memory_space<vmem>>, vector<32x64xf32>
    %get3A_8 = arith.constant 0 : index
    %get3A_9 = arith.constant 0 : index
    %get3A_10 = vector.load %arg3[%get3A_8, %get3A_9] : memref<64x32xf32, #tpu.memory_space<vmem>>, vector<64x32xf32>
    %sqrt3A = math.sqrt %get3A_4 : vector<8192x1xf32>
    %max3A = arith.constant 9.99999993E-9 : f32
    %max3A_11 = vector.broadcast %max3A : f32 to vector<8192x1xf32>
    %max3A_12 = arith.maximumf %sqrt3A, %max3A_11 : vector<8192x1xf32>
    %iota3A = tpu.iota {dimensions = array<i32: 1>} : vector<1x32xi32>
    %convert_element_type3A = arith.sitofp %iota3A : vector<1x32xi32> to vector<1x32xf32>
    %mul3A = arith.constant 0.0064516128 : f32
    %mul3A_13 = vector.broadcast %mul3A : f32 to vector<1x32xf32>
    %mul3A_14 = arith.mulf %convert_element_type3A, %mul3A_13 : vector<1x32xf32>
    %sub3A = vector.broadcast %max3A_12 : vector<8192x1xf32> to vector<8192x32xf32>
    %sub3A_15 = vector.broadcast %mul3A_14 : vector<1x32xf32> to vector<8192x32xf32>
    %sub3A_16 = arith.subf %sub3A, %sub3A_15 : vector<8192x32xf32>
    %mul3A_17 = arith.mulf %sub3A_16, %sub3A_16 : vector<8192x32xf32>
    %mul3A_18 = arith.constant -2.560000e+04 : f32
    %mul3A_19 = vector.broadcast %mul3A_18 : f32 to vector<8192x32xf32>
    %mul3A_20 = arith.mulf %mul3A_19, %mul3A_17 : vector<8192x32xf32>
    %exp3A = math.exp %mul3A_20 : vector<8192x32xf32>
    %dot_general3A = arith.constant dense<0.000000e+00> : vector<8192x64xf32>
    %dot_general3A_21 = tpu.matmul %exp3A, %get3A_7, %dot_general3A {dimension_numbers = #tpu.dot_dimension_numbers<[1], [0], [0], [1], [0, 0, 1, 1], [], []>, transpose_lhs_hint = false} : vector<8192x32xf32>, vector<32x64xf32>, vector<8192x64xf32> -> vector<8192x64xf32>
    %neg3A = arith.constant 0.000000e+00 : f32
    %neg3A_22 = vector.broadcast %neg3A : f32 to vector<8192x64xf32>
    %neg3A_23 = arith.subf %neg3A_22, %dot_general3A_21 : vector<8192x64xf32>
    %exp3A_24 = math.exp %neg3A_23 : vector<8192x64xf32>
    %add3A = arith.constant 1.000000e+00 : f32
    %add3A_25 = vector.broadcast %add3A : f32 to vector<8192x64xf32>
    %add3A_26 = arith.addf %add3A_25, %exp3A_24 : vector<8192x64xf32>
    %div3A = arith.constant 1.000000e+00 : f32
    %div3A_27 = vector.broadcast %div3A : f32 to vector<8192x64xf32>
    %div3A_28 = arith.divf %div3A_27, %add3A_26 : vector<8192x64xf32>
    %mul3A_29 = arith.mulf %dot_general3A_21, %div3A_28 : vector<8192x64xf32>
    %dot_general3A_30 = arith.constant dense<0.000000e+00> : vector<8192x32xf32>
    %dot_general3A_31 = tpu.matmul %mul3A_29, %get3A_10, %dot_general3A_30 {dimension_numbers = #tpu.dot_dimension_numbers<[1], [0], [0], [1], [0, 0, 1, 1], [], []>, transpose_lhs_hint = false} : vector<8192x64xf32>, vector<64x32xf32>, vector<8192x32xf32> -> vector<8192x32xf32>
    %get3A_32 = arith.constant 0 : index
    %get3A_33 = arith.constant 0 : index
    %get3A_34 = vector.load %arg4[%get3A_32, %get3A_33] : memref<1x32xf32, #tpu.memory_space<vmem>>, vector<1x32xf32>
    %get3A_35 = arith.constant 0 : index
    %get3A_36 = arith.constant 0 : index
    %get3A_37 = vector.load %arg5[%get3A_35, %get3A_36] : memref<1x32xf32, #tpu.memory_space<vmem>>, vector<1x32xf32>
    %slice3A = vector.extract_strided_slice %get3A_1 {offsets = [0, 0], sizes = [8192, 1], strides = [1, 1]} : vector<8192x128xf32> to vector<8192x1xf32>
    %mul3A_38 = vector.broadcast %slice3A : vector<8192x1xf32> to vector<8192x32xf32>
    %mul3A_39 = arith.mulf %dot_general3A_31, %mul3A_38 : vector<8192x32xf32>
    %mul3A_40 = vector.broadcast %get3A_34 : vector<1x32xf32> to vector<8192x32xf32>
    %mul3A_41 = arith.mulf %mul3A_39, %mul3A_40 : vector<8192x32xf32>
    %slice3A_42 = vector.extract_strided_slice %mul3A_41 {offsets = [0, 0], sizes = [512, 32], strides = [1, 1]} : vector<8192x32xf32> to vector<512x32xf32>
    %slice3A_43 = vector.extract_strided_slice %mul3A_41 {offsets = [512, 0], sizes = [512, 32], strides = [1, 1]} : vector<8192x32xf32> to vector<512x32xf32>
    %max3A_44 = arith.maximumf %slice3A_42, %slice3A_43 : vector<512x32xf32>
    %slice3A_45 = vector.extract_strided_slice %mul3A_41 {offsets = [1024, 0], sizes = [512, 32], strides = [1, 1]} : vector<8192x32xf32> to vector<512x32xf32>
    %max3A_46 = arith.maximumf %max3A_44, %slice3A_45 : vector<512x32xf32>
    %slice3A_47 = vector.extract_strided_slice %mul3A_41 {offsets = [1536, 0], sizes = [512, 32], strides = [1, 1]} : vector<8192x32xf32> to vector<512x32xf32>
    %max3A_48 = arith.maximumf %max3A_46, %slice3A_47 : vector<512x32xf32>
    %slice3A_49 = vector.extract_strided_slice %mul3A_41 {offsets = [2048, 0], sizes = [512, 32], strides = [1, 1]} : vector<8192x32xf32> to vector<512x32xf32>
    %max3A_50 = arith.maximumf %max3A_48, %slice3A_49 : vector<512x32xf32>
    %slice3A_51 = vector.extract_strided_slice %mul3A_41 {offsets = [2560, 0], sizes = [512, 32], strides = [1, 1]} : vector<8192x32xf32> to vector<512x32xf32>
    %max3A_52 = arith.maximumf %max3A_50, %slice3A_51 : vector<512x32xf32>
    %slice3A_53 = vector.extract_strided_slice %mul3A_41 {offsets = [3072, 0], sizes = [512, 32], strides = [1, 1]} : vector<8192x32xf32> to vector<512x32xf32>
    %max3A_54 = arith.maximumf %max3A_52, %slice3A_53 : vector<512x32xf32>
    %slice3A_55 = vector.extract_strided_slice %mul3A_41 {offsets = [3584, 0], sizes = [512, 32], strides = [1, 1]} : vector<8192x32xf32> to vector<512x32xf32>
    %max3A_56 = arith.maximumf %max3A_54, %slice3A_55 : vector<512x32xf32>
    %slice3A_57 = vector.extract_strided_slice %mul3A_41 {offsets = [4096, 0], sizes = [512, 32], strides = [1, 1]} : vector<8192x32xf32> to vector<512x32xf32>
    %max3A_58 = arith.maximumf %max3A_56, %slice3A_57 : vector<512x32xf32>
    %slice3A_59 = vector.extract_strided_slice %mul3A_41 {offsets = [4608, 0], sizes = [512, 32], strides = [1, 1]} : vector<8192x32xf32> to vector<512x32xf32>
    %max3A_60 = arith.maximumf %max3A_58, %slice3A_59 : vector<512x32xf32>
    %slice3A_61 = vector.extract_strided_slice %mul3A_41 {offsets = [5120, 0], sizes = [512, 32], strides = [1, 1]} : vector<8192x32xf32> to vector<512x32xf32>
    %max3A_62 = arith.maximumf %max3A_60, %slice3A_61 : vector<512x32xf32>
    %slice3A_63 = vector.extract_strided_slice %mul3A_41 {offsets = [5632, 0], sizes = [512, 32], strides = [1, 1]} : vector<8192x32xf32> to vector<512x32xf32>
    %max3A_64 = arith.maximumf %max3A_62, %slice3A_63 : vector<512x32xf32>
    %slice3A_65 = vector.extract_strided_slice %mul3A_41 {offsets = [6144, 0], sizes = [512, 32], strides = [1, 1]} : vector<8192x32xf32> to vector<512x32xf32>
    %max3A_66 = arith.maximumf %max3A_64, %slice3A_65 : vector<512x32xf32>
    %slice3A_67 = vector.extract_strided_slice %mul3A_41 {offsets = [6656, 0], sizes = [512, 32], strides = [1, 1]} : vector<8192x32xf32> to vector<512x32xf32>
    %max3A_68 = arith.maximumf %max3A_66, %slice3A_67 : vector<512x32xf32>
    %slice3A_69 = vector.extract_strided_slice %mul3A_41 {offsets = [7168, 0], sizes = [512, 32], strides = [1, 1]} : vector<8192x32xf32> to vector<512x32xf32>
    %max3A_70 = arith.maximumf %max3A_68, %slice3A_69 : vector<512x32xf32>
    %slice3A_71 = vector.extract_strided_slice %mul3A_41 {offsets = [7680, 0], sizes = [512, 32], strides = [1, 1]} : vector<8192x32xf32> to vector<512x32xf32>
    %max3A_72 = arith.maximumf %max3A_70, %slice3A_71 : vector<512x32xf32>
    %slice3A_73 = vector.extract_strided_slice %get3A_1 {offsets = [0, 1], sizes = [8192, 1], strides = [1, 1]} : vector<8192x128xf32> to vector<8192x1xf32>
    %mul3A_74 = vector.broadcast %slice3A_73 : vector<8192x1xf32> to vector<8192x32xf32>
    %mul3A_75 = arith.mulf %dot_general3A_31, %mul3A_74 : vector<8192x32xf32>
    %mul3A_76 = vector.broadcast %get3A_37 : vector<1x32xf32> to vector<8192x32xf32>
    %mul3A_77 = arith.mulf %mul3A_75, %mul3A_76 : vector<8192x32xf32>
    %slice3A_78 = vector.extract_strided_slice %mul3A_77 {offsets = [0, 0], sizes = [512, 32], strides = [1, 1]} : vector<8192x32xf32> to vector<512x32xf32>
    %slice3A_79 = vector.extract_strided_slice %mul3A_77 {offsets = [512, 0], sizes = [512, 32], strides = [1, 1]} : vector<8192x32xf32> to vector<512x32xf32>
    %max3A_80 = arith.maximumf %slice3A_78, %slice3A_79 : vector<512x32xf32>
    %slice3A_81 = vector.extract_strided_slice %mul3A_77 {offsets = [1024, 0], sizes = [512, 32], strides = [1, 1]} : vector<8192x32xf32> to vector<512x32xf32>
    %max3A_82 = arith.maximumf %max3A_80, %slice3A_81 : vector<512x32xf32>
    %slice3A_83 = vector.extract_strided_slice %mul3A_77 {offsets = [1536, 0], sizes = [512, 32], strides = [1, 1]} : vector<8192x32xf32> to vector<512x32xf32>
    %max3A_84 = arith.maximumf %max3A_82, %slice3A_83 : vector<512x32xf32>
    %slice3A_85 = vector.extract_strided_slice %mul3A_77 {offsets = [2048, 0], sizes = [512, 32], strides = [1, 1]} : vector<8192x32xf32> to vector<512x32xf32>
    %max3A_86 = arith.maximumf %max3A_84, %slice3A_85 : vector<512x32xf32>
    %slice3A_87 = vector.extract_strided_slice %mul3A_77 {offsets = [2560, 0], sizes = [512, 32], strides = [1, 1]} : vector<8192x32xf32> to vector<512x32xf32>
    %max3A_88 = arith.maximumf %max3A_86, %slice3A_87 : vector<512x32xf32>
    %slice3A_89 = vector.extract_strided_slice %mul3A_77 {offsets = [3072, 0], sizes = [512, 32], strides = [1, 1]} : vector<8192x32xf32> to vector<512x32xf32>
    %max3A_90 = arith.maximumf %max3A_88, %slice3A_89 : vector<512x32xf32>
    %slice3A_91 = vector.extract_strided_slice %mul3A_77 {offsets = [3584, 0], sizes = [512, 32], strides = [1, 1]} : vector<8192x32xf32> to vector<512x32xf32>
    %max3A_92 = arith.maximumf %max3A_90, %slice3A_91 : vector<512x32xf32>
    %slice3A_93 = vector.extract_strided_slice %mul3A_77 {offsets = [4096, 0], sizes = [512, 32], strides = [1, 1]} : vector<8192x32xf32> to vector<512x32xf32>
    %max3A_94 = arith.maximumf %max3A_92, %slice3A_93 : vector<512x32xf32>
    %slice3A_95 = vector.extract_strided_slice %mul3A_77 {offsets = [4608, 0], sizes = [512, 32], strides = [1, 1]} : vector<8192x32xf32> to vector<512x32xf32>
    %max3A_96 = arith.maximumf %max3A_94, %slice3A_95 : vector<512x32xf32>
    %slice3A_97 = vector.extract_strided_slice %mul3A_77 {offsets = [5120, 0], sizes = [512, 32], strides = [1, 1]} : vector<8192x32xf32> to vector<512x32xf32>
    %max3A_98 = arith.maximumf %max3A_96, %slice3A_97 : vector<512x32xf32>
    %slice3A_99 = vector.extract_strided_slice %mul3A_77 {offsets = [5632, 0], sizes = [512, 32], strides = [1, 1]} : vector<8192x32xf32> to vector<512x32xf32>
    %max3A_100 = arith.maximumf %max3A_98, %slice3A_99 : vector<512x32xf32>
    %slice3A_101 = vector.extract_strided_slice %mul3A_77 {offsets = [6144, 0], sizes = [512, 32], strides = [1, 1]} : vector<8192x32xf32> to vector<512x32xf32>
    %max3A_102 = arith.maximumf %max3A_100, %slice3A_101 : vector<512x32xf32>
    %slice3A_103 = vector.extract_strided_slice %mul3A_77 {offsets = [6656, 0], sizes = [512, 32], strides = [1, 1]} : vector<8192x32xf32> to vector<512x32xf32>
    %max3A_104 = arith.maximumf %max3A_102, %slice3A_103 : vector<512x32xf32>
    %slice3A_105 = vector.extract_strided_slice %mul3A_77 {offsets = [7168, 0], sizes = [512, 32], strides = [1, 1]} : vector<8192x32xf32> to vector<512x32xf32>
    %max3A_106 = arith.maximumf %max3A_104, %slice3A_105 : vector<512x32xf32>
    %slice3A_107 = vector.extract_strided_slice %mul3A_77 {offsets = [7680, 0], sizes = [512, 32], strides = [1, 1]} : vector<8192x32xf32> to vector<512x32xf32>
    %max3A_108 = arith.maximumf %max3A_106, %slice3A_107 : vector<512x32xf32>
    %slice3A_109 = vector.extract_strided_slice %get3A_1 {offsets = [0, 2], sizes = [8192, 1], strides = [1, 1]} : vector<8192x128xf32> to vector<8192x1xf32>
    %mul3A_110 = vector.broadcast %slice3A_109 : vector<8192x1xf32> to vector<8192x32xf32>
    %mul3A_111 = arith.mulf %dot_general3A_31, %mul3A_110 : vector<8192x32xf32>
    %mul3A_112 = vector.broadcast %get3A_37 : vector<1x32xf32> to vector<8192x32xf32>
    %mul3A_113 = arith.mulf %mul3A_111, %mul3A_112 : vector<8192x32xf32>
    %slice3A_114 = vector.extract_strided_slice %mul3A_113 {offsets = [0, 0], sizes = [512, 32], strides = [1, 1]} : vector<8192x32xf32> to vector<512x32xf32>
    %slice3A_115 = vector.extract_strided_slice %mul3A_113 {offsets = [512, 0], sizes = [512, 32], strides = [1, 1]} : vector<8192x32xf32> to vector<512x32xf32>
    %max3A_116 = arith.maximumf %slice3A_114, %slice3A_115 : vector<512x32xf32>
    %slice3A_117 = vector.extract_strided_slice %mul3A_113 {offsets = [1024, 0], sizes = [512, 32], strides = [1, 1]} : vector<8192x32xf32> to vector<512x32xf32>
    %max3A_118 = arith.maximumf %max3A_116, %slice3A_117 : vector<512x32xf32>
    %slice3A_119 = vector.extract_strided_slice %mul3A_113 {offsets = [1536, 0], sizes = [512, 32], strides = [1, 1]} : vector<8192x32xf32> to vector<512x32xf32>
    %max3A_120 = arith.maximumf %max3A_118, %slice3A_119 : vector<512x32xf32>
    %slice3A_121 = vector.extract_strided_slice %mul3A_113 {offsets = [2048, 0], sizes = [512, 32], strides = [1, 1]} : vector<8192x32xf32> to vector<512x32xf32>
    %max3A_122 = arith.maximumf %max3A_120, %slice3A_121 : vector<512x32xf32>
    %slice3A_123 = vector.extract_strided_slice %mul3A_113 {offsets = [2560, 0], sizes = [512, 32], strides = [1, 1]} : vector<8192x32xf32> to vector<512x32xf32>
    %max3A_124 = arith.maximumf %max3A_122, %slice3A_123 : vector<512x32xf32>
    %slice3A_125 = vector.extract_strided_slice %mul3A_113 {offsets = [3072, 0], sizes = [512, 32], strides = [1, 1]} : vector<8192x32xf32> to vector<512x32xf32>
    %max3A_126 = arith.maximumf %max3A_124, %slice3A_125 : vector<512x32xf32>
    %slice3A_127 = vector.extract_strided_slice %mul3A_113 {offsets = [3584, 0], sizes = [512, 32], strides = [1, 1]} : vector<8192x32xf32> to vector<512x32xf32>
    %max3A_128 = arith.maximumf %max3A_126, %slice3A_127 : vector<512x32xf32>
    %slice3A_129 = vector.extract_strided_slice %mul3A_113 {offsets = [4096, 0], sizes = [512, 32], strides = [1, 1]} : vector<8192x32xf32> to vector<512x32xf32>
    %max3A_130 = arith.maximumf %max3A_128, %slice3A_129 : vector<512x32xf32>
    %slice3A_131 = vector.extract_strided_slice %mul3A_113 {offsets = [4608, 0], sizes = [512, 32], strides = [1, 1]} : vector<8192x32xf32> to vector<512x32xf32>
    %max3A_132 = arith.maximumf %max3A_130, %slice3A_131 : vector<512x32xf32>
    %slice3A_133 = vector.extract_strided_slice %mul3A_113 {offsets = [5120, 0], sizes = [512, 32], strides = [1, 1]} : vector<8192x32xf32> to vector<512x32xf32>
    %max3A_134 = arith.maximumf %max3A_132, %slice3A_133 : vector<512x32xf32>
    %slice3A_135 = vector.extract_strided_slice %mul3A_113 {offsets = [5632, 0], sizes = [512, 32], strides = [1, 1]} : vector<8192x32xf32> to vector<512x32xf32>
    %max3A_136 = arith.maximumf %max3A_134, %slice3A_135 : vector<512x32xf32>
    %slice3A_137 = vector.extract_strided_slice %mul3A_113 {offsets = [6144, 0], sizes = [512, 32], strides = [1, 1]} : vector<8192x32xf32> to vector<512x32xf32>
    %max3A_138 = arith.maximumf %max3A_136, %slice3A_137 : vector<512x32xf32>
    %slice3A_139 = vector.extract_strided_slice %mul3A_113 {offsets = [6656, 0], sizes = [512, 32], strides = [1, 1]} : vector<8192x32xf32> to vector<512x32xf32>
    %max3A_140 = arith.maximumf %max3A_138, %slice3A_139 : vector<512x32xf32>
    %slice3A_141 = vector.extract_strided_slice %mul3A_113 {offsets = [7168, 0], sizes = [512, 32], strides = [1, 1]} : vector<8192x32xf32> to vector<512x32xf32>
    %max3A_142 = arith.maximumf %max3A_140, %slice3A_141 : vector<512x32xf32>
    %slice3A_143 = vector.extract_strided_slice %mul3A_113 {offsets = [7680, 0], sizes = [512, 32], strides = [1, 1]} : vector<8192x32xf32> to vector<512x32xf32>
    %max3A_144 = arith.maximumf %max3A_142, %slice3A_143 : vector<512x32xf32>
    %slice3A_145 = vector.extract_strided_slice %get3A_1 {offsets = [0, 3], sizes = [8192, 1], strides = [1, 1]} : vector<8192x128xf32> to vector<8192x1xf32>
    %mul3A_146 = vector.broadcast %slice3A_145 : vector<8192x1xf32> to vector<8192x32xf32>
    %mul3A_147 = arith.mulf %dot_general3A_31, %mul3A_146 : vector<8192x32xf32>
    %mul3A_148 = vector.broadcast %get3A_37 : vector<1x32xf32> to vector<8192x32xf32>
    %mul3A_149 = arith.mulf %mul3A_147, %mul3A_148 : vector<8192x32xf32>
    %slice3A_150 = vector.extract_strided_slice %mul3A_149 {offsets = [0, 0], sizes = [512, 32], strides = [1, 1]} : vector<8192x32xf32> to vector<512x32xf32>
    %slice3A_151 = vector.extract_strided_slice %mul3A_149 {offsets = [512, 0], sizes = [512, 32], strides = [1, 1]} : vector<8192x32xf32> to vector<512x32xf32>
    %max3A_152 = arith.maximumf %slice3A_150, %slice3A_151 : vector<512x32xf32>
    %slice3A_153 = vector.extract_strided_slice %mul3A_149 {offsets = [1024, 0], sizes = [512, 32], strides = [1, 1]} : vector<8192x32xf32> to vector<512x32xf32>
    %max3A_154 = arith.maximumf %max3A_152, %slice3A_153 : vector<512x32xf32>
    %slice3A_155 = vector.extract_strided_slice %mul3A_149 {offsets = [1536, 0], sizes = [512, 32], strides = [1, 1]} : vector<8192x32xf32> to vector<512x32xf32>
    %max3A_156 = arith.maximumf %max3A_154, %slice3A_155 : vector<512x32xf32>
    %slice3A_157 = vector.extract_strided_slice %mul3A_149 {offsets = [2048, 0], sizes = [512, 32], strides = [1, 1]} : vector<8192x32xf32> to vector<512x32xf32>
    %max3A_158 = arith.maximumf %max3A_156, %slice3A_157 : vector<512x32xf32>
    %slice3A_159 = vector.extract_strided_slice %mul3A_149 {offsets = [2560, 0], sizes = [512, 32], strides = [1, 1]} : vector<8192x32xf32> to vector<512x32xf32>
    %max3A_160 = arith.maximumf %max3A_158, %slice3A_159 : vector<512x32xf32>
    %slice3A_161 = vector.extract_strided_slice %mul3A_149 {offsets = [3072, 0], sizes = [512, 32], strides = [1, 1]} : vector<8192x32xf32> to vector<512x32xf32>
    %max3A_162 = arith.maximumf %max3A_160, %slice3A_161 : vector<512x32xf32>
    %slice3A_163 = vector.extract_strided_slice %mul3A_149 {offsets = [3584, 0], sizes = [512, 32], strides = [1, 1]} : vector<8192x32xf32> to vector<512x32xf32>
    %max3A_164 = arith.maximumf %max3A_162, %slice3A_163 : vector<512x32xf32>
    %slice3A_165 = vector.extract_strided_slice %mul3A_149 {offsets = [4096, 0], sizes = [512, 32], strides = [1, 1]} : vector<8192x32xf32> to vector<512x32xf32>
    %max3A_166 = arith.maximumf %max3A_164, %slice3A_165 : vector<512x32xf32>
    %slice3A_167 = vector.extract_strided_slice %mul3A_149 {offsets = [4608, 0], sizes = [512, 32], strides = [1, 1]} : vector<8192x32xf32> to vector<512x32xf32>
    %max3A_168 = arith.maximumf %max3A_166, %slice3A_167 : vector<512x32xf32>
    %slice3A_169 = vector.extract_strided_slice %mul3A_149 {offsets = [5120, 0], sizes = [512, 32], strides = [1, 1]} : vector<8192x32xf32> to vector<512x32xf32>
    %max3A_170 = arith.maximumf %max3A_168, %slice3A_169 : vector<512x32xf32>
    %slice3A_171 = vector.extract_strided_slice %mul3A_149 {offsets = [5632, 0], sizes = [512, 32], strides = [1, 1]} : vector<8192x32xf32> to vector<512x32xf32>
    %max3A_172 = arith.maximumf %max3A_170, %slice3A_171 : vector<512x32xf32>
    %slice3A_173 = vector.extract_strided_slice %mul3A_149 {offsets = [6144, 0], sizes = [512, 32], strides = [1, 1]} : vector<8192x32xf32> to vector<512x32xf32>
    %max3A_174 = arith.maximumf %max3A_172, %slice3A_173 : vector<512x32xf32>
    %slice3A_175 = vector.extract_strided_slice %mul3A_149 {offsets = [6656, 0], sizes = [512, 32], strides = [1, 1]} : vector<8192x32xf32> to vector<512x32xf32>
    %max3A_176 = arith.maximumf %max3A_174, %slice3A_175 : vector<512x32xf32>
    %slice3A_177 = vector.extract_strided_slice %mul3A_149 {offsets = [7168, 0], sizes = [512, 32], strides = [1, 1]} : vector<8192x32xf32> to vector<512x32xf32>
    %max3A_178 = arith.maximumf %max3A_176, %slice3A_177 : vector<512x32xf32>
    %slice3A_179 = vector.extract_strided_slice %mul3A_149 {offsets = [7680, 0], sizes = [512, 32], strides = [1, 1]} : vector<8192x32xf32> to vector<512x32xf32>
    %max3A_180 = arith.maximumf %max3A_178, %slice3A_179 : vector<512x32xf32>
    %get3A_181 = arith.constant 0 : index
    %get3A_182 = arith.constant 0 : index
    %get3A_183 = vector.load %arg6[%get3A_181, %get3A_182] : memref<32x32xf32, #tpu.memory_space<vmem>>, vector<32x32xf32>
    %get3A_184 = arith.constant 0 : index
    %get3A_185 = arith.constant 0 : index
    %get3A_186 = vector.load %arg7[%get3A_184, %get3A_185] : memref<32x32xf32, #tpu.memory_space<vmem>>, vector<32x32xf32>
    %dot_general3A_187 = arith.constant dense<0.000000e+00> : vector<512x32xf32>
    %dot_general3A_188 = tpu.matmul %max3A_72, %get3A_183, %dot_general3A_187 {dimension_numbers = #tpu.dot_dimension_numbers<[1], [0], [0], [1], [0, 0, 1, 1], [], []>, transpose_lhs_hint = false} : vector<512x32xf32>, vector<32x32xf32>, vector<512x32xf32> -> vector<512x32xf32>
    %dot_general3A_189 = arith.constant dense<0.000000e+00> : vector<512x32xf32>
    %dot_general3A_190 = tpu.matmul %max3A_108, %get3A_186, %dot_general3A_189 {dimension_numbers = #tpu.dot_dimension_numbers<[1], [0], [0], [1], [0, 0, 1, 1], [], []>, transpose_lhs_hint = false} : vector<512x32xf32>, vector<32x32xf32>, vector<512x32xf32> -> vector<512x32xf32>
    %dot_general3A_191 = arith.constant dense<0.000000e+00> : vector<512x32xf32>
    %dot_general3A_192 = tpu.matmul %max3A_144, %get3A_186, %dot_general3A_191 {dimension_numbers = #tpu.dot_dimension_numbers<[1], [0], [0], [1], [0, 0, 1, 1], [], []>, transpose_lhs_hint = false} : vector<512x32xf32>, vector<32x32xf32>, vector<512x32xf32> -> vector<512x32xf32>
    %dot_general3A_193 = arith.constant dense<0.000000e+00> : vector<512x32xf32>
    %dot_general3A_194 = tpu.matmul %max3A_180, %get3A_186, %dot_general3A_193 {dimension_numbers = #tpu.dot_dimension_numbers<[1], [0], [0], [1], [0, 0, 1, 1], [], []>, transpose_lhs_hint = false} : vector<512x32xf32>, vector<32x32xf32>, vector<512x32xf32> -> vector<512x32xf32>
    %concatenate3A = tpu.concatenate %dot_general3A_188, %dot_general3A_190, %dot_general3A_192, %dot_general3A_194 in 1 : vector<512x32xf32>, vector<512x32xf32>, vector<512x32xf32>, vector<512x32xf32> -> vector<512x128xf32>
    %swap3A = arith.constant 0 : index
    %swap3A_195 = arith.constant 0 : index
    %swap3A_196 = vector.load %arg8[%swap3A, %swap3A_195] : memref<512x128xf32, #tpu.memory_space<vmem>>, vector<512x128xf32>
    tpu.vector_store %arg8[%swap3A, %swap3A_195], %concatenate3A {strides = array<i32>} : memref<512x128xf32, #tpu.memory_space<vmem>>, vector<512x128xf32>,
    return
  }
}

module attributes {stable_mosaic.version = 14 : i64} {
  func.func @_stage1_body(%arg0: memref<512x128xf32, #tpu.memory_space<vmem>>, %arg1: memref<2048x1xi32, #tpu.memory_space<vmem>>, %arg2: memref<2048x1xf32, #tpu.memory_space<vmem>>, %arg3: memref<32x64xf32, #tpu.memory_space<vmem>>, %arg4: memref<64x32xf32, #tpu.memory_space<vmem>>, %arg5: memref<32x32xf32, #tpu.memory_space<vmem>>, %arg6: memref<32x32xf32, #tpu.memory_space<vmem>>, %arg7: memref<64x128xf32, #tpu.memory_space<vmem>>, %arg8: memref<1x128xf32, #tpu.memory_space<vmem>>, %arg9: memref<128x64xf32, #tpu.memory_space<vmem>>, %arg10: memref<1x64xf32, #tpu.memory_space<vmem>>, %arg11: memref<64x40xf32, #tpu.memory_space<vmem>>, %arg12: memref<1x40xf32, #tpu.memory_space<vmem>>, %arg13: memref<1x40xf32, #tpu.memory_space<vmem>>) attributes {dimension_semantics = [], scalar_prefetch = 0 : i64, scratch_operands = 0 : i64, tpu.core_type = #tpu.core_type<tc>} {
    %get3A = arith.constant 0 : index
    %get3A_0 = arith.constant 0 : index
    %get3A_1 = vector.load %arg0[%get3A, %get3A_0] : memref<512x128xf32, #tpu.memory_space<vmem>>, vector<512x128xf32>
    %get3A_2 = arith.constant 0 : index
    %get3A_3 = arith.constant 0 : index
    %get3A_4 = vector.load %arg1[%get3A_2, %get3A_3] : memref<2048x1xi32, #tpu.memory_space<vmem>>, vector<2048x1xi32>
    %iota3A = tpu.iota {dimensions = array<i32: 1>} : vector<1x512xi32>
    %eq3A = vector.broadcast %get3A_4 : vector<2048x1xi32> to vector<2048x512xi32>
    %eq3A_5 = vector.broadcast %iota3A : vector<1x512xi32> to vector<2048x512xi32>
    %eq3A_6 = arith.cmpi eq, %eq3A, %eq3A_5 : vector<2048x512xi32>
    %convert_element_type3A = arith.extui %eq3A_6 : vector<2048x512xi1> to vector<2048x512xi32>
    %convert_element_type3A_7 = arith.sitofp %convert_element_type3A : vector<2048x512xi32> to vector<2048x512xf32>
    %dot_general3A = arith.constant dense<0.000000e+00> : vector<2048x128xf32>
    %dot_general3A_8 = tpu.matmul %convert_element_type3A_7, %get3A_1, %dot_general3A {dimension_numbers = #tpu.dot_dimension_numbers<[1], [0], [0], [1], [0, 0, 1, 1], [], []>, transpose_lhs_hint = false} : vector<2048x512xf32>, vector<512x128xf32>, vector<2048x128xf32> -> vector<2048x128xf32>
    %get3A_9 = arith.constant 0 : index
    %get3A_10 = arith.constant 0 : index
    %get3A_11 = vector.load %arg2[%get3A_9, %get3A_10] : memref<2048x1xf32, #tpu.memory_space<vmem>>, vector<2048x1xf32>
    %get3A_12 = arith.constant 0 : index
    %get3A_13 = arith.constant 0 : index
    %get3A_14 = vector.load %arg3[%get3A_12, %get3A_13] : memref<32x64xf32, #tpu.memory_space<vmem>>, vector<32x64xf32>
    %get3A_15 = arith.constant 0 : index
    %get3A_16 = arith.constant 0 : index
    %get3A_17 = vector.load %arg4[%get3A_15, %get3A_16] : memref<64x32xf32, #tpu.memory_space<vmem>>, vector<64x32xf32>
    %sqrt3A = math.sqrt %get3A_11 : vector<2048x1xf32>
    %max3A = arith.constant 9.99999993E-9 : f32
    %max3A_18 = vector.broadcast %max3A : f32 to vector<2048x1xf32>
    %max3A_19 = arith.maximumf %sqrt3A, %max3A_18 : vector<2048x1xf32>
    %iota3A_20 = tpu.iota {dimensions = array<i32: 1>} : vector<1x32xi32>
    %convert_element_type3A_21 = arith.sitofp %iota3A_20 : vector<1x32xi32> to vector<1x32xf32>
    %mul3A = arith.constant 0.0129032256 : f32
    %mul3A_22 = vector.broadcast %mul3A : f32 to vector<1x32xf32>
    %mul3A_23 = arith.mulf %convert_element_type3A_21, %mul3A_22 : vector<1x32xf32>
    %sub3A = vector.broadcast %max3A_19 : vector<2048x1xf32> to vector<2048x32xf32>
    %sub3A_24 = vector.broadcast %mul3A_23 : vector<1x32xf32> to vector<2048x32xf32>
    %sub3A_25 = arith.subf %sub3A, %sub3A_24 : vector<2048x32xf32>
    %mul3A_26 = arith.mulf %sub3A_25, %sub3A_25 : vector<2048x32xf32>
    %mul3A_27 = arith.constant -6.400000e+03 : f32
    %mul3A_28 = vector.broadcast %mul3A_27 : f32 to vector<2048x32xf32>
    %mul3A_29 = arith.mulf %mul3A_28, %mul3A_26 : vector<2048x32xf32>
    %exp3A = math.exp %mul3A_29 : vector<2048x32xf32>
    %dot_general3A_30 = arith.constant dense<0.000000e+00> : vector<2048x64xf32>
    %dot_general3A_31 = tpu.matmul %exp3A, %get3A_14, %dot_general3A_30 {dimension_numbers = #tpu.dot_dimension_numbers<[1], [0], [0], [1], [0, 0, 1, 1], [], []>, transpose_lhs_hint = false} : vector<2048x32xf32>, vector<32x64xf32>, vector<2048x64xf32> -> vector<2048x64xf32>
    %neg3A = arith.constant 0.000000e+00 : f32
    %neg3A_32 = vector.broadcast %neg3A : f32 to vector<2048x64xf32>
    %neg3A_33 = arith.subf %neg3A_32, %dot_general3A_31 : vector<2048x64xf32>
    %exp3A_34 = math.exp %neg3A_33 : vector<2048x64xf32>
    %add3A = arith.constant 1.000000e+00 : f32
    %add3A_35 = vector.broadcast %add3A : f32 to vector<2048x64xf32>
    %add3A_36 = arith.addf %add3A_35, %exp3A_34 : vector<2048x64xf32>
    %div3A = arith.constant 1.000000e+00 : f32
    %div3A_37 = vector.broadcast %div3A : f32 to vector<2048x64xf32>
    %div3A_38 = arith.divf %div3A_37, %add3A_36 : vector<2048x64xf32>
    %mul3A_39 = arith.mulf %dot_general3A_31, %div3A_38 : vector<2048x64xf32>
    %dot_general3A_40 = arith.constant dense<0.000000e+00> : vector<2048x32xf32>
    %dot_general3A_41 = tpu.matmul %mul3A_39, %get3A_17, %dot_general3A_40 {dimension_numbers = #tpu.dot_dimension_numbers<[1], [0], [0], [1], [0, 0, 1, 1], [], []>, transpose_lhs_hint = false} : vector<2048x64xf32>, vector<64x32xf32>, vector<2048x32xf32> -> vector<2048x32xf32>
    %slice3A = vector.extract_strided_slice %dot_general3A_8 {offsets = [0, 0], sizes = [2048, 32], strides = [1, 1]} : vector<2048x128xf32> to vector<2048x32xf32>
    %mul3A_42 = arith.mulf %dot_general3A_41, %slice3A : vector<2048x32xf32>
    %slice3A_43 = vector.extract_strided_slice %mul3A_42 {offsets = [0, 0], sizes = [128, 32], strides = [1, 1]} : vector<2048x32xf32> to vector<128x32xf32>
    %slice3A_44 = vector.extract_strided_slice %mul3A_42 {offsets = [128, 0], sizes = [128, 32], strides = [1, 1]} : vector<2048x32xf32> to vector<128x32xf32>
    %max3A_45 = arith.maximumf %slice3A_43, %slice3A_44 : vector<128x32xf32>
    %slice3A_46 = vector.extract_strided_slice %mul3A_42 {offsets = [256, 0], sizes = [128, 32], strides = [1, 1]} : vector<2048x32xf32> to vector<128x32xf32>
    %max3A_47 = arith.maximumf %max3A_45, %slice3A_46 : vector<128x32xf32>
    %slice3A_48 = vector.extract_strided_slice %mul3A_42 {offsets = [384, 0], sizes = [128, 32], strides = [1, 1]} : vector<2048x32xf32> to vector<128x32xf32>
    %max3A_49 = arith.maximumf %max3A_47, %slice3A_48 : vector<128x32xf32>
    %slice3A_50 = vector.extract_strided_slice %mul3A_42 {offsets = [512, 0], sizes = [128, 32], strides = [1, 1]} : vector<2048x32xf32> to vector<128x32xf32>
    %max3A_51 = arith.maximumf %max3A_49, %slice3A_50 : vector<128x32xf32>
    %slice3A_52 = vector.extract_strided_slice %mul3A_42 {offsets = [640, 0], sizes = [128, 32], strides = [1, 1]} : vector<2048x32xf32> to vector<128x32xf32>
    %max3A_53 = arith.maximumf %max3A_51, %slice3A_52 : vector<128x32xf32>
    %slice3A_54 = vector.extract_strided_slice %mul3A_42 {offsets = [768, 0], sizes = [128, 32], strides = [1, 1]} : vector<2048x32xf32> to vector<128x32xf32>
    %max3A_55 = arith.maximumf %max3A_53, %slice3A_54 : vector<128x32xf32>
    %slice3A_56 = vector.extract_strided_slice %mul3A_42 {offsets = [896, 0], sizes = [128, 32], strides = [1, 1]} : vector<2048x32xf32> to vector<128x32xf32>
    %max3A_57 = arith.maximumf %max3A_55, %slice3A_56 : vector<128x32xf32>
    %slice3A_58 = vector.extract_strided_slice %mul3A_42 {offsets = [1024, 0], sizes = [128, 32], strides = [1, 1]} : vector<2048x32xf32> to vector<128x32xf32>
    %max3A_59 = arith.maximumf %max3A_57, %slice3A_58 : vector<128x32xf32>
    %slice3A_60 = vector.extract_strided_slice %mul3A_42 {offsets = [1152, 0], sizes = [128, 32], strides = [1, 1]} : vector<2048x32xf32> to vector<128x32xf32>
    %max3A_61 = arith.maximumf %max3A_59, %slice3A_60 : vector<128x32xf32>
    %slice3A_62 = vector.extract_strided_slice %mul3A_42 {offsets = [1280, 0], sizes = [128, 32], strides = [1, 1]} : vector<2048x32xf32> to vector<128x32xf32>
    %max3A_63 = arith.maximumf %max3A_61, %slice3A_62 : vector<128x32xf32>
    %slice3A_64 = vector.extract_strided_slice %mul3A_42 {offsets = [1408, 0], sizes = [128, 32], strides = [1, 1]} : vector<2048x32xf32> to vector<128x32xf32>
    %max3A_65 = arith.maximumf %max3A_63, %slice3A_64 : vector<128x32xf32>
    %slice3A_66 = vector.extract_strided_slice %mul3A_42 {offsets = [1536, 0], sizes = [128, 32], strides = [1, 1]} : vector<2048x32xf32> to vector<128x32xf32>
    %max3A_67 = arith.maximumf %max3A_65, %slice3A_66 : vector<128x32xf32>
    %slice3A_68 = vector.extract_strided_slice %mul3A_42 {offsets = [1664, 0], sizes = [128, 32], strides = [1, 1]} : vector<2048x32xf32> to vector<128x32xf32>
    %max3A_69 = arith.maximumf %max3A_67, %slice3A_68 : vector<128x32xf32>
    %slice3A_70 = vector.extract_strided_slice %mul3A_42 {offsets = [1792, 0], sizes = [128, 32], strides = [1, 1]} : vector<2048x32xf32> to vector<128x32xf32>
    %max3A_71 = arith.maximumf %max3A_69, %slice3A_70 : vector<128x32xf32>
    %slice3A_72 = vector.extract_strided_slice %mul3A_42 {offsets = [1920, 0], sizes = [128, 32], strides = [1, 1]} : vector<2048x32xf32> to vector<128x32xf32>
    %max3A_73 = arith.maximumf %max3A_71, %slice3A_72 : vector<128x32xf32>
    %slice3A_74 = vector.extract_strided_slice %dot_general3A_8 {offsets = [0, 32], sizes = [2048, 32], strides = [1, 1]} : vector<2048x128xf32> to vector<2048x32xf32>
    %mul3A_75 = arith.mulf %dot_general3A_41, %slice3A_74 : vector<2048x32xf32>
    %slice3A_76 = vector.extract_strided_slice %mul3A_75 {offsets = [0, 0], sizes = [128, 32], strides = [1, 1]} : vector<2048x32xf32> to vector<128x32xf32>
    %slice3A_77 = vector.extract_strided_slice %mul3A_75 {offsets = [128, 0], sizes = [128, 32], strides = [1, 1]} : vector<2048x32xf32> to vector<128x32xf32>
    %max3A_78 = arith.maximumf %slice3A_76, %slice3A_77 : vector<128x32xf32>
    %slice3A_79 = vector.extract_strided_slice %mul3A_75 {offsets = [256, 0], sizes = [128, 32], strides = [1, 1]} : vector<2048x32xf32> to vector<128x32xf32>
    %max3A_80 = arith.maximumf %max3A_78, %slice3A_79 : vector<128x32xf32>
    %slice3A_81 = vector.extract_strided_slice %mul3A_75 {offsets = [384, 0], sizes = [128, 32], strides = [1, 1]} : vector<2048x32xf32> to vector<128x32xf32>
    %max3A_82 = arith.maximumf %max3A_80, %slice3A_81 : vector<128x32xf32>
    %slice3A_83 = vector.extract_strided_slice %mul3A_75 {offsets = [512, 0], sizes = [128, 32], strides = [1, 1]} : vector<2048x32xf32> to vector<128x32xf32>
    %max3A_84 = arith.maximumf %max3A_82, %slice3A_83 : vector<128x32xf32>
    %slice3A_85 = vector.extract_strided_slice %mul3A_75 {offsets = [640, 0], sizes = [128, 32], strides = [1, 1]} : vector<2048x32xf32> to vector<128x32xf32>
    %max3A_86 = arith.maximumf %max3A_84, %slice3A_85 : vector<128x32xf32>
    %slice3A_87 = vector.extract_strided_slice %mul3A_75 {offsets = [768, 0], sizes = [128, 32], strides = [1, 1]} : vector<2048x32xf32> to vector<128x32xf32>
    %max3A_88 = arith.maximumf %max3A_86, %slice3A_87 : vector<128x32xf32>
    %slice3A_89 = vector.extract_strided_slice %mul3A_75 {offsets = [896, 0], sizes = [128, 32], strides = [1, 1]} : vector<2048x32xf32> to vector<128x32xf32>
    %max3A_90 = arith.maximumf %max3A_88, %slice3A_89 : vector<128x32xf32>
    %slice3A_91 = vector.extract_strided_slice %mul3A_75 {offsets = [1024, 0], sizes = [128, 32], strides = [1, 1]} : vector<2048x32xf32> to vector<128x32xf32>
    %max3A_92 = arith.maximumf %max3A_90, %slice3A_91 : vector<128x32xf32>
    %slice3A_93 = vector.extract_strided_slice %mul3A_75 {offsets = [1152, 0], sizes = [128, 32], strides = [1, 1]} : vector<2048x32xf32> to vector<128x32xf32>
    %max3A_94 = arith.maximumf %max3A_92, %slice3A_93 : vector<128x32xf32>
    %slice3A_95 = vector.extract_strided_slice %mul3A_75 {offsets = [1280, 0], sizes = [128, 32], strides = [1, 1]} : vector<2048x32xf32> to vector<128x32xf32>
    %max3A_96 = arith.maximumf %max3A_94, %slice3A_95 : vector<128x32xf32>
    %slice3A_97 = vector.extract_strided_slice %mul3A_75 {offsets = [1408, 0], sizes = [128, 32], strides = [1, 1]} : vector<2048x32xf32> to vector<128x32xf32>
    %max3A_98 = arith.maximumf %max3A_96, %slice3A_97 : vector<128x32xf32>
    %slice3A_99 = vector.extract_strided_slice %mul3A_75 {offsets = [1536, 0], sizes = [128, 32], strides = [1, 1]} : vector<2048x32xf32> to vector<128x32xf32>
    %max3A_100 = arith.maximumf %max3A_98, %slice3A_99 : vector<128x32xf32>
    %slice3A_101 = vector.extract_strided_slice %mul3A_75 {offsets = [1664, 0], sizes = [128, 32], strides = [1, 1]} : vector<2048x32xf32> to vector<128x32xf32>
    %max3A_102 = arith.maximumf %max3A_100, %slice3A_101 : vector<128x32xf32>
    %slice3A_103 = vector.extract_strided_slice %mul3A_75 {offsets = [1792, 0], sizes = [128, 32], strides = [1, 1]} : vector<2048x32xf32> to vector<128x32xf32>
    %max3A_104 = arith.maximumf %max3A_102, %slice3A_103 : vector<128x32xf32>
    %slice3A_105 = vector.extract_strided_slice %mul3A_75 {offsets = [1920, 0], sizes = [128, 32], strides = [1, 1]} : vector<2048x32xf32> to vector<128x32xf32>
    %max3A_106 = arith.maximumf %max3A_104, %slice3A_105 : vector<128x32xf32>
    %slice3A_107 = vector.extract_strided_slice %dot_general3A_8 {offsets = [0, 64], sizes = [2048, 32], strides = [1, 1]} : vector<2048x128xf32> to vector<2048x32xf32>
    %mul3A_108 = arith.mulf %dot_general3A_41, %slice3A_107 : vector<2048x32xf32>
    %slice3A_109 = vector.extract_strided_slice %mul3A_108 {offsets = [0, 0], sizes = [128, 32], strides = [1, 1]} : vector<2048x32xf32> to vector<128x32xf32>
    %slice3A_110 = vector.extract_strided_slice %mul3A_108 {offsets = [128, 0], sizes = [128, 32], strides = [1, 1]} : vector<2048x32xf32> to vector<128x32xf32>
    %max3A_111 = arith.maximumf %slice3A_109, %slice3A_110 : vector<128x32xf32>
    %slice3A_112 = vector.extract_strided_slice %mul3A_108 {offsets = [256, 0], sizes = [128, 32], strides = [1, 1]} : vector<2048x32xf32> to vector<128x32xf32>
    %max3A_113 = arith.maximumf %max3A_111, %slice3A_112 : vector<128x32xf32>
    %slice3A_114 = vector.extract_strided_slice %mul3A_108 {offsets = [384, 0], sizes = [128, 32], strides = [1, 1]} : vector<2048x32xf32> to vector<128x32xf32>
    %max3A_115 = arith.maximumf %max3A_113, %slice3A_114 : vector<128x32xf32>
    %slice3A_116 = vector.extract_strided_slice %mul3A_108 {offsets = [512, 0], sizes = [128, 32], strides = [1, 1]} : vector<2048x32xf32> to vector<128x32xf32>
    %max3A_117 = arith.maximumf %max3A_115, %slice3A_116 : vector<128x32xf32>
    %slice3A_118 = vector.extract_strided_slice %mul3A_108 {offsets = [640, 0], sizes = [128, 32], strides = [1, 1]} : vector<2048x32xf32> to vector<128x32xf32>
    %max3A_119 = arith.maximumf %max3A_117, %slice3A_118 : vector<128x32xf32>
    %slice3A_120 = vector.extract_strided_slice %mul3A_108 {offsets = [768, 0], sizes = [128, 32], strides = [1, 1]} : vector<2048x32xf32> to vector<128x32xf32>
    %max3A_121 = arith.maximumf %max3A_119, %slice3A_120 : vector<128x32xf32>
    %slice3A_122 = vector.extract_strided_slice %mul3A_108 {offsets = [896, 0], sizes = [128, 32], strides = [1, 1]} : vector<2048x32xf32> to vector<128x32xf32>
    %max3A_123 = arith.maximumf %max3A_121, %slice3A_122 : vector<128x32xf32>
    %slice3A_124 = vector.extract_strided_slice %mul3A_108 {offsets = [1024, 0], sizes = [128, 32], strides = [1, 1]} : vector<2048x32xf32> to vector<128x32xf32>
    %max3A_125 = arith.maximumf %max3A_123, %slice3A_124 : vector<128x32xf32>
    %slice3A_126 = vector.extract_strided_slice %mul3A_108 {offsets = [1152, 0], sizes = [128, 32], strides = [1, 1]} : vector<2048x32xf32> to vector<128x32xf32>
    %max3A_127 = arith.maximumf %max3A_125, %slice3A_126 : vector<128x32xf32>
    %slice3A_128 = vector.extract_strided_slice %mul3A_108 {offsets = [1280, 0], sizes = [128, 32], strides = [1, 1]} : vector<2048x32xf32> to vector<128x32xf32>
    %max3A_129 = arith.maximumf %max3A_127, %slice3A_128 : vector<128x32xf32>
    %slice3A_130 = vector.extract_strided_slice %mul3A_108 {offsets = [1408, 0], sizes = [128, 32], strides = [1, 1]} : vector<2048x32xf32> to vector<128x32xf32>
    %max3A_131 = arith.maximumf %max3A_129, %slice3A_130 : vector<128x32xf32>
    %slice3A_132 = vector.extract_strided_slice %mul3A_108 {offsets = [1536, 0], sizes = [128, 32], strides = [1, 1]} : vector<2048x32xf32> to vector<128x32xf32>
    %max3A_133 = arith.maximumf %max3A_131, %slice3A_132 : vector<128x32xf32>
    %slice3A_134 = vector.extract_strided_slice %mul3A_108 {offsets = [1664, 0], sizes = [128, 32], strides = [1, 1]} : vector<2048x32xf32> to vector<128x32xf32>
    %max3A_135 = arith.maximumf %max3A_133, %slice3A_134 : vector<128x32xf32>
    %slice3A_136 = vector.extract_strided_slice %mul3A_108 {offsets = [1792, 0], sizes = [128, 32], strides = [1, 1]} : vector<2048x32xf32> to vector<128x32xf32>
    %max3A_137 = arith.maximumf %max3A_135, %slice3A_136 : vector<128x32xf32>
    %slice3A_138 = vector.extract_strided_slice %mul3A_108 {offsets = [1920, 0], sizes = [128, 32], strides = [1, 1]} : vector<2048x32xf32> to vector<128x32xf32>
    %max3A_139 = arith.maximumf %max3A_137, %slice3A_138 : vector<128x32xf32>
    %slice3A_140 = vector.extract_strided_slice %dot_general3A_8 {offsets = [0, 96], sizes = [2048, 32], strides = [1, 1]} : vector<2048x128xf32> to vector<2048x32xf32>
    %mul3A_141 = arith.mulf %dot_general3A_41, %slice3A_140 : vector<2048x32xf32>
    %slice3A_142 = vector.extract_strided_slice %mul3A_141 {offsets = [0, 0], sizes = [128, 32], strides = [1, 1]} : vector<2048x32xf32> to vector<128x32xf32>
    %slice3A_143 = vector.extract_strided_slice %mul3A_141 {offsets = [128, 0], sizes = [128, 32], strides = [1, 1]} : vector<2048x32xf32> to vector<128x32xf32>
    %max3A_144 = arith.maximumf %slice3A_142, %slice3A_143 : vector<128x32xf32>
    %slice3A_145 = vector.extract_strided_slice %mul3A_141 {offsets = [256, 0], sizes = [128, 32], strides = [1, 1]} : vector<2048x32xf32> to vector<128x32xf32>
    %max3A_146 = arith.maximumf %max3A_144, %slice3A_145 : vector<128x32xf32>
    %slice3A_147 = vector.extract_strided_slice %mul3A_141 {offsets = [384, 0], sizes = [128, 32], strides = [1, 1]} : vector<2048x32xf32> to vector<128x32xf32>
    %max3A_148 = arith.maximumf %max3A_146, %slice3A_147 : vector<128x32xf32>
    %slice3A_149 = vector.extract_strided_slice %mul3A_141 {offsets = [512, 0], sizes = [128, 32], strides = [1, 1]} : vector<2048x32xf32> to vector<128x32xf32>
    %max3A_150 = arith.maximumf %max3A_148, %slice3A_149 : vector<128x32xf32>
    %slice3A_151 = vector.extract_strided_slice %mul3A_141 {offsets = [640, 0], sizes = [128, 32], strides = [1, 1]} : vector<2048x32xf32> to vector<128x32xf32>
    %max3A_152 = arith.maximumf %max3A_150, %slice3A_151 : vector<128x32xf32>
    %slice3A_153 = vector.extract_strided_slice %mul3A_141 {offsets = [768, 0], sizes = [128, 32], strides = [1, 1]} : vector<2048x32xf32> to vector<128x32xf32>
    %max3A_154 = arith.maximumf %max3A_152, %slice3A_153 : vector<128x32xf32>
    %slice3A_155 = vector.extract_strided_slice %mul3A_141 {offsets = [896, 0], sizes = [128, 32], strides = [1, 1]} : vector<2048x32xf32> to vector<128x32xf32>
    %max3A_156 = arith.maximumf %max3A_154, %slice3A_155 : vector<128x32xf32>
    %slice3A_157 = vector.extract_strided_slice %mul3A_141 {offsets = [1024, 0], sizes = [128, 32], strides = [1, 1]} : vector<2048x32xf32> to vector<128x32xf32>
    %max3A_158 = arith.maximumf %max3A_156, %slice3A_157 : vector<128x32xf32>
    %slice3A_159 = vector.extract_strided_slice %mul3A_141 {offsets = [1152, 0], sizes = [128, 32], strides = [1, 1]} : vector<2048x32xf32> to vector<128x32xf32>
    %max3A_160 = arith.maximumf %max3A_158, %slice3A_159 : vector<128x32xf32>
    %slice3A_161 = vector.extract_strided_slice %mul3A_141 {offsets = [1280, 0], sizes = [128, 32], strides = [1, 1]} : vector<2048x32xf32> to vector<128x32xf32>
    %max3A_162 = arith.maximumf %max3A_160, %slice3A_161 : vector<128x32xf32>
    %slice3A_163 = vector.extract_strided_slice %mul3A_141 {offsets = [1408, 0], sizes = [128, 32], strides = [1, 1]} : vector<2048x32xf32> to vector<128x32xf32>
    %max3A_164 = arith.maximumf %max3A_162, %slice3A_163 : vector<128x32xf32>
    %slice3A_165 = vector.extract_strided_slice %mul3A_141 {offsets = [1536, 0], sizes = [128, 32], strides = [1, 1]} : vector<2048x32xf32> to vector<128x32xf32>
    %max3A_166 = arith.maximumf %max3A_164, %slice3A_165 : vector<128x32xf32>
    %slice3A_167 = vector.extract_strided_slice %mul3A_141 {offsets = [1664, 0], sizes = [128, 32], strides = [1, 1]} : vector<2048x32xf32> to vector<128x32xf32>
    %max3A_168 = arith.maximumf %max3A_166, %slice3A_167 : vector<128x32xf32>
    %slice3A_169 = vector.extract_strided_slice %mul3A_141 {offsets = [1792, 0], sizes = [128, 32], strides = [1, 1]} : vector<2048x32xf32> to vector<128x32xf32>
    %max3A_170 = arith.maximumf %max3A_168, %slice3A_169 : vector<128x32xf32>
    %slice3A_171 = vector.extract_strided_slice %mul3A_141 {offsets = [1920, 0], sizes = [128, 32], strides = [1, 1]} : vector<2048x32xf32> to vector<128x32xf32>
    %max3A_172 = arith.maximumf %max3A_170, %slice3A_171 : vector<128x32xf32>
    %get3A_173 = arith.constant 0 : index
    %get3A_174 = arith.constant 0 : index
    %get3A_175 = vector.load %arg5[%get3A_173, %get3A_174] : memref<32x32xf32, #tpu.memory_space<vmem>>, vector<32x32xf32>
    %get3A_176 = arith.constant 0 : index
    %get3A_177 = arith.constant 0 : index
    %get3A_178 = vector.load %arg6[%get3A_176, %get3A_177] : memref<32x32xf32, #tpu.memory_space<vmem>>, vector<32x32xf32>
    %dot_general3A_179 = arith.constant dense<0.000000e+00> : vector<128x32xf32>
    %dot_general3A_180 = tpu.matmul %max3A_73, %get3A_175, %dot_general3A_179 {dimension_numbers = #tpu.dot_dimension_numbers<[1], [0], [0], [1], [0, 0, 1, 1], [], []>, transpose_lhs_hint = false} : vector<128x32xf32>, vector<32x32xf32>, vector<128x32xf32> -> vector<128x32xf32>
    %dot_general3A_181 = arith.constant dense<0.000000e+00> : vector<128x32xf32>
    %dot_general3A_182 = tpu.matmul %max3A_106, %get3A_178, %dot_general3A_181 {dimension_numbers = #tpu.dot_dimension_numbers<[1], [0], [0], [1], [0, 0, 1, 1], [], []>, transpose_lhs_hint = false} : vector<128x32xf32>, vector<32x32xf32>, vector<128x32xf32> -> vector<128x32xf32>
    %dot_general3A_183 = arith.constant dense<0.000000e+00> : vector<128x32xf32>
    %dot_general3A_184 = tpu.matmul %max3A_139, %get3A_178, %dot_general3A_183 {dimension_numbers = #tpu.dot_dimension_numbers<[1], [0], [0], [1], [0, 0, 1, 1], [], []>, transpose_lhs_hint = false} : vector<128x32xf32>, vector<32x32xf32>, vector<128x32xf32> -> vector<128x32xf32>
    %dot_general3A_185 = arith.constant dense<0.000000e+00> : vector<128x32xf32>
    %dot_general3A_186 = tpu.matmul %max3A_172, %get3A_178, %dot_general3A_185 {dimension_numbers = #tpu.dot_dimension_numbers<[1], [0], [0], [1], [0, 0, 1, 1], [], []>, transpose_lhs_hint = false} : vector<128x32xf32>, vector<32x32xf32>, vector<128x32xf32> -> vector<128x32xf32>
    %mul3A_187 = arith.mulf %dot_general3A_182, %dot_general3A_182 : vector<128x32xf32>
    %mul3A_188 = arith.mulf %dot_general3A_184, %dot_general3A_184 : vector<128x32xf32>
    %add3A_189 = arith.addf %mul3A_187, %mul3A_188 : vector<128x32xf32>
    %mul3A_190 = arith.mulf %dot_general3A_186, %dot_general3A_186 : vector<128x32xf32>
    %add3A_191 = arith.addf %add3A_189, %mul3A_190 : vector<128x32xf32>
    %sqrt3A_192 = math.sqrt %add3A_191 : vector<128x32xf32>
    %concatenate3A = tpu.concatenate %dot_general3A_180, %sqrt3A_192 in 1 : vector<128x32xf32>, vector<128x32xf32> -> vector<128x64xf32>
    %reduce_max3A = arith.constant dense<0xFF800000> : vector<64xf32>
    %reduce_max3A_193 = vector.multi_reduction <maximumf>, %concatenate3A, %reduce_max3A [0] : vector<128x64xf32> to vector<64xf32>
    %broadcast_in_dim3A = vector.shape_cast %reduce_max3A_193 : vector<64xf32> to vector<1x64xf32>
    %get3A_194 = arith.constant 0 : index
    %get3A_195 = arith.constant 0 : index
    %get3A_196 = vector.load %arg7[%get3A_194, %get3A_195] : memref<64x128xf32, #tpu.memory_space<vmem>>, vector<64x128xf32>
    %dot_general3A_197 = arith.constant dense<0.000000e+00> : vector<1x128xf32>
    %dot_general3A_198 = tpu.matmul %broadcast_in_dim3A, %get3A_196, %dot_general3A_197 {dimension_numbers = #tpu.dot_dimension_numbers<[1], [0], [0], [1], [0, 0, 1, 1], [], []>, transpose_lhs_hint = false} : vector<1x64xf32>, vector<64x128xf32>, vector<1x128xf32> -> vector<1x128xf32>
    %get3A_199 = arith.constant 0 : index
    %get3A_200 = arith.constant 0 : index
    %get3A_201 = vector.load %arg8[%get3A_199, %get3A_200] : memref<1x128xf32, #tpu.memory_space<vmem>>, vector<1x128xf32>
    %add3A_202 = arith.addf %dot_general3A_198, %get3A_201 : vector<1x128xf32>
    %neg3A_203 = arith.constant 0.000000e+00 : f32
    %neg3A_204 = vector.broadcast %neg3A_203 : f32 to vector<1x128xf32>
    %neg3A_205 = arith.subf %neg3A_204, %add3A_202 : vector<1x128xf32>
    %exp3A_206 = math.exp %neg3A_205 : vector<1x128xf32>
    %add3A_207 = arith.constant 1.000000e+00 : f32
    %add3A_208 = vector.broadcast %add3A_207 : f32 to vector<1x128xf32>
    %add3A_209 = arith.addf %add3A_208, %exp3A_206 : vector<1x128xf32>
    %div3A_210 = arith.constant 1.000000e+00 : f32
    %div3A_211 = vector.broadcast %div3A_210 : f32 to vector<1x128xf32>
    %div3A_212 = arith.divf %div3A_211, %add3A_209 : vector<1x128xf32>
    %mul3A_213 = arith.mulf %add3A_202, %div3A_212 : vector<1x128xf32>
    %reduce_sum3A = arith.constant dense<0.000000e+00> : vector<1xf32>
    %reduce_sum3A_214 = vector.multi_reduction <add>, %mul3A_213, %reduce_sum3A [1] : vector<1x128xf32> to vector<1xf32>
    %broadcast_in_dim3A_215 = vector.shape_cast %reduce_sum3A_214 : vector<1xf32> to vector<1x1xf32>
    %div3A_216 = arith.constant 1.280000e+02 : f32
    %div3A_217 = vector.broadcast %div3A_216 : f32 to vector<1x1xf32>
    %div3A_218 = arith.divf %broadcast_in_dim3A_215, %div3A_217 : vector<1x1xf32>
    %sub3A_219 = vector.broadcast %div3A_218 : vector<1x1xf32> to vector<1x128xf32>
    %sub3A_220 = arith.subf %mul3A_213, %sub3A_219 : vector<1x128xf32>
    %sub3A_221 = vector.broadcast %div3A_218 : vector<1x1xf32> to vector<1x128xf32>
    %sub3A_222 = arith.subf %mul3A_213, %sub3A_221 : vector<1x128xf32>
    %mul3A_223 = arith.mulf %sub3A_220, %sub3A_222 : vector<1x128xf32>
    %reduce_sum3A_224 = arith.constant dense<0.000000e+00> : vector<1xf32>
    %reduce_sum3A_225 = vector.multi_reduction <add>, %mul3A_223, %reduce_sum3A_224 [1] : vector<1x128xf32> to vector<1xf32>
    %broadcast_in_dim3A_226 = vector.shape_cast %reduce_sum3A_225 : vector<1xf32> to vector<1x1xf32>
    %div3A_227 = arith.constant 1.280000e+02 : f32
    %div3A_228 = vector.broadcast %div3A_227 : f32 to vector<1x1xf32>
    %div3A_229 = arith.divf %broadcast_in_dim3A_226, %div3A_228 : vector<1x1xf32>
    %sub3A_230 = vector.broadcast %div3A_218 : vector<1x1xf32> to vector<1x128xf32>
    %sub3A_231 = arith.subf %mul3A_213, %sub3A_230 : vector<1x128xf32>
    %add3A_232 = arith.constant 9.99999974E-6 : f32
    %add3A_233 = vector.broadcast %add3A_232 : f32 to vector<1x1xf32>
    %add3A_234 = arith.addf %div3A_229, %add3A_233 : vector<1x1xf32>
    %sqrt3A_235 = math.sqrt %add3A_234 : vector<1x1xf32>
    %div3A_236 = vector.broadcast %sqrt3A_235 : vector<1x1xf32> to vector<1x128xf32>
    %div3A_237 = arith.divf %sub3A_231, %div3A_236 : vector<1x128xf32>
    %get3A_238 = arith.constant 0 : index
    %get3A_239 = arith.constant 0 : index
    %get3A_240 = vector.load %arg9[%get3A_238, %get3A_239] : memref<128x64xf32, #tpu.memory_space<vmem>>, vector<128x64xf32>
    %dot_general3A_241 = arith.constant dense<0.000000e+00> : vector<1x64xf32>
    %dot_general3A_242 = tpu.matmul %div3A_237, %get3A_240, %dot_general3A_241 {dimension_numbers = #tpu.dot_dimension_numbers<[1], [0], [0], [1], [0, 0, 1, 1], [], []>, transpose_lhs_hint = false} : vector<1x128xf32>, vector<128x64xf32>, vector<1x64xf32> -> vector<1x64xf32>
    %get3A_243 = arith.constant 0 : index
    %get3A_244 = arith.constant 0 : index
    %get3A_245 = vector.load %arg10[%get3A_243, %get3A_244] : memref<1x64xf32, #tpu.memory_space<vmem>>, vector<1x64xf32>
    %add3A_246 = arith.addf %dot_general3A_242, %get3A_245 : vector<1x64xf32>
    %neg3A_247 = arith.constant 0.000000e+00 : f32
    %neg3A_248 = vector.broadcast %neg3A_247 : f32 to vector<1x64xf32>
    %neg3A_249 = arith.subf %neg3A_248, %add3A_246 : vector<1x64xf32>
    %exp3A_250 = math.exp %neg3A_249 : vector<1x64xf32>
    %add3A_251 = arith.constant 1.000000e+00 : f32
    %add3A_252 = vector.broadcast %add3A_251 : f32 to vector<1x64xf32>
    %add3A_253 = arith.addf %add3A_252, %exp3A_250 : vector<1x64xf32>
    %div3A_254 = arith.constant 1.000000e+00 : f32
    %div3A_255 = vector.broadcast %div3A_254 : f32 to vector<1x64xf32>
    %div3A_256 = arith.divf %div3A_255, %add3A_253 : vector<1x64xf32>
    %mul3A_257 = arith.mulf %add3A_246, %div3A_256 : vector<1x64xf32>
    %reduce_sum3A_258 = arith.constant dense<0.000000e+00> : vector<1xf32>
    %reduce_sum3A_259 = vector.multi_reduction <add>, %mul3A_257, %reduce_sum3A_258 [1] : vector<1x64xf32> to vector<1xf32>
    %broadcast_in_dim3A_260 = vector.shape_cast %reduce_sum3A_259 : vector<1xf32> to vector<1x1xf32>
    %div3A_261 = arith.constant 6.400000e+01 : f32
    %div3A_262 = vector.broadcast %div3A_261 : f32 to vector<1x1xf32>
    %div3A_263 = arith.divf %broadcast_in_dim3A_260, %div3A_262 : vector<1x1xf32>
    %sub3A_264 = vector.broadcast %div3A_263 : vector<1x1xf32> to vector<1x64xf32>
    %sub3A_265 = arith.subf %mul3A_257, %sub3A_264 : vector<1x64xf32>
    %sub3A_266 = vector.broadcast %div3A_263 : vector<1x1xf32> to vector<1x64xf32>
    %sub3A_267 = arith.subf %mul3A_257, %sub3A_266 : vector<1x64xf32>
    %mul3A_268 = arith.mulf %sub3A_265, %sub3A_267 : vector<1x64xf32>
    %reduce_sum3A_269 = arith.constant dense<0.000000e+00> : vector<1xf32>
    %reduce_sum3A_270 = vector.multi_reduction <add>, %mul3A_268, %reduce_sum3A_269 [1] : vector<1x64xf32> to vector<1xf32>
    %broadcast_in_dim3A_271 = vector.shape_cast %reduce_sum3A_270 : vector<1xf32> to vector<1x1xf32>
    %div3A_272 = arith.constant 6.400000e+01 : f32
    %div3A_273 = vector.broadcast %div3A_272 : f32 to vector<1x1xf32>
    %div3A_274 = arith.divf %broadcast_in_dim3A_271, %div3A_273 : vector<1x1xf32>
    %sub3A_275 = vector.broadcast %div3A_263 : vector<1x1xf32> to vector<1x64xf32>
    %sub3A_276 = arith.subf %mul3A_257, %sub3A_275 : vector<1x64xf32>
    %add3A_277 = arith.constant 9.99999974E-6 : f32
    %add3A_278 = vector.broadcast %add3A_277 : f32 to vector<1x1xf32>
    %add3A_279 = arith.addf %div3A_274, %add3A_278 : vector<1x1xf32>
    %sqrt3A_280 = math.sqrt %add3A_279 : vector<1x1xf32>
    %div3A_281 = vector.broadcast %sqrt3A_280 : vector<1x1xf32> to vector<1x64xf32>
    %div3A_282 = arith.divf %sub3A_276, %div3A_281 : vector<1x64xf32>
    %get3A_283 = arith.constant 0 : index
    %get3A_284 = arith.constant 0 : index
    %get3A_285 = vector.load %arg11[%get3A_283, %get3A_284] : memref<64x40xf32, #tpu.memory_space<vmem>>, vector<64x40xf32>
    %dot_general3A_286 = arith.constant dense<0.000000e+00> : vector<1x40xf32>
    %dot_general3A_287 = tpu.matmul %div3A_282, %get3A_285, %dot_general3A_286 {dimension_numbers = #tpu.dot_dimension_numbers<[1], [0], [0], [1], [0, 0, 1, 1], [], []>, transpose_lhs_hint = false} : vector<1x64xf32>, vector<64x40xf32>, vector<1x40xf32> -> vector<1x40xf32>
    %get3A_288 = arith.constant 0 : index
    %get3A_289 = arith.constant 0 : index
    %get3A_290 = vector.load %arg12[%get3A_288, %get3A_289] : memref<1x40xf32, #tpu.memory_space<vmem>>, vector<1x40xf32>
    %add3A_291 = arith.addf %dot_general3A_287, %get3A_290 : vector<1x40xf32>
    %swap3A = arith.constant 0 : index
    %swap3A_292 = arith.constant 0 : index
    %swap3A_293 = vector.load %arg13[%swap3A, %swap3A_292] : memref<1x40xf32, #tpu.memory_space<vmem>>, vector<1x40xf32>
    tpu.vector_store %arg13[%swap3A, %swap3A_292], %add3A_291 {strides = array<i32>} : memref<1x40xf32, #tpu.memory_space<vmem>>, vector<1x40xf32>,
    return
  }
}

</mosaic_0001>

<sc_bundles>
// kernel: kernel.10.cloned.1.call-start
scs
__scs_entry_jumppad:
0x0: {  	(pc) =	sbr.rel $0x88, $3  }
0x1: {  	(tag) =	ssettag $0x0;
	lr =	simm.s32 $0x1  }
0x2: {  	[smem:$0x3F90] =	sst lr;
	_ =	strace $0xD0000000  }
0x3: {  	_ = 	snop  }
0x4: {  	_ = 	snop  }
0x5: {  	_ = 	snop  }
0x6: {  	_ = 	snop  }
0x7: {  	_ = 	snop  }
__scs_overlays_trampoline_lowered:
0x8: {  	[smem:$0x3F9F] =	sst s0  }
0x9: {  	[smem:$0x3FA0] =	sst s1  }
0xa: {  	[smem:$0x3FA1] =	sst s2  }
0xb: {  	[smem:$0x3FA2] =	sst s3  }
0xc: {  	[smem:$0x3FA3] =	sst s4  }
0xd: {  	[smem:$0x3FA4] =	sst s5  }
0xe: {  	[smem:$0x3FA5] =	sst s6  }
0xf: {  	[smem:$0x3FA6] =	sst s7  }
0x10: {  	[smem:$0x3FA7] =	sst s8  }
0x11: {  	[smem:$0x3FA8] =	sst s9;
	s0 =	simm.s32 @!p0 $0x0  }
0x12: {  	s1 =	sld [smem:$0x3F8E];
	s0 =	simm.s32 @p0 $0x1  }
0x13: {  	[smem:$0x3FA9] =	sst s0;
	s0 =	simm.s32 @!p1 $0x0  }
0x14: {  	s2 =	sld [smem:$0x3F8D];
	s0 =	simm.s32 @p1 $0x1  }
0x15: {  	[smem:$0x3FAA] =	sst s0;
	s0 =	simm.s32 @!p2 $0x0  }
0x16: {  	s3 =	sld [smem:$0x3FDB];
	s0 =	simm.s32 @p2 $0x1  }
0x17: {  	s4 =	simm.s32 $0x1BF5;
	[smem:$0x3FAC] =	sst s0  }
0x18: {  	s0 =	sld [smem:$0x3F8F];
	_ =	swait.ge [sflag:s4], $0x0  }
0x19: {  	s7 =	sld [smem:$0x3F90]  }
0x1a: {  	s8 =	sadd.s32 $0xFFFFE003, lr  }
0x1b: {  	s9 =	sadd.s32 $0xFFFFFEF7, lr;
	s5 =	simm.s32 $0xFFFFFFFF;
	p2 =	slt.u32 s8, $0xFFFFF086  }
0x1c: {  	p1 =	slt.u32 s9, $0xF7A;
	s5 =	simm.s32 @!p2 $0x0  }
0x1d: {  	s5 =	simm.s32 @p1 $0x1;
	p0 =	seq.s32 s7, s2  }
0x1e: {  	s7 =	smul.u32 @!p0 $0xF7A, s2;
	p2 =	seq.s32 @!p0 s5, $0x0  }
0x1f: {  	s9 =	smul.u32 $0xF7A, s1;
	s8 =	simm.s32 @!p0 $0x1BF5;
	p2 =	por !p2, p0  }
0x20: {  	[sflag:s8] =	ssyncset.s32 @!p0 $0xFFFFF086;
	s6 =	sadd.s32 @!p0 s3, s7;
	s7 =	simm.s32 @!p0 $0x108  }
0x21: {  	s3 =	sadd.s32 s3, s9;
	s6 =	sadd.s32 @!p0 $0x88, s6;
	s7 =	simm.s32 @p2 $0x1082  }
0x22: {  	[simem:s7], [sflag:s8] =	dma.local @!p0 [hbm:s6], $0xF7A  }
0x23: {  	s9 =	sor.u32 $0xD0000000, s2;
	s6 =	simm.s32 $0x108;
	_ =	swait.ge @!p0 [sflag:s8], $0x0  }
0x24: {  	s3 =	sadd.s32 $0x88, s3;
	s6 =	simm.s32 @!p1 $0x1082;
	[sflag:s4] =	ssyncset.s32 $0xFFFFF086  }
0x25: {  	[simem:s6], [sflag:s4] =	dma.local [hbm:s3], $0xF7A  }
0x26: {  	[smem:$0x3F90] =	sst s1;
	(tag) =	ssettag s2;
	_ =	strace s9  }
0x27: {  	s1 =	sld [smem:$0x3FA0]  }
0x28: {  	s2 =	sld [smem:$0x3FA1]  }
0x29: {  	s4 =	sld [smem:$0x3FA3]  }
0x2a: {  	p0 =	seq.s32 s5, $0x0;
	s5 =	sld [smem:$0x3FA4]  }
0x2b: {  	s6 =	sld [smem:$0x3FA5]  }
0x2c: {  	s7 =	sld [smem:$0x3FA6]  }
0x2d: {  	s3 =	simm.s32 $0x108;
	s8 =	sld [smem:$0x3FA7]  }
0x2e: {  	s3 =	simm.s32 @!p0 $0x1082;
	s9 =	sld [smem:$0x3FA8]  }
0x2f: {  	lr =	sadd.s32 s0, s3;
	s0 =	sld [smem:$0x3F9F]  }
0x30: {  	s3 =	sld [smem:$0x3FA2]  }
0x31: {  	[smem:$0x3FAB] =	sst s10  }
0x32: {  	s10 =	sld [smem:$0x3FA9];
	_ =	sdelay $0x3  }
0x33: {  	p0 =	seq.s32 s10, $0x1;
	s10 =	sld [smem:$0x3FAB];
	_ =	sdelay $0x3  }
0x34: {  	[smem:$0x3FAB] =	sst s10  }
0x35: {  	s10 =	sld [smem:$0x3FAA];
	_ =	sdelay $0x3  }
0x36: {  	p1 =	seq.s32 s10, $0x1;
	s10 =	sld [smem:$0x3FAB];
	_ =	sdelay $0x3  }
0x37: {  	[smem:$0x3FAB] =	sst s10  }
0x38: {  	s10 =	sld [smem:$0x3FAC]  }
0x39: {  	_ = 	snop;
	(pc) =	sbr.ind lr, $3  }
0x3a: {  	_ = 	snop  }
0x3b: {  	_ = 	snop  }
0x3c: {  	p2 =	seq.s32 s10, $0x1;
	s10 =	sld [smem:$0x3FAB]  }
0x3d: {  	_ =	shalt  }
0x3e: {  	_ =	shalt  }
0x3f: {  	_ =	shalt  }
0x40: {  	_ =	shalt  }
0x41: {  	_ =	shalt  }
0x42: {  	_ =	shalt  }
0x43: {  	_ =	shalt  }
0x44: {  	_ =	shalt  }
0x45: {  	_ =	shalt  }
0x46: {  	_ =	shalt  }
0x47: {  	_ =	shalt  }
0x48: {  	_ =	shalt  }
0x49: {  	_ =	shalt  }
0x4a: {  	_ =	shalt  }
0x4b: {  	_ =	shalt  }
0x4c: {  	_ =	shalt  }
0x4d: {  	_ =	shalt  }
0x4e: {  	_ =	shalt  }
0x4f: {  	_ =	shalt  }
0x50: {  	_ =	shalt  }
0x51: {  	_ =	shalt  }
0x52: {  	_ =	shalt  }
0x53: {  	_ =	shalt  }
0x54: {  	_ =	shalt  }
0x55: {  	_ =	shalt  }
0x56: {  	_ =	shalt  }
0x57: {  	_ =	shalt  }
0x58: {  	_ =	shalt  }
0x59: {  	_ =	shalt  }
0x5a: {  	_ =	shalt  }
0x5b: {  	_ =	shalt  }
0x5c: {  	_ =	shalt  }
0x5d: {  	_ =	shalt  }
0x5e: {  	_ =	shalt  }
0x5f: {  	_ =	shalt  }
0x60: {  	_ =	shalt  }
0x61: {  	_ =	shalt  }
0x62: {  	_ =	shalt  }
0x63: {  	_ =	shalt  }
0x64: {  	_ =	shalt  }
0x65: {  	_ =	shalt  }
0x66: {  	_ =	shalt  }
0x67: {  	_ =	shalt  }
0x68: {  	_ =	shalt  }
0x69: {  	_ =	shalt  }
0x6a: {  	_ =	shalt  }
0x6b: {  	_ =	shalt  }
0x6c: {  	_ =	shalt  }
0x6d: {  	_ =	shalt  }
0x6e: {  	_ =	shalt  }
0x6f: {  	_ =	shalt  }
0x70: {  	_ =	shalt  }
0x71: {  	_ =	shalt  }
0x72: {  	_ =	shalt  }
0x73: {  	_ =	shalt  }
0x74: {  	_ =	shalt  }
0x75: {  	_ =	shalt  }
0x76: {  	_ =	shalt  }
0x77: {  	_ =	shalt  }
0x78: {  	_ =	shalt  }
0x79: {  	_ =	shalt  }
0x7a: {  	_ =	shalt  }
0x7b: {  	_ =	shalt  }
0x7c: {  	_ =	shalt  }
0x7d: {  	_ =	shalt  }
0x7e: {  	_ =	shalt  }
0x7f: {  	_ =	shalt  }
0x80: {  	_ =	shalt  }
0x81: {  	_ =	shalt  }
0x82: {  	_ =	shalt  }
0x83: {  	_ =	shalt  }
0x84: {  	_ =	shalt  }
0x85: {  	_ =	shalt  }
0x86: {  	_ =	shalt  }
0x87: {  	_ =	shalt  }
.Lfunc_end0:
.L_simem_size_0:
called_computation_lowered:
.L_overlay_start_0:
0x88: {  	s2 =	sld [smem:$0x3FD9]  }
0x89: {  	s3 =	sld [smem:$0x3FFE];
	_ =	sdelay $0x1  }
0x8a: {  	s1 =	srdreg.scid  }
0x8b: {  	s0 =	sand.u32 $0x1, s1  }
0x8c: {  	s16 =	sshll.u32 s0, $0xA;
	s2 =	sadd.s32 s3, s2  }
0x8d: {  	s2 =	sadd.s32 s2, s16  }
0x8e: {  	[smem:$0x3FB7] =	sst s2  }
0x8f: {  	_ = 	snop  }
0x90: {  	(tm) =	ssettm $0x1  }
0x91: {  	s17 =	sld [smem:$0x3FFB];
	_ =	sdelay $0x3  }
0x92: {  	_ =	strace s17  }
0x93: {  	s2 =	sld [smem:$0x3FFC];
	_ =	sdelay $0x3  }
0x94: {  	_ =	strace s2  }
0x95: {  	s2 =	sld [smem:$0x3FFD];
	_ =	sdelay $0x3  }
0x96: {  	_ =	strace s2  }
0x97: {  	_ =	strace $0x8FFFFFFF  }
0x98: {  	s18 =	sld [smem:$0x3FDB];
	_ =	sdelay $0x1  }
0x99: {  	s19 =	simm.s32 $_scs_section_size  }
0x9a: {  	s4 =	simm.s32 $_size__tile_overlayer_lowered;
	s5 =	simm.s32 $_tile_overlayer_lowered  }
0x9b: {  	s22 =	simm.s32 $0x1BFF;
	s21 =	sshll.u32 s5, $0x1;
	s2 =	sadd.s32 s19, s18  }
0x9c: {  	s6 =	simm.s32 $0x0;
	s20 =	sshll.u32 s4, $0x1;
	s4 =	sadd.s32 s21, s2  }
0x9d: {  	[timem:s6], [sflag:s22] =	dma.local [hbm:s4], s20  }
0x9e: {  	_ =	swait.ge [sflag:s22], s20  }
0x9f: {  	s3 =	ssub.s32 $0x0, s20;
	[sflag:s22] =	ssyncset.done $0x0  }
0xa0: {  	[sflag:s22] =	ssyncadd.s32 s3;
	_ =	sdelay $0x1  }
0xa1: {  	s23 =	simm.s32 $0x1B8B  }
0xa2: {  	_ =	swait.ge [sflag:s23], $0x1  }
0xa3: {  	[sflag:s23] =	ssyncset.done $0x0  }
0xa4: {  	s25 =	simm.s32 $0x1B8E;
	s24 =	sld [smem:$0x3FFE];
	[sflag:s23] =	ssyncadd.s32 $0xFFFFFFFF  }
0xa5: {  	s26 =	simm.s32 $execute0_lowered;
	[smem:$0x3FD2] =	sst s25  }
0xa6: {  	s4 =	sshll.u32 s26, $0x1;
	_ =	strace $0x80000046;
	[dreg:$0x1] =	wrdreg $0xFFFFFFFF  }
0xa7: {  	s28 =	simm.s32 $_size_execute0_lowered;
	s2 =	sadd.s32 s2, s4;
	[dreg:$0x0] =	wrdreg $0x0  }
0xa8: {  	s4 =	sshll.u32 s28, $0x1;
	[dreg:$0x2] =	wrdreg s2  }
0xa9: {  	[dreg:$0x3] =	wrdreg s4  }
0xaa: {  	[dreg:$0x4] =	wrdreg $0xC0  }
0xab: {  	_ =	task [dreg:s6], $0x5FFFF  }
0xac: {  	[dreg:$0x1] =	wrdreg $0xFFFFFFFF  }
0xad: {  	[dreg:$0x0] =	wrdreg $0x60  }
0xae: {  	[dreg:$0x2] =	wrdreg s24  }
0xaf: {  	[dreg:$0x3] =	wrdreg $0x9  }
0xb0: {  	_ =	task.clear_ibuf [dreg:s6], $0x4FFFF;
	_ =	strace $0x90000046  }
0xb1: {  	s29 =	simm.s32 $0x9;
	_ =	strace $0x80000048  }
0xb2: {  	_ =	swait.ge [sflag:s29], $0x1  }
0xb3: {  	[sflag:s29] =	ssyncadd.s32 $0xFFFFFFFF  }
0xb4: {  	_ =	strace $0x90000048  }
0xb5: {  	_ =	sfence  }
0xb6: {  	s30 =	sld [smem:$0x0];
	_ =	sdelay $0x2  }
0xb7: {  	s31 =	sshll.u32 s1, $0xD;
	s1 =	sshrl.u32 s1, $0x2  }
0xb8: {  	s3 =	sand.u32 $0x4000, s31;
	s1 =	sadd.s32 s1, s30  }
0xb9: {  	s0 =	sor.u32 s3, s0;
	s1 =	sshll.u32 s1, $0x11  }
0xba: {  	s0 =	sor.u32 s1, s0  }
0xbb: {  	s0 =	sadd.s32 $0x8F2B, s0  }
0xbc: {  	[sflag:s0] =	ssyncadd.remote.s32 $0x1  }
0xbd: {  	_ =	sfence.sel $0xFFFF  }
0xbe: {  	[dreg:$0x0] =	wrdreg $0xFFFFFFFF;
	(pc) =	sbr.abs _section_cstart, $3  }
0xbf: {  	[dreg:$0x1] =	wrdreg $0xFFFFFFFF  }
0xc0: {  	_ =	task.clear_ibuf [dreg:s6], $0x2FFFF;
	_ =	strace $0x9FFFFFFF  }
0xc1: {  	(tm) =	ssettm $0x7FFFFFFF  }
tec
execute0_lowered:
.L_overlay_start_1:
0x0: {  	(tag) =	ssettag $0x1  }
0x1: {  	s1 =	srdreg.scid  }
0x2: {  	s0 =	stileid.u32;
	s6 =	sand.u32 $0x1, s1  }
0x3: {  	s8 =	rddreg [dreg:$0x0];
	s30 =	sshll.u32 s0, $0x9;
	s2 =	sshll.u32 s6, $0x8  }
0x4: {  	s7 =	simm.s32 $0x1;
	s1 =	rddreg [dreg:$0x1];
	s9 =	sor.u32 s2, s30  }
0x5: {  	s5 =	sadd.s32 $0x2800, s8;
	s2 =	simm.s32 $0x0;
	s3 =	sshrl.u32 s9, $0x3  }
0x6: {  	s10 =	ssub.s32 $0x2, s6;
	[smem:$0x7FF] =	sst s2;
	s3 =	sadd.s32 s3, s8  }
0x7: {  	_ =	strace $0x80000047;
	s4 =	sadd.s32 $0x2400, s3;
	s3 =	simm.s32 $0x2  }
0x8: {  	[tilespmem:s2], [sflag:$0x2] =	stream.linear.gather [hbm4b:s4+s2], $0x100, $0x38;
	[tilespmem:$0x8100] =	vst v63  }
0x9: {  	s6 =	simm.s32 $0x100;
	s11 =	sshrl.u32 s10, $0x1;
	_ =	swait.ge [sflag:s3], $0x100  }
0xa: {  	s9 =	sshll.u32 s9, $0x4;
	s31 =	ssub.s32 s10, s11;
	[sflag:s3] =	ssyncset.done $0x0  }
0xb: {  	s8 =	sadd.s32 s9, s8;
	s9 =	smax.u32 s31, $0x1;
	[sflag:s3] =	ssyncadd.s32 $0xFFFFFF00  }
0xc: {  	[tilespmem:s6], [sflag:$0x1] =	stream.indirect.gather [hbm4b:s5+s6], $0x80, s2, s6, $0xb8;
	[tilespmem:$0x8100] =	vst v63  }
0xd: {  	p0 =	sne.s32 s9, $0x1;
	_ =	swait.ge [sflag:s7], $0x8000  }
.Ltmp0:
0xe: {  	[sflag:s7] =	ssyncset.done $0x0;
	(pc) =	sbr.rel @!p0 .LBB2_2-.Ltmp0, $4  }
0xf: {  	s8 =	sadd.s32 $0x22800, s8;
	[sflag:s7] =	ssyncadd.s32 $0xFFFF8000  }
0x10: {  	[hbm4b:s8+s2] =	stream.linear.scatter [tilespmem:s6], [sflag:$0x2], $0x8000, $0x38;
	[tilespmem:$0x8100] =	vst v63  }
0x11: {  	_ =	swait.ge [sflag:s3], $0x8000  }
0x12: {  	s9 =	sadd.s32 $0xFFFFFFFF, s9;
	[sflag:s3] =	ssyncset.done $0x0  }
.LBB2_1:
0x13: {  	p0 =	sne.s32 s9, $0x1;
	s9 =	sadd.s32 $0xFFFFFFFF, s9;
	[sflag:s3] =	ssyncadd.s32 $0xFFFF8000  }
0x14: {  	[tilespmem:s2], [sflag:$0x2] =	stream.linear.gather [hbm4b:s4+s2], $0x100, $0x38;
	[tilespmem:$0x8100] =	vst v63  }
0x15: {  	_ =	swait.ge [sflag:s3], $0x100  }
0x16: {  	[sflag:s3] =	ssyncset.done $0x0  }
0x17: {  	[sflag:s3] =	ssyncadd.s32 $0xFFFFFF00  }
0x18: {  	[tilespmem:s6], [sflag:$0x1] =	stream.indirect.gather [hbm4b:s5+s6], $0x80, s2, s6, $0xb8;
	[tilespmem:$0x8100] =	vst v63  }
0x19: {  	_ =	swait.ge [sflag:s7], $0x8000  }
.Ltmp1:
0x1a: {  	[sflag:s7] =	ssyncset.done $0x0;
	(pc) =	sbr.rel @p0 .LBB2_1-.Ltmp1, $4  }
0x1b: {  	[sflag:s7] =	ssyncadd.s32 $0xFFFF8000  }
0x1c: {  	[hbm4b:s8+s2] =	stream.linear.scatter [tilespmem:s6], [sflag:$0x2], $0x8000, $0x38;
	[tilespmem:$0x8100] =	vst v63  }
0x1d: {  	_ =	swait.ge [sflag:s3], $0x8000  }
0x1e: {  	[sflag:s3] =	ssyncset.done $0x0  }
.LBB2_2:
0x1f: {  	[sflag:s3] =	ssyncadd.s32 $0xFFFF8000  }
0x20: {  	_ =	sfence.sel $0x180000  }
0x21: {  	[bflag:$0x0] =	sbarrier.arrive $0xFFFF  }
0x22: {  	p0 =	sne.s32 s0, $0x0;
	_ =	strace $0x90000047  }
0x23: {  	s0 =	sadd.s32 @!p0 $0x100000, s1;
	[bflag:$0x2] =	sbarrier.arrive $0xFFFF  }
0x24: {  	[sflag:s0] =	ssyncadd.tile.s32 @!p0 $0x1;
	_ =	shalt  }
.Lfunc_end2:
_tile_overlayer_lowered:
.L_overlay_start_2:
0x25: {  	(tag) =	ssettag $0x2  }
0x26: {  	s0 =	rddreg [dreg:$0x0];
	s2 =	stileid.u32  }
0x27: {  	s1 =	rddreg [dreg:$0x1];
	p0 =	sne.s32 s2, $0x0  }
0x28: {  	s3 =	rddreg [dreg:$0x2];
	[bflag:$0x3] =	sbarrier.arrive $0xFFFF;
	s2 =	simm.s32 @!p0 $0x1C02  }
0x29: {  	[timem:s3], [sflag:s2] =	dma.local @!p0 [hbm:s0], s1  }
0x2a: {  	s0 =	simm.s32 @!p0 $0x2  }
0x2b: {  	_ =	swait.ge @!p0 [sflag:s0], s1  }
0x2c: {  	s1 =	ssub.s32 @!p0 $0x0, s1;
	[sflag:s0] =	ssyncset.done @!p0 $0x0  }
0x2d: {  	[sflag:s0] =	ssyncadd.s32 @!p0 s1  }
0x2e: {  	[bflag:$0x3] =	sbarrier.arrive $0xFFFF  }
0x2f: {  	_ =	shalt  }

</sc_bundles>
